<compile_context>
chip_gen: v7x
topology: tpu7x:2x2x1
jax: 0.10.2.dev20260603
libtpu: 0.0.44.dev20260713+nightly
codegen_flags: <defaults>
</compile_context>

<pallas_src>
import jax
import jax.numpy as jnp
from jax import lax
from jax.experimental import pallas as pl
from jax.experimental.pallas import tpu as pltpu
from jax.experimental.pallas import tpu_sc as plsc

N = 10000
NP = 10240
E = 320000
D = 128
NC, NS, L = 2, 16, 16
NW = NC * NS
EPW = E // NW
DE = 80
DN = EPW // DE
AE = 80
AN = EPW // AE
RPT = NP // NS
TCB = 2048


def _mesh():
    return plsc.VectorSubcoreMesh(
        core_axis_name="c", subcore_axis_name="s",
        num_cores=NC, num_subcores=NS)



def _zero_stripe(zbuf, zrows, acc_sh, s):
    def zfill(r, carry):
        for k in range(D // L):
            zbuf[r, pl.ds(k * L, L)] = jnp.zeros((L,), jnp.float32)
        return carry

    lax.fori_loop(0, zrows, zfill, 0)
    for j in range(RPT // zrows):
        pltpu.sync_copy(zbuf, acc_sh.at[pl.ds(s * RPT + j * zrows, zrows)])


def _deg_body(dst_hbm, out_hbm, dst_v, ones_v, zbuf, deg_sh, sem):
    c = lax.axis_index("c")
    s = lax.axis_index("s")
    wid = c * NS + s

    def fill(r, carry):
        for k in range(D // L):
            ones_v[r, pl.ds(k * L, L)] = jnp.ones((L,), jnp.float32)
        return carry

    lax.fori_loop(0, DE, fill, 0)
    pltpu.sync_copy(dst_hbm.at[wid], dst_v)
    _zero_stripe(zbuf, DE, deg_sh, s)
    plsc.subcore_barrier()

    K = 8
    for i in range(K):
        pltpu.async_copy(ones_v, deg_sh.at[dst_v.at[i]], sem, add=True)

    def body(i, carry):
        pltpu.make_async_copy(ones_v, deg_sh.at[dst_v.at[0]], sem).wait()
        pltpu.async_copy(ones_v, deg_sh.at[dst_v.at[i + K]], sem, add=True)
        return carry

    lax.fori_loop(0, DN - K, body, 0)
    for i in range(K):
        pltpu.make_async_copy(ones_v, deg_sh.at[dst_v.at[0]], sem).wait()
    plsc.subcore_barrier()
    pltpu.sync_copy(deg_sh.at[pl.ds(s * RPT, RPT)],
                    out_hbm.at[pl.ds(c * NP + s * RPT, RPT)])


def _deg_call(dst3):
    f = pl.kernel(
        _deg_body,
        out_type=jax.ShapeDtypeStruct((NC * NP, D), jnp.float32),
        mesh=_mesh(),
        scratch_types=[
            pltpu.VMEM((DN, DE), jnp.int32),
            pltpu.VMEM((DE, D), jnp.float32),
            pltpu.VMEM((DE, D), jnp.float32),
            pltpu.VMEM_SHARED((NP, D), jnp.float32),
            pltpu.SemaphoreType.DMA,
        ],
    )
    return f(dst3)


def _agg_body(hs_hbm, src_hbm, dst_hbm, out_hbm,
              dst_v, src0, src1, rows0, rows1, agg_sh,
              sem0, sem1, semi0, semi1):
    c = lax.axis_index("c")
    s = lax.axis_index("s")
    wid = c * NS + s

    pltpu.sync_copy(dst_hbm.at[wid], dst_v)
    _zero_stripe(rows0, AE, agg_sh, s)
    plsc.subcore_barrier()

    ebase = wid * EPW
    pltpu.sync_copy(src_hbm.at[pl.ds(ebase, AE)], src0)
    pltpu.async_copy(hs_hbm.at[src0], rows0, sem0)
    pltpu.sync_copy(src_hbm.at[pl.ds(ebase + AE, AE)], src1)

    def wait(buf, sem):
        pltpu.make_async_copy(hs_hbm.at[src0], buf, sem).wait()

    def wait_idx(buf, sem):
        pltpu.make_async_copy(src_hbm.at[pl.ds(ebase, AE)], buf, sem).wait()

    def body(t, carry):
        g = 2 * t
        pltpu.async_copy(hs_hbm.at[src1], rows1, sem1)
        wait(rows0, sem0)
        pltpu.async_copy(
            src_hbm.at[pl.ds(ebase + (g + 2) * AE, AE)], src0, semi0)
        pltpu.sync_copy(rows0, agg_sh.at[dst_v.at[g]], add=True)
        wait_idx(src0, semi0)
        pltpu.async_copy(hs_hbm.at[src0], rows0, sem0)
        wait(rows1, sem1)

        @pl.when(g + 3 < AN)
        def _():
            pltpu.async_copy(
                src_hbm.at[pl.ds(ebase + (g + 3) * AE, AE)], src1, semi1)

        pltpu.sync_copy(rows1, agg_sh.at[dst_v.at[g + 1]], add=True)

        @pl.when(g + 3 < AN)
        def _():
            wait_idx(src1, semi1)

        return carry

    lax.fori_loop(0, (AN - 1) // 2, body, 0)
    wait(rows0, sem0)
    pltpu.sync_copy(rows0, agg_sh.at[dst_v.at[AN - 1]], add=True)

    plsc.subcore_barrier()
    pltpu.sync_copy(agg_sh.at[pl.ds(s * RPT, RPT)],
                    out_hbm.at[pl.ds(c * NP + s * RPT, RPT)])


def _agg_call(hs, src, dst3):
    f = pl.kernel(
        _agg_body,
        out_type=jax.ShapeDtypeStruct((NC * NP, D), jnp.float32),
        mesh=_mesh(),
        scratch_types=[
            pltpu.VMEM((AN, AE), jnp.int32),
            pltpu.VMEM((AE,), jnp.int32),
            pltpu.VMEM((AE,), jnp.int32),
            pltpu.VMEM((AE, D), jnp.float32),
            pltpu.VMEM((AE, D), jnp.float32),
            pltpu.VMEM_SHARED((NP, D), jnp.float32),
            pltpu.SemaphoreType.DMA,
            pltpu.SemaphoreType.DMA,
            pltpu.SemaphoreType.DMA,
            pltpu.SemaphoreType.DMA,
        ],
    )
    return f(hs, src, dst3)



def _tc_a_body(x_ref, p_ref, w_ref, hs_ref, dis_ref):
    deg = 1.0 + p_ref[0, :, 0:1] + p_ref[1, :, 0:1]
    dis = lax.rsqrt(deg)
    h = jnp.dot(x_ref[...], w_ref[...], preferred_element_type=jnp.float32)
    hs_ref[...] = dis * h
    dis_ref[...] = dis


def _tc_a(x_pad, degp, W1):
    return pl.pallas_call(
        _tc_a_body,
        grid=(NP // TCB,),
        in_specs=[
            pl.BlockSpec((TCB, D), lambda i: (i, 0)),
            pl.BlockSpec((2, TCB, D), lambda i: (0, i, 0)),
            pl.BlockSpec((D, D), lambda i: (0, 0)),
        ],
        out_specs=[
            pl.BlockSpec((TCB, D), lambda i: (i, 0)),
            pl.BlockSpec((TCB, 1), lambda i: (i, 0)),
        ],
        out_shape=[
            jax.ShapeDtypeStruct((NP, D), jnp.float32),
            jax.ShapeDtypeStruct((NP, 1), jnp.float32),
        ],
    )(x_pad, degp, W1)


def _tc_b_body(p_ref, hs_ref, dis_ref, w_ref, b_ref, out_ref):
    agg = p_ref[0] + p_ref[1] + hs_ref[...]
    o1 = jnp.maximum(dis_ref[...] * agg + b_ref[...], 0.0)
    out_ref[...] = dis_ref[...] * jnp.dot(
        o1, w_ref[...], preferred_element_type=jnp.float32)


def _tc_b(p1, hs1, dis, W2, b1):
    return pl.pallas_call(
        _tc_b_body,
        grid=(NP // TCB,),
        in_specs=[
            pl.BlockSpec((2, TCB, D), lambda i: (0, i, 0)),
            pl.BlockSpec((TCB, D), lambda i: (i, 0)),
            pl.BlockSpec((TCB, 1), lambda i: (i, 0)),
            pl.BlockSpec((D, D), lambda i: (0, 0)),
            pl.BlockSpec((1, D), lambda i: (0, 0)),
        ],
        out_specs=pl.BlockSpec((TCB, D), lambda i: (i, 0)),
        out_shape=jax.ShapeDtypeStruct((NP, D), jnp.float32),
    )(p1, hs1, dis, W2, b1)


def _tc_c_body(p_ref, hs_ref, dis_ref, b_ref, out_ref):
    agg = p_ref[0] + p_ref[1] + hs_ref[...]
    out_ref[...] = dis_ref[...] * agg + b_ref[...]


def _tc_c(p2, hs2, dis, b2):
    return pl.pallas_call(
        _tc_c_body,
        grid=(NP // TCB,),
        in_specs=[
            pl.BlockSpec((2, TCB, D), lambda i: (0, i, 0)),
            pl.BlockSpec((TCB, D), lambda i: (i, 0)),
            pl.BlockSpec((TCB, 1), lambda i: (i, 0)),
            pl.BlockSpec((1, D), lambda i: (0, 0)),
        ],
        out_specs=pl.BlockSpec((TCB, D), lambda i: (i, 0)),
        out_shape=jax.ShapeDtypeStruct((NP, D), jnp.float32),
    )(p2, hs2, dis, b2)



def kernel(x, edge_index, W1, b1, W2, b2):
    ei = edge_index.astype(jnp.int32)
    src = ei[0]
    dst3d = ei[1].reshape(NW, DN, DE)
    dst3a = ei[1].reshape(NW, AN, AE)
    x_pad = jnp.zeros((NP, D), jnp.float32).at[:N].set(x)

    degp = _deg_call(dst3d).reshape(NC, NP, D)
    hs1, dis = _tc_a(x_pad, degp, W1)
    p1 = _agg_call(hs1, src, dst3a).reshape(NC, NP, D)
    hs2 = _tc_b(p1, hs1, dis, W2, b1.reshape(1, D))
    p2 = _agg_call(hs2, src, dst3a).reshape(NC, NP, D)
    out = _tc_c(p2, hs2, dis, b2.reshape(1, D))
    return out[:N]

# --- scband reference (transcript-rebuilt; emitter-appended) ---
"""Pipeline reference for scband-gcn-41850161332531 (READ-ONLY COPY).

The authoritative reference and input builder live on the scoring server;
editing this copy changes nothing except your own understanding.
"""

import jax, jax.numpy as jnp
import numpy as np

N_NODES = 10000
N_EDGES = 320000
D_IN = 128
D_HID = 128
D_OUT = 128


def gcn_conv(x, edge_index, W, b):
    # PyG GCNConv with add_self_loops=True, normalize=True (symmetric norm)
    N = x.shape[0]
    loop = jnp.arange(N, dtype=edge_index.dtype)
    src = jnp.concatenate([edge_index[0], loop])
    dst = jnp.concatenate([edge_index[1], loop])
    # degree computed over destination (col) with unit edge weights
    deg = jnp.zeros((N,), dtype=x.dtype).at[dst].add(1.0)
    deg_inv_sqrt = jnp.where(deg > 0, deg ** -0.5, 0.0)
    norm = deg_inv_sqrt[src] * deg_inv_sqrt[dst]
    h = x @ W  # linear transform (no bias inside lin, bias added after aggregation)
    msg = h[src] * norm[:, None]
    out = jnp.zeros((N, W.shape[1]), dtype=x.dtype).at[dst].add(msg)
    return out + b


def setup_inputs(seed: int = 0) -> dict:
    key = jax.random.key(seed)
    k_x, k_e, k_w1, k_b1, k_w2, k_b2 = jax.random.split(key, 6)
    x = jax.random.normal(k_x, (N_NODES, D_IN), dtype=jnp.float32)
    edge_index = jax.random.randint(k_e, (2, N_EDGES), 0, N_NODES, dtype=jnp.int64)
    s1 = (1.0 / D_IN) ** 0.5
    W1 = jax.random.uniform(k_w1, (D_IN, D_HID), minval=-s1, maxval=s1, dtype=jnp.float32)
    b1 = jax.random.uniform(k_b1, (D_HID,), minval=-s1, maxval=s1, dtype=jnp.float32)
    s2 = (1.0 / D_HID) ** 0.5
    W2 = jax.random.uniform(k_w2, (D_HID, D_OUT), minval=-s2, maxval=s2, dtype=jnp.float32)
    b2 = jax.random.uniform(k_b2, (D_OUT,), minval=-s2, maxval=s2, dtype=jnp.float32)
    return {"x": x, "edge_index": edge_index, "W1": W1, "b1": b1, "W2": W2, "b2": b2}


def reference(x, edge_index, W1, b1, W2, b2):
    # GCN.forward (eval mode: dropout is identity)
    h = gcn_conv(x, edge_index, W1, b1)
    h = jax.nn.relu(h)
    out = gcn_conv(h, edge_index, W2, b2)
    return out

if __name__ == "__main__":
    import jax
    _d = setup_inputs()
    print(jax.jit(kernel)(*tuple(_d.values())))

</pallas_src>

<mosaic_0001>
#map = affine_map<(d0, d1) -> (0, 0)>
#map1 = affine_map<(d0, d1) -> (0)>
#map2 = affine_map<(d0, d1) -> (0, 0, 0)>
module attributes {stable_mosaic.version = 14 : i64} {
  func.func @_agg_body(%arg0: i32, %arg1: i32, %arg2: memref<10240x128xf32, #tpu.memory_space<hbm>>, %arg3: memref<320000xi32, #tpu.memory_space<hbm>>, %arg4: memref<32x125x80xi32, #tpu.memory_space<hbm>>, %arg5: memref<20480x128xf32, #tpu.memory_space<hbm>>, %arg6: memref<125x80xi32, #tpu.memory_space<vmem>>, %arg7: memref<80xi32, #tpu.memory_space<vmem>>, %arg8: memref<80xi32, #tpu.memory_space<vmem>>, %arg9: memref<80x128xf32, #tpu.memory_space<vmem>>, %arg10: memref<80x128xf32, #tpu.memory_space<vmem>>, %arg11: memref<10240x128xf32, #tpu.memory_space<vmem_shared>>, %arg12: memref<!tpu.dma_semaphore, #tpu.memory_space<semaphore_mem>>, %arg13: memref<!tpu.dma_semaphore, #tpu.memory_space<semaphore_mem>>, %arg14: memref<!tpu.dma_semaphore, #tpu.memory_space<semaphore_mem>>, %arg15: memref<!tpu.dma_semaphore, #tpu.memory_space<semaphore_mem>>) attributes {dimension_semantics = [#tpu.dimension_semantics<core_parallel>, #tpu.dimension_semantics<subcore_parallel>], iteration_bounds = array<i64: 2, 16>, scalar_prefetch = 0 : i64, scratch_operands = 10 : i64, tpu.core_type = #tpu.core_type<sc_vector_subcore>, window_params = [{transform_indices = #map}, {transform_indices = #map1}, {transform_indices = #map2}, {transform_indices = #map}]} {
    %mul3A = arith.constant 16 : i32
    %mul3A_0 = arith.muli %arg0, %mul3A : i32
    %add3A = arith.addi %mul3A_0, %arg1 : i32
    "tpu.region"() ({
      %run_scoped3A_60 = tpu.sem_alloc : memref<!tpu.dma_semaphore, #tpu.memory_space<semaphore_mem>>
      %dma_start3A_61 = arith.constant 0 : i32
      %dma_start3A_62 = arith.constant 0 : i32
      %dma_start3A_63 = tpu.memref_slice %arg4[%add3A, %dma_start3A_61, %dma_start3A_62] : memref<32x125x80xi32, #tpu.memory_space<hbm>> -> memref<1x125x80xi32, #tpu.memory_space<hbm>>
      %dma_start3A_64 = tpu.memref_squeeze %dma_start3A_63 : memref<1x125x80xi32, #tpu.memory_space<hbm>> -> memref<125x80xi32, #tpu.memory_space<hbm>>
      %dma_start3A_65 = arith.constant 0 : i32
      %dma_start3A_66 = arith.constant 0 : i32
      %dma_start3A_67 = tpu.memref_slice %arg4[%add3A, %dma_start3A_65, %dma_start3A_66] : memref<32x125x80xi32, #tpu.memory_space<hbm>> -> memref<1x125x80xi32, #tpu.memory_space<hbm>>
      %dma_start3A_68 = tpu.memref_squeeze %dma_start3A_67 : memref<1x125x80xi32, #tpu.memory_space<hbm>> -> memref<125x80xi32, #tpu.memory_space<hbm>>
      tpu.enqueue_dma source(%dma_start3A_68 : memref<125x80xi32, #tpu.memory_space<hbm>>) target(%arg6 : memref<125x80xi32, #tpu.memory_space<vmem>>) target_semaphore(%run_scoped3A_60 : memref<!tpu.dma_semaphore, #tpu.memory_space<semaphore_mem>>)
      %dma_wait3A_69 = arith.constant 0 : i32
      %dma_wait3A_70 = arith.constant 0 : i32
      %dma_wait3A_71 = tpu.memref_slice %arg4[%add3A, %dma_wait3A_69, %dma_wait3A_70] : memref<32x125x80xi32, #tpu.memory_space<hbm>> -> memref<1x125x80xi32, #tpu.memory_space<hbm>>
      %dma_wait3A_72 = tpu.memref_squeeze %dma_wait3A_71 : memref<1x125x80xi32, #tpu.memory_space<hbm>> -> memref<125x80xi32, #tpu.memory_space<hbm>>
      %dma_wait3A_73 = arith.constant 0 : i32
      %dma_wait3A_74 = arith.constant 0 : i32
      %dma_wait3A_75 = tpu.memref_slice %arg4[%add3A, %dma_wait3A_73, %dma_wait3A_74] : memref<32x125x80xi32, #tpu.memory_space<hbm>> -> memref<1x125x80xi32, #tpu.memory_space<hbm>>
      %dma_wait3A_76 = tpu.memref_squeeze %dma_wait3A_75 : memref<1x125x80xi32, #tpu.memory_space<hbm>> -> memref<125x80xi32, #tpu.memory_space<hbm>>
      tpu.wait_dma2 semaphore(%run_scoped3A_60 : memref<!tpu.dma_semaphore, #tpu.memory_space<semaphore_mem>>) src(%dma_wait3A_76 : memref<125x80xi32, #tpu.memory_space<hbm>>) dst(%arg6 : memref<125x80xi32, #tpu.memory_space<vmem>>)
      tpu.yield
    }) : () -> ()
    %scan3A = arith.constant 0 : i32
    %scan3A_1 = arith.constant 0 : i32
    %scan3A_2 = arith.constant 80 : i32
    %scan3A_3 = arith.addi %scan3A_1, %scan3A_2 : i32
    %scan3A_4 = arith.constant 1 : i32
    scf.for %scan3A_60 = %scan3A_1 to %scan3A_3 step %scan3A_4  : i32 {
      %broadcast_in_dim3A = arith.constant 0.000000e+00 : f32
      %broadcast_in_dim3A_61 = vector.broadcast %broadcast_in_dim3A : f32 to vector<16xf32>
      %swap3A = arith.index_cast %scan3A_60 : i32 to index
      %swap3A_62 = arith.constant 0 : index
      %swap3A_63 = tpu.vector_load %arg9[%swap3A, %swap3A_62] {strides = array<i32>} : memref<80x128xf32, #tpu.memory_space<vmem>>, vector<1x16xf32>,
      %swap3A_64 = vector.shape_cast %swap3A_63 : vector<1x16xf32> to vector<16xf32>
      %swap3A_65 = vector.shape_cast %broadcast_in_dim3A_61 : vector<16xf32> to vector<1x16xf32>
      tpu.vector_store %arg9[%swap3A, %swap3A_62], %swap3A_65 {strides = array<i32>} : memref<80x128xf32, #tpu.memory_space<vmem>>, vector<1x16xf32>,
      %broadcast_in_dim3A_66 = arith.constant 0.000000e+00 : f32
      %broadcast_in_dim3A_67 = vector.broadcast %broadcast_in_dim3A_66 : f32 to vector<16xf32>
      %swap3A_68 = arith.index_cast %scan3A_60 : i32 to index
      %swap3A_69 = arith.constant 16 : index
      %swap3A_70 = tpu.vector_load %arg9[%swap3A_68, %swap3A_69] {strides = array<i32>} : memref<80x128xf32, #tpu.memory_space<vmem>>, vector<1x16xf32>,
      %swap3A_71 = vector.shape_cast %swap3A_70 : vector<1x16xf32> to vector<16xf32>
      %swap3A_72 = vector.shape_cast %broadcast_in_dim3A_67 : vector<16xf32> to vector<1x16xf32>
      tpu.vector_store %arg9[%swap3A_68, %swap3A_69], %swap3A_72 {strides = array<i32>} : memref<80x128xf32, #tpu.memory_space<vmem>>, vector<1x16xf32>,
      %broadcast_in_dim3A_73 = arith.constant 0.000000e+00 : f32
      %broadcast_in_dim3A_74 = vector.broadcast %broadcast_in_dim3A_73 : f32 to vector<16xf32>
      %swap3A_75 = arith.index_cast %scan3A_60 : i32 to index
      %swap3A_76 = arith.constant 32 : index
      %swap3A_77 = tpu.vector_load %arg9[%swap3A_75, %swap3A_76] {strides = array<i32>} : memref<80x128xf32, #tpu.memory_space<vmem>>, vector<1x16xf32>,
      %swap3A_78 = vector.shape_cast %swap3A_77 : vector<1x16xf32> to vector<16xf32>
      %swap3A_79 = vector.shape_cast %broadcast_in_dim3A_74 : vector<16xf32> to vector<1x16xf32>
      tpu.vector_store %arg9[%swap3A_75, %swap3A_76], %swap3A_79 {strides = array<i32>} : memref<80x128xf32, #tpu.memory_space<vmem>>, vector<1x16xf32>,
      %broadcast_in_dim3A_80 = arith.constant 0.000000e+00 : f32
      %broadcast_in_dim3A_81 = vector.broadcast %broadcast_in_dim3A_80 : f32 to vector<16xf32>
      %swap3A_82 = arith.index_cast %scan3A_60 : i32 to index
      %swap3A_83 = arith.constant 48 : index
      %swap3A_84 = tpu.vector_load %arg9[%swap3A_82, %swap3A_83] {strides = array<i32>} : memref<80x128xf32, #tpu.memory_space<vmem>>, vector<1x16xf32>,
      %swap3A_85 = vector.shape_cast %swap3A_84 : vector<1x16xf32> to vector<16xf32>
      %swap3A_86 = vector.shape_cast %broadcast_in_dim3A_81 : vector<16xf32> to vector<1x16xf32>
      tpu.vector_store %arg9[%swap3A_82, %swap3A_83], %swap3A_86 {strides = array<i32>} : memref<80x128xf32, #tpu.memory_space<vmem>>, vector<1x16xf32>,
      %broadcast_in_dim3A_87 = arith.constant 0.000000e+00 : f32
      %broadcast_in_dim3A_88 = vector.broadcast %broadcast_in_dim3A_87 : f32 to vector<16xf32>
      %swap3A_89 = arith.index_cast %scan3A_60 : i32 to index
      %swap3A_90 = arith.constant 64 : index
      %swap3A_91 = tpu.vector_load %arg9[%swap3A_89, %swap3A_90] {strides = array<i32>} : memref<80x128xf32, #tpu.memory_space<vmem>>, vector<1x16xf32>,
      %swap3A_92 = vector.shape_cast %swap3A_91 : vector<1x16xf32> to vector<16xf32>
      %swap3A_93 = vector.shape_cast %broadcast_in_dim3A_88 : vector<16xf32> to vector<1x16xf32>
      tpu.vector_store %arg9[%swap3A_89, %swap3A_90], %swap3A_93 {strides = array<i32>} : memref<80x128xf32, #tpu.memory_space<vmem>>, vector<1x16xf32>,
      %broadcast_in_dim3A_94 = arith.constant 0.000000e+00 : f32
      %broadcast_in_dim3A_95 = vector.broadcast %broadcast_in_dim3A_94 : f32 to vector<16xf32>
      %swap3A_96 = arith.index_cast %scan3A_60 : i32 to index
      %swap3A_97 = arith.constant 80 : index
      %swap3A_98 = tpu.vector_load %arg9[%swap3A_96, %swap3A_97] {strides = array<i32>} : memref<80x128xf32, #tpu.memory_space<vmem>>, vector<1x16xf32>,
      %swap3A_99 = vector.shape_cast %swap3A_98 : vector<1x16xf32> to vector<16xf32>
      %swap3A_100 = vector.shape_cast %broadcast_in_dim3A_95 : vector<16xf32> to vector<1x16xf32>
      tpu.vector_store %arg9[%swap3A_96, %swap3A_97], %swap3A_100 {strides = array<i32>} : memref<80x128xf32, #tpu.memory_space<vmem>>, vector<1x16xf32>,
      %broadcast_in_dim3A_101 = arith.constant 0.000000e+00 : f32
      %broadcast_in_dim3A_102 = vector.broadcast %broadcast_in_dim3A_101 : f32 to vector<16xf32>
      %swap3A_103 = arith.index_cast %scan3A_60 : i32 to index
      %swap3A_104 = arith.constant 96 : index
      %swap3A_105 = tpu.vector_load %arg9[%swap3A_103, %swap3A_104] {strides = array<i32>} : memref<80x128xf32, #tpu.memory_space<vmem>>, vector<1x16xf32>,
      %swap3A_106 = vector.shape_cast %swap3A_105 : vector<1x16xf32> to vector<16xf32>
      %swap3A_107 = vector.shape_cast %broadcast_in_dim3A_102 : vector<16xf32> to vector<1x16xf32>
      tpu.vector_store %arg9[%swap3A_103, %swap3A_104], %swap3A_107 {strides = array<i32>} : memref<80x128xf32, #tpu.memory_space<vmem>>, vector<1x16xf32>,
      %broadcast_in_dim3A_108 = arith.constant 0.000000e+00 : f32
      %broadcast_in_dim3A_109 = vector.broadcast %broadcast_in_dim3A_108 : f32 to vector<16xf32>
      %swap3A_110 = arith.index_cast %scan3A_60 : i32 to index
      %swap3A_111 = arith.constant 112 : index
      %swap3A_112 = tpu.vector_load %arg9[%swap3A_110, %swap3A_111] {strides = array<i32>} : memref<80x128xf32, #tpu.memory_space<vmem>>, vector<1x16xf32>,
      %swap3A_113 = vector.shape_cast %swap3A_112 : vector<1x16xf32> to vector<16xf32>
      %swap3A_114 = vector.shape_cast %broadcast_in_dim3A_109 : vector<16xf32> to vector<1x16xf32>
      tpu.vector_store %arg9[%swap3A_110, %swap3A_111], %swap3A_114 {strides = array<i32>} : memref<80x128xf32, #tpu.memory_space<vmem>>, vector<1x16xf32>,
    }
    %scan3A_5 = arith.constant 80 : i32
    %mul3A_6 = arith.constant 640 : i32
    %mul3A_7 = arith.muli %arg1, %mul3A_6 : i32
    %add3A_8 = arith.constant 0 : i32
    %add3A_9 = arith.addi %mul3A_7, %add3A_8 : i32
    "tpu.region"() ({
      %run_scoped3A_60 = tpu.sem_alloc : memref<!tpu.dma_semaphore, #tpu.memory_space<semaphore_mem>>
      %dma_start3A_61 = arith.constant 0 : i32
      %dma_start3A_62 = tpu.memref_slice %arg11[%add3A_9, %dma_start3A_61] : memref<10240x128xf32, #tpu.memory_space<vmem_shared>> -> memref<80x128xf32, #tpu.memory_space<vmem_shared>>
      %dma_start3A_63 = arith.constant 0 : i32
      %dma_start3A_64 = tpu.memref_slice %arg11[%add3A_9, %dma_start3A_63] : memref<10240x128xf32, #tpu.memory_space<vmem_shared>> -> memref<80x128xf32, #tpu.memory_space<vmem_shared>>
      tpu.enqueue_dma source(%arg9 : memref<80x128xf32, #tpu.memory_space<vmem>>) target(%dma_start3A_64 : memref<80x128xf32, #tpu.memory_space<vmem_shared>>) target_semaphore(%run_scoped3A_60 : memref<!tpu.dma_semaphore, #tpu.memory_space<semaphore_mem>>)
      %dma_wait3A_65 = arith.constant 0 : i32
      %dma_wait3A_66 = tpu.memref_slice %arg11[%add3A_9, %dma_wait3A_65] : memref<10240x128xf32, #tpu.memory_space<vmem_shared>> -> memref<80x128xf32, #tpu.memory_space<vmem_shared>>
      %dma_wait3A_67 = arith.constant 0 : i32
      %dma_wait3A_68 = tpu.memref_slice %arg11[%add3A_9, %dma_wait3A_67] : memref<10240x128xf32, #tpu.memory_space<vmem_shared>> -> memref<80x128xf32, #tpu.memory_space<vmem_shared>>
      tpu.wait_dma2 semaphore(%run_scoped3A_60 : memref<!tpu.dma_semaphore, #tpu.memory_space<semaphore_mem>>) src(%arg9 : memref<80x128xf32, #tpu.memory_space<vmem>>) dst(%dma_wait3A_68 : memref<80x128xf32, #tpu.memory_space<vmem_shared>>)
      tpu.yield
    }) : () -> ()
    %mul3A_10 = arith.constant 640 : i32
    %mul3A_11 = arith.muli %arg1, %mul3A_10 : i32
    %add3A_12 = arith.constant 80 : i32
    %add3A_13 = arith.addi %mul3A_11, %add3A_12 : i32
    "tpu.region"() ({
      %run_scoped3A_60 = tpu.sem_alloc : memref<!tpu.dma_semaphore, #tpu.memory_space<semaphore_mem>>
      %dma_start3A_61 = arith.constant 0 : i32
      %dma_start3A_62 = tpu.memref_slice %arg11[%add3A_13, %dma_start3A_61] : memref<10240x128xf32, #tpu.memory_space<vmem_shared>> -> memref<80x128xf32, #tpu.memory_space<vmem_shared>>
      %dma_start3A_63 = arith.constant 0 : i32
      %dma_start3A_64 = tpu.memref_slice %arg11[%add3A_13, %dma_start3A_63] : memref<10240x128xf32, #tpu.memory_space<vmem_shared>> -> memref<80x128xf32, #tpu.memory_space<vmem_shared>>
      tpu.enqueue_dma source(%arg9 : memref<80x128xf32, #tpu.memory_space<vmem>>) target(%dma_start3A_64 : memref<80x128xf32, #tpu.memory_space<vmem_shared>>) target_semaphore(%run_scoped3A_60 : memref<!tpu.dma_semaphore, #tpu.memory_space<semaphore_mem>>)
      %dma_wait3A_65 = arith.constant 0 : i32
      %dma_wait3A_66 = tpu.memref_slice %arg11[%add3A_13, %dma_wait3A_65] : memref<10240x128xf32, #tpu.memory_space<vmem_shared>> -> memref<80x128xf32, #tpu.memory_space<vmem_shared>>
      %dma_wait3A_67 = arith.constant 0 : i32
      %dma_wait3A_68 = tpu.memref_slice %arg11[%add3A_13, %dma_wait3A_67] : memref<10240x128xf32, #tpu.memory_space<vmem_shared>> -> memref<80x128xf32, #tpu.memory_space<vmem_shared>>
      tpu.wait_dma2 semaphore(%run_scoped3A_60 : memref<!tpu.dma_semaphore, #tpu.memory_space<semaphore_mem>>) src(%arg9 : memref<80x128xf32, #tpu.memory_space<vmem>>) dst(%dma_wait3A_68 : memref<80x128xf32, #tpu.memory_space<vmem_shared>>)
      tpu.yield
    }) : () -> ()
    %mul3A_14 = arith.constant 640 : i32
    %mul3A_15 = arith.muli %arg1, %mul3A_14 : i32
    %add3A_16 = arith.constant 160 : i32
    %add3A_17 = arith.addi %mul3A_15, %add3A_16 : i32
    "tpu.region"() ({
      %run_scoped3A_60 = tpu.sem_alloc : memref<!tpu.dma_semaphore, #tpu.memory_space<semaphore_mem>>
      %dma_start3A_61 = arith.constant 0 : i32
      %dma_start3A_62 = tpu.memref_slice %arg11[%add3A_17, %dma_start3A_61] : memref<10240x128xf32, #tpu.memory_space<vmem_shared>> -> memref<80x128xf32, #tpu.memory_space<vmem_shared>>
      %dma_start3A_63 = arith.constant 0 : i32
      %dma_start3A_64 = tpu.memref_slice %arg11[%add3A_17, %dma_start3A_63] : memref<10240x128xf32, #tpu.memory_space<vmem_shared>> -> memref<80x128xf32, #tpu.memory_space<vmem_shared>>
      tpu.enqueue_dma source(%arg9 : memref<80x128xf32, #tpu.memory_space<vmem>>) target(%dma_start3A_64 : memref<80x128xf32, #tpu.memory_space<vmem_shared>>) target_semaphore(%run_scoped3A_60 : memref<!tpu.dma_semaphore, #tpu.memory_space<semaphore_mem>>)
      %dma_wait3A_65 = arith.constant 0 : i32
      %dma_wait3A_66 = tpu.memref_slice %arg11[%add3A_17, %dma_wait3A_65] : memref<10240x128xf32, #tpu.memory_space<vmem_shared>> -> memref<80x128xf32, #tpu.memory_space<vmem_shared>>
      %dma_wait3A_67 = arith.constant 0 : i32
      %dma_wait3A_68 = tpu.memref_slice %arg11[%add3A_17, %dma_wait3A_67] : memref<10240x128xf32, #tpu.memory_space<vmem_shared>> -> memref<80x128xf32, #tpu.memory_space<vmem_shared>>
      tpu.wait_dma2 semaphore(%run_scoped3A_60 : memref<!tpu.dma_semaphore, #tpu.memory_space<semaphore_mem>>) src(%arg9 : memref<80x128xf32, #tpu.memory_space<vmem>>) dst(%dma_wait3A_68 : memref<80x128xf32, #tpu.memory_space<vmem_shared>>)
      tpu.yield
    }) : () -> ()
    %mul3A_18 = arith.constant 640 : i32
    %mul3A_19 = arith.muli %arg1, %mul3A_18 : i32
    %add3A_20 = arith.constant 240 : i32
    %add3A_21 = arith.addi %mul3A_19, %add3A_20 : i32
    "tpu.region"() ({
      %run_scoped3A_60 = tpu.sem_alloc : memref<!tpu.dma_semaphore, #tpu.memory_space<semaphore_mem>>
      %dma_start3A_61 = arith.constant 0 : i32
      %dma_start3A_62 = tpu.memref_slice %arg11[%add3A_21, %dma_start3A_61] : memref<10240x128xf32, #tpu.memory_space<vmem_shared>> -> memref<80x128xf32, #tpu.memory_space<vmem_shared>>
      %dma_start3A_63 = arith.constant 0 : i32
      %dma_start3A_64 = tpu.memref_slice %arg11[%add3A_21, %dma_start3A_63] : memref<10240x128xf32, #tpu.memory_space<vmem_shared>> -> memref<80x128xf32, #tpu.memory_space<vmem_shared>>
      tpu.enqueue_dma source(%arg9 : memref<80x128xf32, #tpu.memory_space<vmem>>) target(%dma_start3A_64 : memref<80x128xf32, #tpu.memory_space<vmem_shared>>) target_semaphore(%run_scoped3A_60 : memref<!tpu.dma_semaphore, #tpu.memory_space<semaphore_mem>>)
      %dma_wait3A_65 = arith.constant 0 : i32
      %dma_wait3A_66 = tpu.memref_slice %arg11[%add3A_21, %dma_wait3A_65] : memref<10240x128xf32, #tpu.memory_space<vmem_shared>> -> memref<80x128xf32, #tpu.memory_space<vmem_shared>>
      %dma_wait3A_67 = arith.constant 0 : i32
      %dma_wait3A_68 = tpu.memref_slice %arg11[%add3A_21, %dma_wait3A_67] : memref<10240x128xf32, #tpu.memory_space<vmem_shared>> -> memref<80x128xf32, #tpu.memory_space<vmem_shared>>
      tpu.wait_dma2 semaphore(%run_scoped3A_60 : memref<!tpu.dma_semaphore, #tpu.memory_space<semaphore_mem>>) src(%arg9 : memref<80x128xf32, #tpu.memory_space<vmem>>) dst(%dma_wait3A_68 : memref<80x128xf32, #tpu.memory_space<vmem_shared>>)
      tpu.yield
    }) : () -> ()
    %mul3A_22 = arith.constant 640 : i32
    %mul3A_23 = arith.muli %arg1, %mul3A_22 : i32
    %add3A_24 = arith.constant 320 : i32
    %add3A_25 = arith.addi %mul3A_23, %add3A_24 : i32
    "tpu.region"() ({
      %run_scoped3A_60 = tpu.sem_alloc : memref<!tpu.dma_semaphore, #tpu.memory_space<semaphore_mem>>
      %dma_start3A_61 = arith.constant 0 : i32
      %dma_start3A_62 = tpu.memref_slice %arg11[%add3A_25, %dma_start3A_61] : memref<10240x128xf32, #tpu.memory_space<vmem_shared>> -> memref<80x128xf32, #tpu.memory_space<vmem_shared>>
      %dma_start3A_63 = arith.constant 0 : i32
      %dma_start3A_64 = tpu.memref_slice %arg11[%add3A_25, %dma_start3A_63] : memref<10240x128xf32, #tpu.memory_space<vmem_shared>> -> memref<80x128xf32, #tpu.memory_space<vmem_shared>>
      tpu.enqueue_dma source(%arg9 : memref<80x128xf32, #tpu.memory_space<vmem>>) target(%dma_start3A_64 : memref<80x128xf32, #tpu.memory_space<vmem_shared>>) target_semaphore(%run_scoped3A_60 : memref<!tpu.dma_semaphore, #tpu.memory_space<semaphore_mem>>)
      %dma_wait3A_65 = arith.constant 0 : i32
      %dma_wait3A_66 = tpu.memref_slice %arg11[%add3A_25, %dma_wait3A_65] : memref<10240x128xf32, #tpu.memory_space<vmem_shared>> -> memref<80x128xf32, #tpu.memory_space<vmem_shared>>
      %dma_wait3A_67 = arith.constant 0 : i32
      %dma_wait3A_68 = tpu.memref_slice %arg11[%add3A_25, %dma_wait3A_67] : memref<10240x128xf32, #tpu.memory_space<vmem_shared>> -> memref<80x128xf32, #tpu.memory_space<vmem_shared>>
      tpu.wait_dma2 semaphore(%run_scoped3A_60 : memref<!tpu.dma_semaphore, #tpu.memory_space<semaphore_mem>>) src(%arg9 : memref<80x128xf32, #tpu.memory_space<vmem>>) dst(%dma_wait3A_68 : memref<80x128xf32, #tpu.memory_space<vmem_shared>>)
      tpu.yield
    }) : () -> ()
    %mul3A_26 = arith.constant 640 : i32
    %mul3A_27 = arith.muli %arg1, %mul3A_26 : i32
    %add3A_28 = arith.constant 400 : i32
    %add3A_29 = arith.addi %mul3A_27, %add3A_28 : i32
    "tpu.region"() ({
      %run_scoped3A_60 = tpu.sem_alloc : memref<!tpu.dma_semaphore, #tpu.memory_space<semaphore_mem>>
      %dma_start3A_61 = arith.constant 0 : i32
      %dma_start3A_62 = tpu.memref_slice %arg11[%add3A_29, %dma_start3A_61] : memref<10240x128xf32, #tpu.memory_space<vmem_shared>> -> memref<80x128xf32, #tpu.memory_space<vmem_shared>>
      %dma_start3A_63 = arith.constant 0 : i32
      %dma_start3A_64 = tpu.memref_slice %arg11[%add3A_29, %dma_start3A_63] : memref<10240x128xf32, #tpu.memory_space<vmem_shared>> -> memref<80x128xf32, #tpu.memory_space<vmem_shared>>
      tpu.enqueue_dma source(%arg9 : memref<80x128xf32, #tpu.memory_space<vmem>>) target(%dma_start3A_64 : memref<80x128xf32, #tpu.memory_space<vmem_shared>>) target_semaphore(%run_scoped3A_60 : memref<!tpu.dma_semaphore, #tpu.memory_space<semaphore_mem>>)
      %dma_wait3A_65 = arith.constant 0 : i32
      %dma_wait3A_66 = tpu.memref_slice %arg11[%add3A_29, %dma_wait3A_65] : memref<10240x128xf32, #tpu.memory_space<vmem_shared>> -> memref<80x128xf32, #tpu.memory_space<vmem_shared>>
      %dma_wait3A_67 = arith.constant 0 : i32
      %dma_wait3A_68 = tpu.memref_slice %arg11[%add3A_29, %dma_wait3A_67] : memref<10240x128xf32, #tpu.memory_space<vmem_shared>> -> memref<80x128xf32, #tpu.memory_space<vmem_shared>>
      tpu.wait_dma2 semaphore(%run_scoped3A_60 : memref<!tpu.dma_semaphore, #tpu.memory_space<semaphore_mem>>) src(%arg9 : memref<80x128xf32, #tpu.memory_space<vmem>>) dst(%dma_wait3A_68 : memref<80x128xf32, #tpu.memory_space<vmem_shared>>)
      tpu.yield
    }) : () -> ()
    %mul3A_30 = arith.constant 640 : i32
    %mul3A_31 = arith.muli %arg1, %mul3A_30 : i32
    %add3A_32 = arith.constant 480 : i32
    %add3A_33 = arith.addi %mul3A_31, %add3A_32 : i32
    "tpu.region"() ({
      %run_scoped3A_60 = tpu.sem_alloc : memref<!tpu.dma_semaphore, #tpu.memory_space<semaphore_mem>>
      %dma_start3A_61 = arith.constant 0 : i32
      %dma_start3A_62 = tpu.memref_slice %arg11[%add3A_33, %dma_start3A_61] : memref<10240x128xf32, #tpu.memory_space<vmem_shared>> -> memref<80x128xf32, #tpu.memory_space<vmem_shared>>
      %dma_start3A_63 = arith.constant 0 : i32
      %dma_start3A_64 = tpu.memref_slice %arg11[%add3A_33, %dma_start3A_63] : memref<10240x128xf32, #tpu.memory_space<vmem_shared>> -> memref<80x128xf32, #tpu.memory_space<vmem_shared>>
      tpu.enqueue_dma source(%arg9 : memref<80x128xf32, #tpu.memory_space<vmem>>) target(%dma_start3A_64 : memref<80x128xf32, #tpu.memory_space<vmem_shared>>) target_semaphore(%run_scoped3A_60 : memref<!tpu.dma_semaphore, #tpu.memory_space<semaphore_mem>>)
      %dma_wait3A_65 = arith.constant 0 : i32
      %dma_wait3A_66 = tpu.memref_slice %arg11[%add3A_33, %dma_wait3A_65] : memref<10240x128xf32, #tpu.memory_space<vmem_shared>> -> memref<80x128xf32, #tpu.memory_space<vmem_shared>>
      %dma_wait3A_67 = arith.constant 0 : i32
      %dma_wait3A_68 = tpu.memref_slice %arg11[%add3A_33, %dma_wait3A_67] : memref<10240x128xf32, #tpu.memory_space<vmem_shared>> -> memref<80x128xf32, #tpu.memory_space<vmem_shared>>
      tpu.wait_dma2 semaphore(%run_scoped3A_60 : memref<!tpu.dma_semaphore, #tpu.memory_space<semaphore_mem>>) src(%arg9 : memref<80x128xf32, #tpu.memory_space<vmem>>) dst(%dma_wait3A_68 : memref<80x128xf32, #tpu.memory_space<vmem_shared>>)
      tpu.yield
    }) : () -> ()
    %mul3A_34 = arith.constant 640 : i32
    %mul3A_35 = arith.muli %arg1, %mul3A_34 : i32
    %add3A_36 = arith.constant 560 : i32
    %add3A_37 = arith.addi %mul3A_35, %add3A_36 : i32
    "tpu.region"() ({
      %run_scoped3A_60 = tpu.sem_alloc : memref<!tpu.dma_semaphore, #tpu.memory_space<semaphore_mem>>
      %dma_start3A_61 = arith.constant 0 : i32
      %dma_start3A_62 = tpu.memref_slice %arg11[%add3A_37, %dma_start3A_61] : memref<10240x128xf32, #tpu.memory_space<vmem_shared>> -> memref<80x128xf32, #tpu.memory_space<vmem_shared>>
      %dma_start3A_63 = arith.constant 0 : i32
      %dma_start3A_64 = tpu.memref_slice %arg11[%add3A_37, %dma_start3A_63] : memref<10240x128xf32, #tpu.memory_space<vmem_shared>> -> memref<80x128xf32, #tpu.memory_space<vmem_shared>>
      tpu.enqueue_dma source(%arg9 : memref<80x128xf32, #tpu.memory_space<vmem>>) target(%dma_start3A_64 : memref<80x128xf32, #tpu.memory_space<vmem_shared>>) target_semaphore(%run_scoped3A_60 : memref<!tpu.dma_semaphore, #tpu.memory_space<semaphore_mem>>)
      %dma_wait3A_65 = arith.constant 0 : i32
      %dma_wait3A_66 = tpu.memref_slice %arg11[%add3A_37, %dma_wait3A_65] : memref<10240x128xf32, #tpu.memory_space<vmem_shared>> -> memref<80x128xf32, #tpu.memory_space<vmem_shared>>
      %dma_wait3A_67 = arith.constant 0 : i32
      %dma_wait3A_68 = tpu.memref_slice %arg11[%add3A_37, %dma_wait3A_67] : memref<10240x128xf32, #tpu.memory_space<vmem_shared>> -> memref<80x128xf32, #tpu.memory_space<vmem_shared>>
      tpu.wait_dma2 semaphore(%run_scoped3A_60 : memref<!tpu.dma_semaphore, #tpu.memory_space<semaphore_mem>>) src(%arg9 : memref<80x128xf32, #tpu.memory_space<vmem>>) dst(%dma_wait3A_68 : memref<80x128xf32, #tpu.memory_space<vmem_shared>>)
      tpu.yield
    }) : () -> ()
    %barrier3A = arith.constant 0 : index
    tpu.barrier barrier_id(%barrier3A)
    %mul3A_38 = arith.constant 10000 : i32
    %mul3A_39 = arith.muli %add3A, %mul3A_38 : i32
    "tpu.region"() ({
      %run_scoped3A_60 = tpu.sem_alloc : memref<!tpu.dma_semaphore, #tpu.memory_space<semaphore_mem>>
      %dma_start3A_61 = tpu.memref_slice %arg3[%mul3A_39] : memref<320000xi32, #tpu.memory_space<hbm>> -> memref<80xi32, #tpu.memory_space<hbm>>
      %dma_start3A_62 = tpu.memref_slice %arg3[%mul3A_39] : memref<320000xi32, #tpu.memory_space<hbm>> -> memref<80xi32, #tpu.memory_space<hbm>>
      tpu.enqueue_dma source(%dma_start3A_62 : memref<80xi32, #tpu.memory_space<hbm>>) target(%arg7 : memref<80xi32, #tpu.memory_space<vmem>>) target_semaphore(%run_scoped3A_60 : memref<!tpu.dma_semaphore, #tpu.memory_space<semaphore_mem>>)
      %dma_wait3A_63 = tpu.memref_slice %arg3[%mul3A_39] : memref<320000xi32, #tpu.memory_space<hbm>> -> memref<80xi32, #tpu.memory_space<hbm>>
      %dma_wait3A_64 = tpu.memref_slice %arg3[%mul3A_39] : memref<320000xi32, #tpu.memory_space<hbm>> -> memref<80xi32, #tpu.memory_space<hbm>>
      tpu.wait_dma2 semaphore(%run_scoped3A_60 : memref<!tpu.dma_semaphore, #tpu.memory_space<semaphore_mem>>) src(%dma_wait3A_64 : memref<80xi32, #tpu.memory_space<hbm>>) dst(%arg7 : memref<80xi32, #tpu.memory_space<vmem>>)
      tpu.yield
    }) : () -> ()
    %dma_start3A = arith.constant 0 : i32
    %dma_start3A_40 = arith.constant 0 : i32
    %dma_start3A_41 = tpu.memref_slice %arg2[%dma_start3A, %dma_start3A_40] : memref<10240x128xf32, #tpu.memory_space<hbm>> -> memref<10240x128xf32, #tpu.memory_space<hbm>>
    tpu.enqueue_indirect_dma source(%dma_start3A_41 : memref<10240x128xf32, #tpu.memory_space<hbm>>) target(%arg9 : memref<80x128xf32, #tpu.memory_space<vmem>>) offsets(%arg7 : memref<80xi32, #tpu.memory_space<vmem>>) semaphore(%arg12 : memref<!tpu.dma_semaphore, #tpu.memory_space<semaphore_mem>>)
    %add3A_42 = arith.constant 80 : i32
    %add3A_43 = arith.addi %mul3A_39, %add3A_42 : i32
    "tpu.region"() ({
      %run_scoped3A_60 = tpu.sem_alloc : memref<!tpu.dma_semaphore, #tpu.memory_space<semaphore_mem>>
      %dma_start3A_61 = tpu.memref_slice %arg3[%add3A_43] : memref<320000xi32, #tpu.memory_space<hbm>> -> memref<80xi32, #tpu.memory_space<hbm>>
      %dma_start3A_62 = tpu.memref_slice %arg3[%add3A_43] : memref<320000xi32, #tpu.memory_space<hbm>> -> memref<80xi32, #tpu.memory_space<hbm>>
      tpu.enqueue_dma source(%dma_start3A_62 : memref<80xi32, #tpu.memory_space<hbm>>) target(%arg8 : memref<80xi32, #tpu.memory_space<vmem>>) target_semaphore(%run_scoped3A_60 : memref<!tpu.dma_semaphore, #tpu.memory_space<semaphore_mem>>)
      %dma_wait3A_63 = tpu.memref_slice %arg3[%add3A_43] : memref<320000xi32, #tpu.memory_space<hbm>> -> memref<80xi32, #tpu.memory_space<hbm>>
      %dma_wait3A_64 = tpu.memref_slice %arg3[%add3A_43] : memref<320000xi32, #tpu.memory_space<hbm>> -> memref<80xi32, #tpu.memory_space<hbm>>
      tpu.wait_dma2 semaphore(%run_scoped3A_60 : memref<!tpu.dma_semaphore, #tpu.memory_space<semaphore_mem>>) src(%dma_wait3A_64 : memref<80xi32, #tpu.memory_space<hbm>>) dst(%arg8 : memref<80xi32, #tpu.memory_space<vmem>>)
      tpu.yield
    }) : () -> ()
    %scan3A_44 = arith.constant 0 : i32
    %scan3A_45 = arith.constant 0 : i32
    %scan3A_46 = arith.constant 62 : i32
    %scan3A_47 = arith.addi %scan3A_45, %scan3A_46 : i32
    %scan3A_48 = arith.constant 1 : i32
    scf.for %scan3A_60 = %scan3A_45 to %scan3A_47 step %scan3A_48  : i32 {
      %mul3A_61 = arith.constant 2 : i32
      %mul3A_62 = arith.muli %mul3A_61, %scan3A_60 : i32
      %dma_start3A_63 = arith.constant 0 : i32
      %dma_start3A_64 = arith.constant 0 : i32
      %dma_start3A_65 = tpu.memref_slice %arg2[%dma_start3A_63, %dma_start3A_64] : memref<10240x128xf32, #tpu.memory_space<hbm>> -> memref<10240x128xf32, #tpu.memory_space<hbm>>
      tpu.enqueue_indirect_dma source(%dma_start3A_65 : memref<10240x128xf32, #tpu.memory_space<hbm>>) target(%arg10 : memref<80x128xf32, #tpu.memory_space<vmem>>) offsets(%arg8 : memref<80xi32, #tpu.memory_space<vmem>>) semaphore(%arg13 : memref<!tpu.dma_semaphore, #tpu.memory_space<semaphore_mem>>)
      %dma_wait3A_66 = arith.constant 0 : i32
      %dma_wait3A_67 = arith.constant 0 : i32
      %dma_wait3A_68 = tpu.memref_slice %arg2[%dma_wait3A_66, %dma_wait3A_67] : memref<10240x128xf32, #tpu.memory_space<hbm>> -> memref<10240x128xf32, #tpu.memory_space<hbm>>
      tpu.wait_indirect_dma semaphore(%arg12 : memref<!tpu.dma_semaphore, #tpu.memory_space<semaphore_mem>>) src(%dma_wait3A_68 : memref<10240x128xf32, #tpu.memory_space<hbm>>) dst(%arg9 : memref<80x128xf32, #tpu.memory_space<vmem>>)
      %add3A_69 = arith.constant 2 : i32
      %add3A_70 = arith.addi %mul3A_62, %add3A_69 : i32
      %mul3A_71 = arith.constant 80 : i32
      %mul3A_72 = arith.muli %add3A_70, %mul3A_71 : i32
      %add3A_73 = arith.addi %mul3A_39, %mul3A_72 : i32
      %dma_start3A_74 = tpu.memref_slice %arg3[%add3A_73] : memref<320000xi32, #tpu.memory_space<hbm>> -> memref<80xi32, #tpu.memory_space<hbm>>
      %dma_start3A_75 = tpu.memref_slice %arg3[%add3A_73] : memref<320000xi32, #tpu.memory_space<hbm>> -> memref<80xi32, #tpu.memory_space<hbm>>
      tpu.enqueue_dma source(%dma_start3A_75 : memref<80xi32, #tpu.memory_space<hbm>>) target(%arg7 : memref<80xi32, #tpu.memory_space<vmem>>) target_semaphore(%arg14 : memref<!tpu.dma_semaphore, #tpu.memory_space<semaphore_mem>>)
      "tpu.region"() ({
        %run_scoped3A_97 = tpu.sem_alloc : memref<!tpu.dma_semaphore, #tpu.memory_space<semaphore_mem>>
        %dma_start3A_98 = arith.constant 0 : i32
        %dma_start3A_99 = tpu.memref_slice %arg6[%mul3A_62, %dma_start3A_98] : memref<125x80xi32, #tpu.memory_space<vmem>> -> memref<1x80xi32, #tpu.memory_space<vmem>>
        %dma_start3A_100 = tpu.memref_squeeze %dma_start3A_99 : memref<1x80xi32, #tpu.memory_space<vmem>> -> memref<80xi32, #tpu.memory_space<vmem>>
        %dma_start3A_101 = arith.constant 0 : i32
        %dma_start3A_102 = arith.constant 0 : i32
        %dma_start3A_103 = tpu.memref_slice %arg11[%dma_start3A_101, %dma_start3A_102] : memref<10240x128xf32, #tpu.memory_space<vmem_shared>> -> memref<10240x128xf32, #tpu.memory_space<vmem_shared>>
        tpu.enqueue_indirect_dma source(%arg9 : memref<80x128xf32, #tpu.memory_space<vmem>>) target(%dma_start3A_103 : memref<10240x128xf32, #tpu.memory_space<vmem_shared>>) offsets(%dma_start3A_100 : memref<80xi32, #tpu.memory_space<vmem>>) semaphore(%run_scoped3A_97 : memref<!tpu.dma_semaphore, #tpu.memory_space<semaphore_mem>>) {add = true}
        %dma_wait3A_104 = arith.constant 0 : i32
        %dma_wait3A_105 = tpu.memref_slice %arg6[%mul3A_62, %dma_wait3A_104] : memref<125x80xi32, #tpu.memory_space<vmem>> -> memref<1x80xi32, #tpu.memory_space<vmem>>
        %dma_wait3A_106 = tpu.memref_squeeze %dma_wait3A_105 : memref<1x80xi32, #tpu.memory_space<vmem>> -> memref<80xi32, #tpu.memory_space<vmem>>
        %dma_wait3A_107 = arith.constant 0 : i32
        %dma_wait3A_108 = arith.constant 0 : i32
        %dma_wait3A_109 = tpu.memref_slice %arg11[%dma_wait3A_107, %dma_wait3A_108] : memref<10240x128xf32, #tpu.memory_space<vmem_shared>> -> memref<10240x128xf32, #tpu.memory_space<vmem_shared>>
        tpu.wait_indirect_dma semaphore(%run_scoped3A_97 : memref<!tpu.dma_semaphore, #tpu.memory_space<semaphore_mem>>) src(%arg9 : memref<80x128xf32, #tpu.memory_space<vmem>>) dst(%dma_wait3A_109 : memref<10240x128xf32, #tpu.memory_space<vmem_shared>>)
        tpu.yield
      }) : () -> ()
      %dma_wait3A_76 = tpu.memref_slice %arg3[%mul3A_39] : memref<320000xi32, #tpu.memory_space<hbm>> -> memref<80xi32, #tpu.memory_space<hbm>>
      %dma_wait3A_77 = tpu.memref_slice %arg3[%mul3A_39] : memref<320000xi32, #tpu.memory_space<hbm>> -> memref<80xi32, #tpu.memory_space<hbm>>
      tpu.wait_dma2 semaphore(%arg14 : memref<!tpu.dma_semaphore, #tpu.memory_space<semaphore_mem>>) src(%dma_wait3A_77 : memref<80xi32, #tpu.memory_space<hbm>>) dst(%arg7 : memref<80xi32, #tpu.memory_space<vmem>>)
      %dma_start3A_78 = arith.constant 0 : i32
      %dma_start3A_79 = arith.constant 0 : i32
      %dma_start3A_80 = tpu.memref_slice %arg2[%dma_start3A_78, %dma_start3A_79] : memref<10240x128xf32, #tpu.memory_space<hbm>> -> memref<10240x128xf32, #tpu.memory_space<hbm>>
      tpu.enqueue_indirect_dma source(%dma_start3A_80 : memref<10240x128xf32, #tpu.memory_space<hbm>>) target(%arg9 : memref<80x128xf32, #tpu.memory_space<vmem>>) offsets(%arg7 : memref<80xi32, #tpu.memory_space<vmem>>) semaphore(%arg12 : memref<!tpu.dma_semaphore, #tpu.memory_space<semaphore_mem>>)
      %dma_wait3A_81 = arith.constant 0 : i32
      %dma_wait3A_82 = arith.constant 0 : i32
      %dma_wait3A_83 = tpu.memref_slice %arg2[%dma_wait3A_81, %dma_wait3A_82] : memref<10240x128xf32, #tpu.memory_space<hbm>> -> memref<10240x128xf32, #tpu.memory_space<hbm>>
      tpu.wait_indirect_dma semaphore(%arg13 : memref<!tpu.dma_semaphore, #tpu.memory_space<semaphore_mem>>) src(%dma_wait3A_83 : memref<10240x128xf32, #tpu.memory_space<hbm>>) dst(%arg10 : memref<80x128xf32, #tpu.memory_space<vmem>>)
      %add3A_84 = arith.constant 3 : i32
      %add3A_85 = arith.addi %mul3A_62, %add3A_84 : i32
      %lt3A = arith.constant 125 : i32
      %lt3A_86 = arith.cmpi slt, %add3A_85, %lt3A : i32
      %convert_element_type3A = arith.extui %lt3A_86 : i1 to i32
      %cond3A = arith.constant 0 : i32
      %cond3A_87 = arith.cmpi ne, %convert_element_type3A, %cond3A : i32
      scf.if %cond3A_87 {
        %add3A_97 = arith.constant 3 : i32
        %add3A_98 = arith.addi %mul3A_62, %add3A_97 : i32
        %mul3A_99 = arith.constant 80 : i32
        %mul3A_100 = arith.muli %add3A_98, %mul3A_99 : i32
        %add3A_101 = arith.addi %mul3A_39, %mul3A_100 : i32
        %dma_start3A_102 = tpu.memref_slice %arg3[%add3A_101] : memref<320000xi32, #tpu.memory_space<hbm>> -> memref<80xi32, #tpu.memory_space<hbm>>
        %dma_start3A_103 = tpu.memref_slice %arg3[%add3A_101] : memref<320000xi32, #tpu.memory_space<hbm>> -> memref<80xi32, #tpu.memory_space<hbm>>
        tpu.enqueue_dma source(%dma_start3A_103 : memref<80xi32, #tpu.memory_space<hbm>>) target(%arg8 : memref<80xi32, #tpu.memory_space<vmem>>) target_semaphore(%arg15 : memref<!tpu.dma_semaphore, #tpu.memory_space<semaphore_mem>>)
      } else {
      }
      %add3A_88 = arith.constant 1 : i32
      %add3A_89 = arith.addi %mul3A_62, %add3A_88 : i32
      "tpu.region"() ({
        %run_scoped3A_97 = tpu.sem_alloc : memref<!tpu.dma_semaphore, #tpu.memory_space<semaphore_mem>>
        %dma_start3A_98 = arith.constant 0 : i32
        %dma_start3A_99 = tpu.memref_slice %arg6[%add3A_89, %dma_start3A_98] : memref<125x80xi32, #tpu.memory_space<vmem>> -> memref<1x80xi32, #tpu.memory_space<vmem>>
        %dma_start3A_100 = tpu.memref_squeeze %dma_start3A_99 : memref<1x80xi32, #tpu.memory_space<vmem>> -> memref<80xi32, #tpu.memory_space<vmem>>
        %dma_start3A_101 = arith.constant 0 : i32
        %dma_start3A_102 = arith.constant 0 : i32
        %dma_start3A_103 = tpu.memref_slice %arg11[%dma_start3A_101, %dma_start3A_102] : memref<10240x128xf32, #tpu.memory_space<vmem_shared>> -> memref<10240x128xf32, #tpu.memory_space<vmem_shared>>
        tpu.enqueue_indirect_dma source(%arg10 : memref<80x128xf32, #tpu.memory_space<vmem>>) target(%dma_start3A_103 : memref<10240x128xf32, #tpu.memory_space<vmem_shared>>) offsets(%dma_start3A_100 : memref<80xi32, #tpu.memory_space<vmem>>) semaphore(%run_scoped3A_97 : memref<!tpu.dma_semaphore, #tpu.memory_space<semaphore_mem>>) {add = true}
        %dma_wait3A_104 = arith.constant 0 : i32
        %dma_wait3A_105 = tpu.memref_slice %arg6[%add3A_89, %dma_wait3A_104] : memref<125x80xi32, #tpu.memory_space<vmem>> -> memref<1x80xi32, #tpu.memory_space<vmem>>
        %dma_wait3A_106 = tpu.memref_squeeze %dma_wait3A_105 : memref<1x80xi32, #tpu.memory_space<vmem>> -> memref<80xi32, #tpu.memory_space<vmem>>
        %dma_wait3A_107 = arith.constant 0 : i32
        %dma_wait3A_108 = arith.constant 0 : i32
        %dma_wait3A_109 = tpu.memref_slice %arg11[%dma_wait3A_107, %dma_wait3A_108] : memref<10240x128xf32, #tpu.memory_space<vmem_shared>> -> memref<10240x128xf32, #tpu.memory_space<vmem_shared>>
        tpu.wait_indirect_dma semaphore(%run_scoped3A_97 : memref<!tpu.dma_semaphore, #tpu.memory_space<semaphore_mem>>) src(%arg10 : memref<80x128xf32, #tpu.memory_space<vmem>>) dst(%dma_wait3A_109 : memref<10240x128xf32, #tpu.memory_space<vmem_shared>>)
        tpu.yield
      }) : () -> ()
      %add3A_90 = arith.constant 3 : i32
      %add3A_91 = arith.addi %mul3A_62, %add3A_90 : i32
      %lt3A_92 = arith.constant 125 : i32
      %lt3A_93 = arith.cmpi slt, %add3A_91, %lt3A_92 : i32
      %convert_element_type3A_94 = arith.extui %lt3A_93 : i1 to i32
      %cond3A_95 = arith.constant 0 : i32
      %cond3A_96 = arith.cmpi ne, %convert_element_type3A_94, %cond3A_95 : i32
      scf.if %cond3A_96 {
        %dma_wait3A_97 = tpu.memref_slice %arg3[%mul3A_39] : memref<320000xi32, #tpu.memory_space<hbm>> -> memref<80xi32, #tpu.memory_space<hbm>>
        %dma_wait3A_98 = tpu.memref_slice %arg3[%mul3A_39] : memref<320000xi32, #tpu.memory_space<hbm>> -> memref<80xi32, #tpu.memory_space<hbm>>
        tpu.wait_dma2 semaphore(%arg15 : memref<!tpu.dma_semaphore, #tpu.memory_space<semaphore_mem>>) src(%dma_wait3A_98 : memref<80xi32, #tpu.memory_space<hbm>>) dst(%arg8 : memref<80xi32, #tpu.memory_space<vmem>>)
      } else {
      }
    }
    %scan3A_49 = arith.constant 62 : i32
    %dma_wait3A = arith.constant 0 : i32
    %dma_wait3A_50 = arith.constant 0 : i32
    %dma_wait3A_51 = tpu.memref_slice %arg2[%dma_wait3A, %dma_wait3A_50] : memref<10240x128xf32, #tpu.memory_space<hbm>> -> memref<10240x128xf32, #tpu.memory_space<hbm>>
    tpu.wait_indirect_dma semaphore(%arg12 : memref<!tpu.dma_semaphore, #tpu.memory_space<semaphore_mem>>) src(%dma_wait3A_51 : memref<10240x128xf32, #tpu.memory_space<hbm>>) dst(%arg9 : memref<80x128xf32, #tpu.memory_space<vmem>>)
    %run_scoped3A = arith.constant 124 : i32
    "tpu.region"() ({
      %run_scoped3A_60 = tpu.sem_alloc : memref<!tpu.dma_semaphore, #tpu.memory_space<semaphore_mem>>
      %dma_start3A_61 = arith.constant 0 : i32
      %dma_start3A_62 = tpu.memref_slice %arg6[%run_scoped3A, %dma_start3A_61] : memref<125x80xi32, #tpu.memory_space<vmem>> -> memref<1x80xi32, #tpu.memory_space<vmem>>
      %dma_start3A_63 = tpu.memref_squeeze %dma_start3A_62 : memref<1x80xi32, #tpu.memory_space<vmem>> -> memref<80xi32, #tpu.memory_space<vmem>>
      %dma_start3A_64 = arith.constant 0 : i32
      %dma_start3A_65 = arith.constant 0 : i32
      %dma_start3A_66 = tpu.memref_slice %arg11[%dma_start3A_64, %dma_start3A_65] : memref<10240x128xf32, #tpu.memory_space<vmem_shared>> -> memref<10240x128xf32, #tpu.memory_space<vmem_shared>>
      tpu.enqueue_indirect_dma source(%arg9 : memref<80x128xf32, #tpu.memory_space<vmem>>) target(%dma_start3A_66 : memref<10240x128xf32, #tpu.memory_space<vmem_shared>>) offsets(%dma_start3A_63 : memref<80xi32, #tpu.memory_space<vmem>>) semaphore(%run_scoped3A_60 : memref<!tpu.dma_semaphore, #tpu.memory_space<semaphore_mem>>) {add = true}
      %dma_wait3A_67 = arith.constant 0 : i32
      %dma_wait3A_68 = tpu.memref_slice %arg6[%run_scoped3A, %dma_wait3A_67] : memref<125x80xi32, #tpu.memory_space<vmem>> -> memref<1x80xi32, #tpu.memory_space<vmem>>
      %dma_wait3A_69 = tpu.memref_squeeze %dma_wait3A_68 : memref<1x80xi32, #tpu.memory_space<vmem>> -> memref<80xi32, #tpu.memory_space<vmem>>
      %dma_wait3A_70 = arith.constant 0 : i32
      %dma_wait3A_71 = arith.constant 0 : i32
      %dma_wait3A_72 = tpu.memref_slice %arg11[%dma_wait3A_70, %dma_wait3A_71] : memref<10240x128xf32, #tpu.memory_space<vmem_shared>> -> memref<10240x128xf32, #tpu.memory_space<vmem_shared>>
      tpu.wait_indirect_dma semaphore(%run_scoped3A_60 : memref<!tpu.dma_semaphore, #tpu.memory_space<semaphore_mem>>) src(%arg9 : memref<80x128xf32, #tpu.memory_space<vmem>>) dst(%dma_wait3A_72 : memref<10240x128xf32, #tpu.memory_space<vmem_shared>>)
      tpu.yield
    }) : () -> ()
    %barrier3A_52 = arith.constant 0 : index
    tpu.barrier barrier_id(%barrier3A_52)
    %mul3A_53 = arith.constant 640 : i32
    %mul3A_54 = arith.muli %arg1, %mul3A_53 : i32
    %mul3A_55 = arith.constant 10240 : i32
    %mul3A_56 = arith.muli %arg0, %mul3A_55 : i32
    %mul3A_57 = arith.constant 640 : i32
    %mul3A_58 = arith.muli %arg1, %mul3A_57 : i32
    %add3A_59 = arith.addi %mul3A_56, %mul3A_58 : i32
    "tpu.region"() ({
      %run_scoped3A_60 = tpu.sem_alloc : memref<!tpu.dma_semaphore, #tpu.memory_space<semaphore_mem>>
      %dma_start3A_61 = arith.constant 0 : i32
      %dma_start3A_62 = tpu.memref_slice %arg5[%add3A_59, %dma_start3A_61] : memref<20480x128xf32, #tpu.memory_space<hbm>> -> memref<640x128xf32, #tpu.memory_space<hbm>>
      %dma_start3A_63 = arith.constant 0 : i32
      %dma_start3A_64 = tpu.memref_slice %arg11[%mul3A_54, %dma_start3A_63] : memref<10240x128xf32, #tpu.memory_space<vmem_shared>> -> memref<640x128xf32, #tpu.memory_space<vmem_shared>>
      tpu.enqueue_dma source(%dma_start3A_64 : memref<640x128xf32, #tpu.memory_space<vmem_shared>>) target(%dma_start3A_62 : memref<640x128xf32, #tpu.memory_space<hbm>>) target_semaphore(%run_scoped3A_60 : memref<!tpu.dma_semaphore, #tpu.memory_space<semaphore_mem>>)
      %dma_wait3A_65 = arith.constant 0 : i32
      %dma_wait3A_66 = tpu.memref_slice %arg5[%add3A_59, %dma_wait3A_65] : memref<20480x128xf32, #tpu.memory_space<hbm>> -> memref<640x128xf32, #tpu.memory_space<hbm>>
      %dma_wait3A_67 = arith.constant 0 : i32
      %dma_wait3A_68 = tpu.memref_slice %arg11[%mul3A_54, %dma_wait3A_67] : memref<10240x128xf32, #tpu.memory_space<vmem_shared>> -> memref<640x128xf32, #tpu.memory_space<vmem_shared>>
      tpu.wait_dma2 semaphore(%run_scoped3A_60 : memref<!tpu.dma_semaphore, #tpu.memory_space<semaphore_mem>>) src(%dma_wait3A_68 : memref<640x128xf32, #tpu.memory_space<vmem_shared>>) dst(%dma_wait3A_66 : memref<640x128xf32, #tpu.memory_space<hbm>>)
      tpu.yield
    }) : () -> ()
    return
  }
}

#map = affine_map<(d0, d1) -> (0, 0)>
#map1 = affine_map<(d0, d1) -> (0)>
#map2 = affine_map<(d0, d1) -> (0, 0, 0)>
module attributes {stable_mosaic.version = 14 : i64} {
  func.func @_agg_body(%arg0: i32, %arg1: i32, %arg2: memref<10240x128xf32, #tpu.memory_space<hbm>>, %arg3: memref<320000xi32, #tpu.memory_space<hbm>>, %arg4: memref<32x125x80xi32, #tpu.memory_space<hbm>>, %arg5: memref<20480x128xf32, #tpu.memory_space<hbm>>, %arg6: memref<125x80xi32, #tpu.memory_space<vmem>>, %arg7: memref<80xi32, #tpu.memory_space<vmem>>, %arg8: memref<80xi32, #tpu.memory_space<vmem>>, %arg9: memref<80x128xf32, #tpu.memory_space<vmem>>, %arg10: memref<80x128xf32, #tpu.memory_space<vmem>>, %arg11: memref<10240x128xf32, #tpu.memory_space<vmem_shared>>, %arg12: memref<!tpu.dma_semaphore, #tpu.memory_space<semaphore_mem>>, %arg13: memref<!tpu.dma_semaphore, #tpu.memory_space<semaphore_mem>>, %arg14: memref<!tpu.dma_semaphore, #tpu.memory_space<semaphore_mem>>, %arg15: memref<!tpu.dma_semaphore, #tpu.memory_space<semaphore_mem>>) attributes {dimension_semantics = [#tpu.dimension_semantics<core_parallel>, #tpu.dimension_semantics<subcore_parallel>], iteration_bounds = array<i64: 2, 16>, scalar_prefetch = 0 : i64, scratch_operands = 10 : i64, tpu.core_type = #tpu.core_type<sc_vector_subcore>, window_params = [{transform_indices = #map}, {transform_indices = #map1}, {transform_indices = #map2}, {transform_indices = #map}]} {
    %mul3A = arith.constant 16 : i32
    %mul3A_0 = arith.muli %arg0, %mul3A : i32
    %add3A = arith.addi %mul3A_0, %arg1 : i32
    "tpu.region"() ({
      %run_scoped3A_60 = tpu.sem_alloc : memref<!tpu.dma_semaphore, #tpu.memory_space<semaphore_mem>>
      %dma_start3A_61 = arith.constant 0 : i32
      %dma_start3A_62 = arith.constant 0 : i32
      %dma_start3A_63 = tpu.memref_slice %arg4[%add3A, %dma_start3A_61, %dma_start3A_62] : memref<32x125x80xi32, #tpu.memory_space<hbm>> -> memref<1x125x80xi32, #tpu.memory_space<hbm>>
      %dma_start3A_64 = tpu.memref_squeeze %dma_start3A_63 : memref<1x125x80xi32, #tpu.memory_space<hbm>> -> memref<125x80xi32, #tpu.memory_space<hbm>>
      %dma_start3A_65 = arith.constant 0 : i32
      %dma_start3A_66 = arith.constant 0 : i32
      %dma_start3A_67 = tpu.memref_slice %arg4[%add3A, %dma_start3A_65, %dma_start3A_66] : memref<32x125x80xi32, #tpu.memory_space<hbm>> -> memref<1x125x80xi32, #tpu.memory_space<hbm>>
      %dma_start3A_68 = tpu.memref_squeeze %dma_start3A_67 : memref<1x125x80xi32, #tpu.memory_space<hbm>> -> memref<125x80xi32, #tpu.memory_space<hbm>>
      tpu.enqueue_dma source(%dma_start3A_68 : memref<125x80xi32, #tpu.memory_space<hbm>>) target(%arg6 : memref<125x80xi32, #tpu.memory_space<vmem>>) target_semaphore(%run_scoped3A_60 : memref<!tpu.dma_semaphore, #tpu.memory_space<semaphore_mem>>)
      %dma_wait3A_69 = arith.constant 0 : i32
      %dma_wait3A_70 = arith.constant 0 : i32
      %dma_wait3A_71 = tpu.memref_slice %arg4[%add3A, %dma_wait3A_69, %dma_wait3A_70] : memref<32x125x80xi32, #tpu.memory_space<hbm>> -> memref<1x125x80xi32, #tpu.memory_space<hbm>>
      %dma_wait3A_72 = tpu.memref_squeeze %dma_wait3A_71 : memref<1x125x80xi32, #tpu.memory_space<hbm>> -> memref<125x80xi32, #tpu.memory_space<hbm>>
      %dma_wait3A_73 = arith.constant 0 : i32
      %dma_wait3A_74 = arith.constant 0 : i32
      %dma_wait3A_75 = tpu.memref_slice %arg4[%add3A, %dma_wait3A_73, %dma_wait3A_74] : memref<32x125x80xi32, #tpu.memory_space<hbm>> -> memref<1x125x80xi32, #tpu.memory_space<hbm>>
      %dma_wait3A_76 = tpu.memref_squeeze %dma_wait3A_75 : memref<1x125x80xi32, #tpu.memory_space<hbm>> -> memref<125x80xi32, #tpu.memory_space<hbm>>
      tpu.wait_dma2 semaphore(%run_scoped3A_60 : memref<!tpu.dma_semaphore, #tpu.memory_space<semaphore_mem>>) src(%dma_wait3A_76 : memref<125x80xi32, #tpu.memory_space<hbm>>) dst(%arg6 : memref<125x80xi32, #tpu.memory_space<vmem>>)
      tpu.yield
    }) : () -> ()
    %scan3A = arith.constant 0 : i32
    %scan3A_1 = arith.constant 0 : i32
    %scan3A_2 = arith.constant 80 : i32
    %scan3A_3 = arith.addi %scan3A_1, %scan3A_2 : i32
    %scan3A_4 = arith.constant 1 : i32
    scf.for %scan3A_60 = %scan3A_1 to %scan3A_3 step %scan3A_4  : i32 {
      %broadcast_in_dim3A = arith.constant 0.000000e+00 : f32
      %broadcast_in_dim3A_61 = vector.broadcast %broadcast_in_dim3A : f32 to vector<16xf32>
      %swap3A = arith.index_cast %scan3A_60 : i32 to index
      %swap3A_62 = arith.constant 0 : index
      %swap3A_63 = tpu.vector_load %arg9[%swap3A, %swap3A_62] {strides = array<i32>} : memref<80x128xf32, #tpu.memory_space<vmem>>, vector<1x16xf32>,
      %swap3A_64 = vector.shape_cast %swap3A_63 : vector<1x16xf32> to vector<16xf32>
      %swap3A_65 = vector.shape_cast %broadcast_in_dim3A_61 : vector<16xf32> to vector<1x16xf32>
      tpu.vector_store %arg9[%swap3A, %swap3A_62], %swap3A_65 {strides = array<i32>} : memref<80x128xf32, #tpu.memory_space<vmem>>, vector<1x16xf32>,
      %broadcast_in_dim3A_66 = arith.constant 0.000000e+00 : f32
      %broadcast_in_dim3A_67 = vector.broadcast %broadcast_in_dim3A_66 : f32 to vector<16xf32>
      %swap3A_68 = arith.index_cast %scan3A_60 : i32 to index
      %swap3A_69 = arith.constant 16 : index
      %swap3A_70 = tpu.vector_load %arg9[%swap3A_68, %swap3A_69] {strides = array<i32>} : memref<80x128xf32, #tpu.memory_space<vmem>>, vector<1x16xf32>,
      %swap3A_71 = vector.shape_cast %swap3A_70 : vector<1x16xf32> to vector<16xf32>
      %swap3A_72 = vector.shape_cast %broadcast_in_dim3A_67 : vector<16xf32> to vector<1x16xf32>
      tpu.vector_store %arg9[%swap3A_68, %swap3A_69], %swap3A_72 {strides = array<i32>} : memref<80x128xf32, #tpu.memory_space<vmem>>, vector<1x16xf32>,
      %broadcast_in_dim3A_73 = arith.constant 0.000000e+00 : f32
      %broadcast_in_dim3A_74 = vector.broadcast %broadcast_in_dim3A_73 : f32 to vector<16xf32>
      %swap3A_75 = arith.index_cast %scan3A_60 : i32 to index
      %swap3A_76 = arith.constant 32 : index
      %swap3A_77 = tpu.vector_load %arg9[%swap3A_75, %swap3A_76] {strides = array<i32>} : memref<80x128xf32, #tpu.memory_space<vmem>>, vector<1x16xf32>,
      %swap3A_78 = vector.shape_cast %swap3A_77 : vector<1x16xf32> to vector<16xf32>
      %swap3A_79 = vector.shape_cast %broadcast_in_dim3A_74 : vector<16xf32> to vector<1x16xf32>
      tpu.vector_store %arg9[%swap3A_75, %swap3A_76], %swap3A_79 {strides = array<i32>} : memref<80x128xf32, #tpu.memory_space<vmem>>, vector<1x16xf32>,
      %broadcast_in_dim3A_80 = arith.constant 0.000000e+00 : f32
      %broadcast_in_dim3A_81 = vector.broadcast %broadcast_in_dim3A_80 : f32 to vector<16xf32>
      %swap3A_82 = arith.index_cast %scan3A_60 : i32 to index
      %swap3A_83 = arith.constant 48 : index
      %swap3A_84 = tpu.vector_load %arg9[%swap3A_82, %swap3A_83] {strides = array<i32>} : memref<80x128xf32, #tpu.memory_space<vmem>>, vector<1x16xf32>,
      %swap3A_85 = vector.shape_cast %swap3A_84 : vector<1x16xf32> to vector<16xf32>
      %swap3A_86 = vector.shape_cast %broadcast_in_dim3A_81 : vector<16xf32> to vector<1x16xf32>
      tpu.vector_store %arg9[%swap3A_82, %swap3A_83], %swap3A_86 {strides = array<i32>} : memref<80x128xf32, #tpu.memory_space<vmem>>, vector<1x16xf32>,
      %broadcast_in_dim3A_87 = arith.constant 0.000000e+00 : f32
      %broadcast_in_dim3A_88 = vector.broadcast %broadcast_in_dim3A_87 : f32 to vector<16xf32>
      %swap3A_89 = arith.index_cast %scan3A_60 : i32 to index
      %swap3A_90 = arith.constant 64 : index
      %swap3A_91 = tpu.vector_load %arg9[%swap3A_89, %swap3A_90] {strides = array<i32>} : memref<80x128xf32, #tpu.memory_space<vmem>>, vector<1x16xf32>,
      %swap3A_92 = vector.shape_cast %swap3A_91 : vector<1x16xf32> to vector<16xf32>
      %swap3A_93 = vector.shape_cast %broadcast_in_dim3A_88 : vector<16xf32> to vector<1x16xf32>
      tpu.vector_store %arg9[%swap3A_89, %swap3A_90], %swap3A_93 {strides = array<i32>} : memref<80x128xf32, #tpu.memory_space<vmem>>, vector<1x16xf32>,
      %broadcast_in_dim3A_94 = arith.constant 0.000000e+00 : f32
      %broadcast_in_dim3A_95 = vector.broadcast %broadcast_in_dim3A_94 : f32 to vector<16xf32>
      %swap3A_96 = arith.index_cast %scan3A_60 : i32 to index
      %swap3A_97 = arith.constant 80 : index
      %swap3A_98 = tpu.vector_load %arg9[%swap3A_96, %swap3A_97] {strides = array<i32>} : memref<80x128xf32, #tpu.memory_space<vmem>>, vector<1x16xf32>,
      %swap3A_99 = vector.shape_cast %swap3A_98 : vector<1x16xf32> to vector<16xf32>
      %swap3A_100 = vector.shape_cast %broadcast_in_dim3A_95 : vector<16xf32> to vector<1x16xf32>
      tpu.vector_store %arg9[%swap3A_96, %swap3A_97], %swap3A_100 {strides = array<i32>} : memref<80x128xf32, #tpu.memory_space<vmem>>, vector<1x16xf32>,
      %broadcast_in_dim3A_101 = arith.constant 0.000000e+00 : f32
      %broadcast_in_dim3A_102 = vector.broadcast %broadcast_in_dim3A_101 : f32 to vector<16xf32>
      %swap3A_103 = arith.index_cast %scan3A_60 : i32 to index
      %swap3A_104 = arith.constant 96 : index
      %swap3A_105 = tpu.vector_load %arg9[%swap3A_103, %swap3A_104] {strides = array<i32>} : memref<80x128xf32, #tpu.memory_space<vmem>>, vector<1x16xf32>,
      %swap3A_106 = vector.shape_cast %swap3A_105 : vector<1x16xf32> to vector<16xf32>
      %swap3A_107 = vector.shape_cast %broadcast_in_dim3A_102 : vector<16xf32> to vector<1x16xf32>
      tpu.vector_store %arg9[%swap3A_103, %swap3A_104], %swap3A_107 {strides = array<i32>} : memref<80x128xf32, #tpu.memory_space<vmem>>, vector<1x16xf32>,
      %broadcast_in_dim3A_108 = arith.constant 0.000000e+00 : f32
      %broadcast_in_dim3A_109 = vector.broadcast %broadcast_in_dim3A_108 : f32 to vector<16xf32>
      %swap3A_110 = arith.index_cast %scan3A_60 : i32 to index
      %swap3A_111 = arith.constant 112 : index
      %swap3A_112 = tpu.vector_load %arg9[%swap3A_110, %swap3A_111] {strides = array<i32>} : memref<80x128xf32, #tpu.memory_space<vmem>>, vector<1x16xf32>,
      %swap3A_113 = vector.shape_cast %swap3A_112 : vector<1x16xf32> to vector<16xf32>
      %swap3A_114 = vector.shape_cast %broadcast_in_dim3A_109 : vector<16xf32> to vector<1x16xf32>
      tpu.vector_store %arg9[%swap3A_110, %swap3A_111], %swap3A_114 {strides = array<i32>} : memref<80x128xf32, #tpu.memory_space<vmem>>, vector<1x16xf32>,
    }
    %scan3A_5 = arith.constant 80 : i32
    %mul3A_6 = arith.constant 640 : i32
    %mul3A_7 = arith.muli %arg1, %mul3A_6 : i32
    %add3A_8 = arith.constant 0 : i32
    %add3A_9 = arith.addi %mul3A_7, %add3A_8 : i32
    "tpu.region"() ({
      %run_scoped3A_60 = tpu.sem_alloc : memref<!tpu.dma_semaphore, #tpu.memory_space<semaphore_mem>>
      %dma_start3A_61 = arith.constant 0 : i32
      %dma_start3A_62 = tpu.memref_slice %arg11[%add3A_9, %dma_start3A_61] : memref<10240x128xf32, #tpu.memory_space<vmem_shared>> -> memref<80x128xf32, #tpu.memory_space<vmem_shared>>
      %dma_start3A_63 = arith.constant 0 : i32
      %dma_start3A_64 = tpu.memref_slice %arg11[%add3A_9, %dma_start3A_63] : memref<10240x128xf32, #tpu.memory_space<vmem_shared>> -> memref<80x128xf32, #tpu.memory_space<vmem_shared>>
      tpu.enqueue_dma source(%arg9 : memref<80x128xf32, #tpu.memory_space<vmem>>) target(%dma_start3A_64 : memref<80x128xf32, #tpu.memory_space<vmem_shared>>) target_semaphore(%run_scoped3A_60 : memref<!tpu.dma_semaphore, #tpu.memory_space<semaphore_mem>>)
      %dma_wait3A_65 = arith.constant 0 : i32
      %dma_wait3A_66 = tpu.memref_slice %arg11[%add3A_9, %dma_wait3A_65] : memref<10240x128xf32, #tpu.memory_space<vmem_shared>> -> memref<80x128xf32, #tpu.memory_space<vmem_shared>>
      %dma_wait3A_67 = arith.constant 0 : i32
      %dma_wait3A_68 = tpu.memref_slice %arg11[%add3A_9, %dma_wait3A_67] : memref<10240x128xf32, #tpu.memory_space<vmem_shared>> -> memref<80x128xf32, #tpu.memory_space<vmem_shared>>
      tpu.wait_dma2 semaphore(%run_scoped3A_60 : memref<!tpu.dma_semaphore, #tpu.memory_space<semaphore_mem>>) src(%arg9 : memref<80x128xf32, #tpu.memory_space<vmem>>) dst(%dma_wait3A_68 : memref<80x128xf32, #tpu.memory_space<vmem_shared>>)
      tpu.yield
    }) : () -> ()
    %mul3A_10 = arith.constant 640 : i32
    %mul3A_11 = arith.muli %arg1, %mul3A_10 : i32
    %add3A_12 = arith.constant 80 : i32
    %add3A_13 = arith.addi %mul3A_11, %add3A_12 : i32
    "tpu.region"() ({
      %run_scoped3A_60 = tpu.sem_alloc : memref<!tpu.dma_semaphore, #tpu.memory_space<semaphore_mem>>
      %dma_start3A_61 = arith.constant 0 : i32
      %dma_start3A_62 = tpu.memref_slice %arg11[%add3A_13, %dma_start3A_61] : memref<10240x128xf32, #tpu.memory_space<vmem_shared>> -> memref<80x128xf32, #tpu.memory_space<vmem_shared>>
      %dma_start3A_63 = arith.constant 0 : i32
      %dma_start3A_64 = tpu.memref_slice %arg11[%add3A_13, %dma_start3A_63] : memref<10240x128xf32, #tpu.memory_space<vmem_shared>> -> memref<80x128xf32, #tpu.memory_space<vmem_shared>>
      tpu.enqueue_dma source(%arg9 : memref<80x128xf32, #tpu.memory_space<vmem>>) target(%dma_start3A_64 : memref<80x128xf32, #tpu.memory_space<vmem_shared>>) target_semaphore(%run_scoped3A_60 : memref<!tpu.dma_semaphore, #tpu.memory_space<semaphore_mem>>)
      %dma_wait3A_65 = arith.constant 0 : i32
      %dma_wait3A_66 = tpu.memref_slice %arg11[%add3A_13, %dma_wait3A_65] : memref<10240x128xf32, #tpu.memory_space<vmem_shared>> -> memref<80x128xf32, #tpu.memory_space<vmem_shared>>
      %dma_wait3A_67 = arith.constant 0 : i32
      %dma_wait3A_68 = tpu.memref_slice %arg11[%add3A_13, %dma_wait3A_67] : memref<10240x128xf32, #tpu.memory_space<vmem_shared>> -> memref<80x128xf32, #tpu.memory_space<vmem_shared>>
      tpu.wait_dma2 semaphore(%run_scoped3A_60 : memref<!tpu.dma_semaphore, #tpu.memory_space<semaphore_mem>>) src(%arg9 : memref<80x128xf32, #tpu.memory_space<vmem>>) dst(%dma_wait3A_68 : memref<80x128xf32, #tpu.memory_space<vmem_shared>>)
      tpu.yield
    }) : () -> ()
    %mul3A_14 = arith.constant 640 : i32
    %mul3A_15 = arith.muli %arg1, %mul3A_14 : i32
    %add3A_16 = arith.constant 160 : i32
    %add3A_17 = arith.addi %mul3A_15, %add3A_16 : i32
    "tpu.region"() ({
      %run_scoped3A_60 = tpu.sem_alloc : memref<!tpu.dma_semaphore, #tpu.memory_space<semaphore_mem>>
      %dma_start3A_61 = arith.constant 0 : i32
      %dma_start3A_62 = tpu.memref_slice %arg11[%add3A_17, %dma_start3A_61] : memref<10240x128xf32, #tpu.memory_space<vmem_shared>> -> memref<80x128xf32, #tpu.memory_space<vmem_shared>>
      %dma_start3A_63 = arith.constant 0 : i32
      %dma_start3A_64 = tpu.memref_slice %arg11[%add3A_17, %dma_start3A_63] : memref<10240x128xf32, #tpu.memory_space<vmem_shared>> -> memref<80x128xf32, #tpu.memory_space<vmem_shared>>
      tpu.enqueue_dma source(%arg9 : memref<80x128xf32, #tpu.memory_space<vmem>>) target(%dma_start3A_64 : memref<80x128xf32, #tpu.memory_space<vmem_shared>>) target_semaphore(%run_scoped3A_60 : memref<!tpu.dma_semaphore, #tpu.memory_space<semaphore_mem>>)
      %dma_wait3A_65 = arith.constant 0 : i32
      %dma_wait3A_66 = tpu.memref_slice %arg11[%add3A_17, %dma_wait3A_65] : memref<10240x128xf32, #tpu.memory_space<vmem_shared>> -> memref<80x128xf32, #tpu.memory_space<vmem_shared>>
      %dma_wait3A_67 = arith.constant 0 : i32
      %dma_wait3A_68 = tpu.memref_slice %arg11[%add3A_17, %dma_wait3A_67] : memref<10240x128xf32, #tpu.memory_space<vmem_shared>> -> memref<80x128xf32, #tpu.memory_space<vmem_shared>>
      tpu.wait_dma2 semaphore(%run_scoped3A_60 : memref<!tpu.dma_semaphore, #tpu.memory_space<semaphore_mem>>) src(%arg9 : memref<80x128xf32, #tpu.memory_space<vmem>>) dst(%dma_wait3A_68 : memref<80x128xf32, #tpu.memory_space<vmem_shared>>)
      tpu.yield
    }) : () -> ()
    %mul3A_18 = arith.constant 640 : i32
    %mul3A_19 = arith.muli %arg1, %mul3A_18 : i32
    %add3A_20 = arith.constant 240 : i32
    %add3A_21 = arith.addi %mul3A_19, %add3A_20 : i32
    "tpu.region"() ({
      %run_scoped3A_60 = tpu.sem_alloc : memref<!tpu.dma_semaphore, #tpu.memory_space<semaphore_mem>>
      %dma_start3A_61 = arith.constant 0 : i32
      %dma_start3A_62 = tpu.memref_slice %arg11[%add3A_21, %dma_start3A_61] : memref<10240x128xf32, #tpu.memory_space<vmem_shared>> -> memref<80x128xf32, #tpu.memory_space<vmem_shared>>
      %dma_start3A_63 = arith.constant 0 : i32
      %dma_start3A_64 = tpu.memref_slice %arg11[%add3A_21, %dma_start3A_63] : memref<10240x128xf32, #tpu.memory_space<vmem_shared>> -> memref<80x128xf32, #tpu.memory_space<vmem_shared>>
      tpu.enqueue_dma source(%arg9 : memref<80x128xf32, #tpu.memory_space<vmem>>) target(%dma_start3A_64 : memref<80x128xf32, #tpu.memory_space<vmem_shared>>) target_semaphore(%run_scoped3A_60 : memref<!tpu.dma_semaphore, #tpu.memory_space<semaphore_mem>>)
      %dma_wait3A_65 = arith.constant 0 : i32
      %dma_wait3A_66 = tpu.memref_slice %arg11[%add3A_21, %dma_wait3A_65] : memref<10240x128xf32, #tpu.memory_space<vmem_shared>> -> memref<80x128xf32, #tpu.memory_space<vmem_shared>>
      %dma_wait3A_67 = arith.constant 0 : i32
      %dma_wait3A_68 = tpu.memref_slice %arg11[%add3A_21, %dma_wait3A_67] : memref<10240x128xf32, #tpu.memory_space<vmem_shared>> -> memref<80x128xf32, #tpu.memory_space<vmem_shared>>
      tpu.wait_dma2 semaphore(%run_scoped3A_60 : memref<!tpu.dma_semaphore, #tpu.memory_space<semaphore_mem>>) src(%arg9 : memref<80x128xf32, #tpu.memory_space<vmem>>) dst(%dma_wait3A_68 : memref<80x128xf32, #tpu.memory_space<vmem_shared>>)
      tpu.yield
    }) : () -> ()
    %mul3A_22 = arith.constant 640 : i32
    %mul3A_23 = arith.muli %arg1, %mul3A_22 : i32
    %add3A_24 = arith.constant 320 : i32
    %add3A_25 = arith.addi %mul3A_23, %add3A_24 : i32
    "tpu.region"() ({
      %run_scoped3A_60 = tpu.sem_alloc : memref<!tpu.dma_semaphore, #tpu.memory_space<semaphore_mem>>
      %dma_start3A_61 = arith.constant 0 : i32
      %dma_start3A_62 = tpu.memref_slice %arg11[%add3A_25, %dma_start3A_61] : memref<10240x128xf32, #tpu.memory_space<vmem_shared>> -> memref<80x128xf32, #tpu.memory_space<vmem_shared>>
      %dma_start3A_63 = arith.constant 0 : i32
      %dma_start3A_64 = tpu.memref_slice %arg11[%add3A_25, %dma_start3A_63] : memref<10240x128xf32, #tpu.memory_space<vmem_shared>> -> memref<80x128xf32, #tpu.memory_space<vmem_shared>>
      tpu.enqueue_dma source(%arg9 : memref<80x128xf32, #tpu.memory_space<vmem>>) target(%dma_start3A_64 : memref<80x128xf32, #tpu.memory_space<vmem_shared>>) target_semaphore(%run_scoped3A_60 : memref<!tpu.dma_semaphore, #tpu.memory_space<semaphore_mem>>)
      %dma_wait3A_65 = arith.constant 0 : i32
      %dma_wait3A_66 = tpu.memref_slice %arg11[%add3A_25, %dma_wait3A_65] : memref<10240x128xf32, #tpu.memory_space<vmem_shared>> -> memref<80x128xf32, #tpu.memory_space<vmem_shared>>
      %dma_wait3A_67 = arith.constant 0 : i32
      %dma_wait3A_68 = tpu.memref_slice %arg11[%add3A_25, %dma_wait3A_67] : memref<10240x128xf32, #tpu.memory_space<vmem_shared>> -> memref<80x128xf32, #tpu.memory_space<vmem_shared>>
      tpu.wait_dma2 semaphore(%run_scoped3A_60 : memref<!tpu.dma_semaphore, #tpu.memory_space<semaphore_mem>>) src(%arg9 : memref<80x128xf32, #tpu.memory_space<vmem>>) dst(%dma_wait3A_68 : memref<80x128xf32, #tpu.memory_space<vmem_shared>>)
      tpu.yield
    }) : () -> ()
    %mul3A_26 = arith.constant 640 : i32
    %mul3A_27 = arith.muli %arg1, %mul3A_26 : i32
    %add3A_28 = arith.constant 400 : i32
    %add3A_29 = arith.addi %mul3A_27, %add3A_28 : i32
    "tpu.region"() ({
      %run_scoped3A_60 = tpu.sem_alloc : memref<!tpu.dma_semaphore, #tpu.memory_space<semaphore_mem>>
      %dma_start3A_61 = arith.constant 0 : i32
      %dma_start3A_62 = tpu.memref_slice %arg11[%add3A_29, %dma_start3A_61] : memref<10240x128xf32, #tpu.memory_space<vmem_shared>> -> memref<80x128xf32, #tpu.memory_space<vmem_shared>>
      %dma_start3A_63 = arith.constant 0 : i32
      %dma_start3A_64 = tpu.memref_slice %arg11[%add3A_29, %dma_start3A_63] : memref<10240x128xf32, #tpu.memory_space<vmem_shared>> -> memref<80x128xf32, #tpu.memory_space<vmem_shared>>
      tpu.enqueue_dma source(%arg9 : memref<80x128xf32, #tpu.memory_space<vmem>>) target(%dma_start3A_64 : memref<80x128xf32, #tpu.memory_space<vmem_shared>>) target_semaphore(%run_scoped3A_60 : memref<!tpu.dma_semaphore, #tpu.memory_space<semaphore_mem>>)
      %dma_wait3A_65 = arith.constant 0 : i32
      %dma_wait3A_66 = tpu.memref_slice %arg11[%add3A_29, %dma_wait3A_65] : memref<10240x128xf32, #tpu.memory_space<vmem_shared>> -> memref<80x128xf32, #tpu.memory_space<vmem_shared>>
      %dma_wait3A_67 = arith.constant 0 : i32
      %dma_wait3A_68 = tpu.memref_slice %arg11[%add3A_29, %dma_wait3A_67] : memref<10240x128xf32, #tpu.memory_space<vmem_shared>> -> memref<80x128xf32, #tpu.memory_space<vmem_shared>>
      tpu.wait_dma2 semaphore(%run_scoped3A_60 : memref<!tpu.dma_semaphore, #tpu.memory_space<semaphore_mem>>) src(%arg9 : memref<80x128xf32, #tpu.memory_space<vmem>>) dst(%dma_wait3A_68 : memref<80x128xf32, #tpu.memory_space<vmem_shared>>)
      tpu.yield
    }) : () -> ()
    %mul3A_30 = arith.constant 640 : i32
    %mul3A_31 = arith.muli %arg1, %mul3A_30 : i32
    %add3A_32 = arith.constant 480 : i32
    %add3A_33 = arith.addi %mul3A_31, %add3A_32 : i32
    "tpu.region"() ({
      %run_scoped3A_60 = tpu.sem_alloc : memref<!tpu.dma_semaphore, #tpu.memory_space<semaphore_mem>>
      %dma_start3A_61 = arith.constant 0 : i32
      %dma_start3A_62 = tpu.memref_slice %arg11[%add3A_33, %dma_start3A_61] : memref<10240x128xf32, #tpu.memory_space<vmem_shared>> -> memref<80x128xf32, #tpu.memory_space<vmem_shared>>
      %dma_start3A_63 = arith.constant 0 : i32
      %dma_start3A_64 = tpu.memref_slice %arg11[%add3A_33, %dma_start3A_63] : memref<10240x128xf32, #tpu.memory_space<vmem_shared>> -> memref<80x128xf32, #tpu.memory_space<vmem_shared>>
      tpu.enqueue_dma source(%arg9 : memref<80x128xf32, #tpu.memory_space<vmem>>) target(%dma_start3A_64 : memref<80x128xf32, #tpu.memory_space<vmem_shared>>) target_semaphore(%run_scoped3A_60 : memref<!tpu.dma_semaphore, #tpu.memory_space<semaphore_mem>>)
      %dma_wait3A_65 = arith.constant 0 : i32
      %dma_wait3A_66 = tpu.memref_slice %arg11[%add3A_33, %dma_wait3A_65] : memref<10240x128xf32, #tpu.memory_space<vmem_shared>> -> memref<80x128xf32, #tpu.memory_space<vmem_shared>>
      %dma_wait3A_67 = arith.constant 0 : i32
      %dma_wait3A_68 = tpu.memref_slice %arg11[%add3A_33, %dma_wait3A_67] : memref<10240x128xf32, #tpu.memory_space<vmem_shared>> -> memref<80x128xf32, #tpu.memory_space<vmem_shared>>
      tpu.wait_dma2 semaphore(%run_scoped3A_60 : memref<!tpu.dma_semaphore, #tpu.memory_space<semaphore_mem>>) src(%arg9 : memref<80x128xf32, #tpu.memory_space<vmem>>) dst(%dma_wait3A_68 : memref<80x128xf32, #tpu.memory_space<vmem_shared>>)
      tpu.yield
    }) : () -> ()
    %mul3A_34 = arith.constant 640 : i32
    %mul3A_35 = arith.muli %arg1, %mul3A_34 : i32
    %add3A_36 = arith.constant 560 : i32
    %add3A_37 = arith.addi %mul3A_35, %add3A_36 : i32
    "tpu.region"() ({
      %run_scoped3A_60 = tpu.sem_alloc : memref<!tpu.dma_semaphore, #tpu.memory_space<semaphore_mem>>
      %dma_start3A_61 = arith.constant 0 : i32
      %dma_start3A_62 = tpu.memref_slice %arg11[%add3A_37, %dma_start3A_61] : memref<10240x128xf32, #tpu.memory_space<vmem_shared>> -> memref<80x128xf32, #tpu.memory_space<vmem_shared>>
      %dma_start3A_63 = arith.constant 0 : i32
      %dma_start3A_64 = tpu.memref_slice %arg11[%add3A_37, %dma_start3A_63] : memref<10240x128xf32, #tpu.memory_space<vmem_shared>> -> memref<80x128xf32, #tpu.memory_space<vmem_shared>>
      tpu.enqueue_dma source(%arg9 : memref<80x128xf32, #tpu.memory_space<vmem>>) target(%dma_start3A_64 : memref<80x128xf32, #tpu.memory_space<vmem_shared>>) target_semaphore(%run_scoped3A_60 : memref<!tpu.dma_semaphore, #tpu.memory_space<semaphore_mem>>)
      %dma_wait3A_65 = arith.constant 0 : i32
      %dma_wait3A_66 = tpu.memref_slice %arg11[%add3A_37, %dma_wait3A_65] : memref<10240x128xf32, #tpu.memory_space<vmem_shared>> -> memref<80x128xf32, #tpu.memory_space<vmem_shared>>
      %dma_wait3A_67 = arith.constant 0 : i32
      %dma_wait3A_68 = tpu.memref_slice %arg11[%add3A_37, %dma_wait3A_67] : memref<10240x128xf32, #tpu.memory_space<vmem_shared>> -> memref<80x128xf32, #tpu.memory_space<vmem_shared>>
      tpu.wait_dma2 semaphore(%run_scoped3A_60 : memref<!tpu.dma_semaphore, #tpu.memory_space<semaphore_mem>>) src(%arg9 : memref<80x128xf32, #tpu.memory_space<vmem>>) dst(%dma_wait3A_68 : memref<80x128xf32, #tpu.memory_space<vmem_shared>>)
      tpu.yield
    }) : () -> ()
    %barrier3A = arith.constant 0 : index
    tpu.barrier barrier_id(%barrier3A)
    %mul3A_38 = arith.constant 10000 : i32
    %mul3A_39 = arith.muli %add3A, %mul3A_38 : i32
    "tpu.region"() ({
      %run_scoped3A_60 = tpu.sem_alloc : memref<!tpu.dma_semaphore, #tpu.memory_space<semaphore_mem>>
      %dma_start3A_61 = tpu.memref_slice %arg3[%mul3A_39] : memref<320000xi32, #tpu.memory_space<hbm>> -> memref<80xi32, #tpu.memory_space<hbm>>
      %dma_start3A_62 = tpu.memref_slice %arg3[%mul3A_39] : memref<320000xi32, #tpu.memory_space<hbm>> -> memref<80xi32, #tpu.memory_space<hbm>>
      tpu.enqueue_dma source(%dma_start3A_62 : memref<80xi32, #tpu.memory_space<hbm>>) target(%arg7 : memref<80xi32, #tpu.memory_space<vmem>>) target_semaphore(%run_scoped3A_60 : memref<!tpu.dma_semaphore, #tpu.memory_space<semaphore_mem>>)
      %dma_wait3A_63 = tpu.memref_slice %arg3[%mul3A_39] : memref<320000xi32, #tpu.memory_space<hbm>> -> memref<80xi32, #tpu.memory_space<hbm>>
      %dma_wait3A_64 = tpu.memref_slice %arg3[%mul3A_39] : memref<320000xi32, #tpu.memory_space<hbm>> -> memref<80xi32, #tpu.memory_space<hbm>>
      tpu.wait_dma2 semaphore(%run_scoped3A_60 : memref<!tpu.dma_semaphore, #tpu.memory_space<semaphore_mem>>) src(%dma_wait3A_64 : memref<80xi32, #tpu.memory_space<hbm>>) dst(%arg7 : memref<80xi32, #tpu.memory_space<vmem>>)
      tpu.yield
    }) : () -> ()
    %dma_start3A = arith.constant 0 : i32
    %dma_start3A_40 = arith.constant 0 : i32
    %dma_start3A_41 = tpu.memref_slice %arg2[%dma_start3A, %dma_start3A_40] : memref<10240x128xf32, #tpu.memory_space<hbm>> -> memref<10240x128xf32, #tpu.memory_space<hbm>>
    tpu.enqueue_indirect_dma source(%dma_start3A_41 : memref<10240x128xf32, #tpu.memory_space<hbm>>) target(%arg9 : memref<80x128xf32, #tpu.memory_space<vmem>>) offsets(%arg7 : memref<80xi32, #tpu.memory_space<vmem>>) semaphore(%arg12 : memref<!tpu.dma_semaphore, #tpu.memory_space<semaphore_mem>>)
    %add3A_42 = arith.constant 80 : i32
    %add3A_43 = arith.addi %mul3A_39, %add3A_42 : i32
    "tpu.region"() ({
      %run_scoped3A_60 = tpu.sem_alloc : memref<!tpu.dma_semaphore, #tpu.memory_space<semaphore_mem>>
      %dma_start3A_61 = tpu.memref_slice %arg3[%add3A_43] : memref<320000xi32, #tpu.memory_space<hbm>> -> memref<80xi32, #tpu.memory_space<hbm>>
      %dma_start3A_62 = tpu.memref_slice %arg3[%add3A_43] : memref<320000xi32, #tpu.memory_space<hbm>> -> memref<80xi32, #tpu.memory_space<hbm>>
      tpu.enqueue_dma source(%dma_start3A_62 : memref<80xi32, #tpu.memory_space<hbm>>) target(%arg8 : memref<80xi32, #tpu.memory_space<vmem>>) target_semaphore(%run_scoped3A_60 : memref<!tpu.dma_semaphore, #tpu.memory_space<semaphore_mem>>)
      %dma_wait3A_63 = tpu.memref_slice %arg3[%add3A_43] : memref<320000xi32, #tpu.memory_space<hbm>> -> memref<80xi32, #tpu.memory_space<hbm>>
      %dma_wait3A_64 = tpu.memref_slice %arg3[%add3A_43] : memref<320000xi32, #tpu.memory_space<hbm>> -> memref<80xi32, #tpu.memory_space<hbm>>
      tpu.wait_dma2 semaphore(%run_scoped3A_60 : memref<!tpu.dma_semaphore, #tpu.memory_space<semaphore_mem>>) src(%dma_wait3A_64 : memref<80xi32, #tpu.memory_space<hbm>>) dst(%arg8 : memref<80xi32, #tpu.memory_space<vmem>>)
      tpu.yield
    }) : () -> ()
    %scan3A_44 = arith.constant 0 : i32
    %scan3A_45 = arith.constant 0 : i32
    %scan3A_46 = arith.constant 62 : i32
    %scan3A_47 = arith.addi %scan3A_45, %scan3A_46 : i32
    %scan3A_48 = arith.constant 1 : i32
    scf.for %scan3A_60 = %scan3A_45 to %scan3A_47 step %scan3A_48  : i32 {
      %mul3A_61 = arith.constant 2 : i32
      %mul3A_62 = arith.muli %mul3A_61, %scan3A_60 : i32
      %dma_start3A_63 = arith.constant 0 : i32
      %dma_start3A_64 = arith.constant 0 : i32
      %dma_start3A_65 = tpu.memref_slice %arg2[%dma_start3A_63, %dma_start3A_64] : memref<10240x128xf32, #tpu.memory_space<hbm>> -> memref<10240x128xf32, #tpu.memory_space<hbm>>
      tpu.enqueue_indirect_dma source(%dma_start3A_65 : memref<10240x128xf32, #tpu.memory_space<hbm>>) target(%arg10 : memref<80x128xf32, #tpu.memory_space<vmem>>) offsets(%arg8 : memref<80xi32, #tpu.memory_space<vmem>>) semaphore(%arg13 : memref<!tpu.dma_semaphore, #tpu.memory_space<semaphore_mem>>)
      %dma_wait3A_66 = arith.constant 0 : i32
      %dma_wait3A_67 = arith.constant 0 : i32
      %dma_wait3A_68 = tpu.memref_slice %arg2[%dma_wait3A_66, %dma_wait3A_67] : memref<10240x128xf32, #tpu.memory_space<hbm>> -> memref<10240x128xf32, #tpu.memory_space<hbm>>
      tpu.wait_indirect_dma semaphore(%arg12 : memref<!tpu.dma_semaphore, #tpu.memory_space<semaphore_mem>>) src(%dma_wait3A_68 : memref<10240x128xf32, #tpu.memory_space<hbm>>) dst(%arg9 : memref<80x128xf32, #tpu.memory_space<vmem>>)
      %add3A_69 = arith.constant 2 : i32
      %add3A_70 = arith.addi %mul3A_62, %add3A_69 : i32
      %mul3A_71 = arith.constant 80 : i32
      %mul3A_72 = arith.muli %add3A_70, %mul3A_71 : i32
      %add3A_73 = arith.addi %mul3A_39, %mul3A_72 : i32
      %dma_start3A_74 = tpu.memref_slice %arg3[%add3A_73] : memref<320000xi32, #tpu.memory_space<hbm>> -> memref<80xi32, #tpu.memory_space<hbm>>
      %dma_start3A_75 = tpu.memref_slice %arg3[%add3A_73] : memref<320000xi32, #tpu.memory_space<hbm>> -> memref<80xi32, #tpu.memory_space<hbm>>
      tpu.enqueue_dma source(%dma_start3A_75 : memref<80xi32, #tpu.memory_space<hbm>>) target(%arg7 : memref<80xi32, #tpu.memory_space<vmem>>) target_semaphore(%arg14 : memref<!tpu.dma_semaphore, #tpu.memory_space<semaphore_mem>>)
      "tpu.region"() ({
        %run_scoped3A_97 = tpu.sem_alloc : memref<!tpu.dma_semaphore, #tpu.memory_space<semaphore_mem>>
        %dma_start3A_98 = arith.constant 0 : i32
        %dma_start3A_99 = tpu.memref_slice %arg6[%mul3A_62, %dma_start3A_98] : memref<125x80xi32, #tpu.memory_space<vmem>> -> memref<1x80xi32, #tpu.memory_space<vmem>>
        %dma_start3A_100 = tpu.memref_squeeze %dma_start3A_99 : memref<1x80xi32, #tpu.memory_space<vmem>> -> memref<80xi32, #tpu.memory_space<vmem>>
        %dma_start3A_101 = arith.constant 0 : i32
        %dma_start3A_102 = arith.constant 0 : i32
        %dma_start3A_103 = tpu.memref_slice %arg11[%dma_start3A_101, %dma_start3A_102] : memref<10240x128xf32, #tpu.memory_space<vmem_shared>> -> memref<10240x128xf32, #tpu.memory_space<vmem_shared>>
        tpu.enqueue_indirect_dma source(%arg9 : memref<80x128xf32, #tpu.memory_space<vmem>>) target(%dma_start3A_103 : memref<10240x128xf32, #tpu.memory_space<vmem_shared>>) offsets(%dma_start3A_100 : memref<80xi32, #tpu.memory_space<vmem>>) semaphore(%run_scoped3A_97 : memref<!tpu.dma_semaphore, #tpu.memory_space<semaphore_mem>>) {add = true}
        %dma_wait3A_104 = arith.constant 0 : i32
        %dma_wait3A_105 = tpu.memref_slice %arg6[%mul3A_62, %dma_wait3A_104] : memref<125x80xi32, #tpu.memory_space<vmem>> -> memref<1x80xi32, #tpu.memory_space<vmem>>
        %dma_wait3A_106 = tpu.memref_squeeze %dma_wait3A_105 : memref<1x80xi32, #tpu.memory_space<vmem>> -> memref<80xi32, #tpu.memory_space<vmem>>
        %dma_wait3A_107 = arith.constant 0 : i32
        %dma_wait3A_108 = arith.constant 0 : i32
        %dma_wait3A_109 = tpu.memref_slice %arg11[%dma_wait3A_107, %dma_wait3A_108] : memref<10240x128xf32, #tpu.memory_space<vmem_shared>> -> memref<10240x128xf32, #tpu.memory_space<vmem_shared>>
        tpu.wait_indirect_dma semaphore(%run_scoped3A_97 : memref<!tpu.dma_semaphore, #tpu.memory_space<semaphore_mem>>) src(%arg9 : memref<80x128xf32, #tpu.memory_space<vmem>>) dst(%dma_wait3A_109 : memref<10240x128xf32, #tpu.memory_space<vmem_shared>>)
        tpu.yield
      }) : () -> ()
      %dma_wait3A_76 = tpu.memref_slice %arg3[%mul3A_39] : memref<320000xi32, #tpu.memory_space<hbm>> -> memref<80xi32, #tpu.memory_space<hbm>>
      %dma_wait3A_77 = tpu.memref_slice %arg3[%mul3A_39] : memref<320000xi32, #tpu.memory_space<hbm>> -> memref<80xi32, #tpu.memory_space<hbm>>
      tpu.wait_dma2 semaphore(%arg14 : memref<!tpu.dma_semaphore, #tpu.memory_space<semaphore_mem>>) src(%dma_wait3A_77 : memref<80xi32, #tpu.memory_space<hbm>>) dst(%arg7 : memref<80xi32, #tpu.memory_space<vmem>>)
      %dma_start3A_78 = arith.constant 0 : i32
      %dma_start3A_79 = arith.constant 0 : i32
      %dma_start3A_80 = tpu.memref_slice %arg2[%dma_start3A_78, %dma_start3A_79] : memref<10240x128xf32, #tpu.memory_space<hbm>> -> memref<10240x128xf32, #tpu.memory_space<hbm>>
      tpu.enqueue_indirect_dma source(%dma_start3A_80 : memref<10240x128xf32, #tpu.memory_space<hbm>>) target(%arg9 : memref<80x128xf32, #tpu.memory_space<vmem>>) offsets(%arg7 : memref<80xi32, #tpu.memory_space<vmem>>) semaphore(%arg12 : memref<!tpu.dma_semaphore, #tpu.memory_space<semaphore_mem>>)
      %dma_wait3A_81 = arith.constant 0 : i32
      %dma_wait3A_82 = arith.constant 0 : i32
      %dma_wait3A_83 = tpu.memref_slice %arg2[%dma_wait3A_81, %dma_wait3A_82] : memref<10240x128xf32, #tpu.memory_space<hbm>> -> memref<10240x128xf32, #tpu.memory_space<hbm>>
      tpu.wait_indirect_dma semaphore(%arg13 : memref<!tpu.dma_semaphore, #tpu.memory_space<semaphore_mem>>) src(%dma_wait3A_83 : memref<10240x128xf32, #tpu.memory_space<hbm>>) dst(%arg10 : memref<80x128xf32, #tpu.memory_space<vmem>>)
      %add3A_84 = arith.constant 3 : i32
      %add3A_85 = arith.addi %mul3A_62, %add3A_84 : i32
      %lt3A = arith.constant 125 : i32
      %lt3A_86 = arith.cmpi slt, %add3A_85, %lt3A : i32
      %convert_element_type3A = arith.extui %lt3A_86 : i1 to i32
      %cond3A = arith.constant 0 : i32
      %cond3A_87 = arith.cmpi ne, %convert_element_type3A, %cond3A : i32
      scf.if %cond3A_87 {
        %add3A_97 = arith.constant 3 : i32
        %add3A_98 = arith.addi %mul3A_62, %add3A_97 : i32
        %mul3A_99 = arith.constant 80 : i32
        %mul3A_100 = arith.muli %add3A_98, %mul3A_99 : i32
        %add3A_101 = arith.addi %mul3A_39, %mul3A_100 : i32
        %dma_start3A_102 = tpu.memref_slice %arg3[%add3A_101] : memref<320000xi32, #tpu.memory_space<hbm>> -> memref<80xi32, #tpu.memory_space<hbm>>
        %dma_start3A_103 = tpu.memref_slice %arg3[%add3A_101] : memref<320000xi32, #tpu.memory_space<hbm>> -> memref<80xi32, #tpu.memory_space<hbm>>
        tpu.enqueue_dma source(%dma_start3A_103 : memref<80xi32, #tpu.memory_space<hbm>>) target(%arg8 : memref<80xi32, #tpu.memory_space<vmem>>) target_semaphore(%arg15 : memref<!tpu.dma_semaphore, #tpu.memory_space<semaphore_mem>>)
      } else {
      }
      %add3A_88 = arith.constant 1 : i32
      %add3A_89 = arith.addi %mul3A_62, %add3A_88 : i32
      "tpu.region"() ({
        %run_scoped3A_97 = tpu.sem_alloc : memref<!tpu.dma_semaphore, #tpu.memory_space<semaphore_mem>>
        %dma_start3A_98 = arith.constant 0 : i32
        %dma_start3A_99 = tpu.memref_slice %arg6[%add3A_89, %dma_start3A_98] : memref<125x80xi32, #tpu.memory_space<vmem>> -> memref<1x80xi32, #tpu.memory_space<vmem>>
        %dma_start3A_100 = tpu.memref_squeeze %dma_start3A_99 : memref<1x80xi32, #tpu.memory_space<vmem>> -> memref<80xi32, #tpu.memory_space<vmem>>
        %dma_start3A_101 = arith.constant 0 : i32
        %dma_start3A_102 = arith.constant 0 : i32
        %dma_start3A_103 = tpu.memref_slice %arg11[%dma_start3A_101, %dma_start3A_102] : memref<10240x128xf32, #tpu.memory_space<vmem_shared>> -> memref<10240x128xf32, #tpu.memory_space<vmem_shared>>
        tpu.enqueue_indirect_dma source(%arg10 : memref<80x128xf32, #tpu.memory_space<vmem>>) target(%dma_start3A_103 : memref<10240x128xf32, #tpu.memory_space<vmem_shared>>) offsets(%dma_start3A_100 : memref<80xi32, #tpu.memory_space<vmem>>) semaphore(%run_scoped3A_97 : memref<!tpu.dma_semaphore, #tpu.memory_space<semaphore_mem>>) {add = true}
        %dma_wait3A_104 = arith.constant 0 : i32
        %dma_wait3A_105 = tpu.memref_slice %arg6[%add3A_89, %dma_wait3A_104] : memref<125x80xi32, #tpu.memory_space<vmem>> -> memref<1x80xi32, #tpu.memory_space<vmem>>
        %dma_wait3A_106 = tpu.memref_squeeze %dma_wait3A_105 : memref<1x80xi32, #tpu.memory_space<vmem>> -> memref<80xi32, #tpu.memory_space<vmem>>
        %dma_wait3A_107 = arith.constant 0 : i32
        %dma_wait3A_108 = arith.constant 0 : i32
        %dma_wait3A_109 = tpu.memref_slice %arg11[%dma_wait3A_107, %dma_wait3A_108] : memref<10240x128xf32, #tpu.memory_space<vmem_shared>> -> memref<10240x128xf32, #tpu.memory_space<vmem_shared>>
        tpu.wait_indirect_dma semaphore(%run_scoped3A_97 : memref<!tpu.dma_semaphore, #tpu.memory_space<semaphore_mem>>) src(%arg10 : memref<80x128xf32, #tpu.memory_space<vmem>>) dst(%dma_wait3A_109 : memref<10240x128xf32, #tpu.memory_space<vmem_shared>>)
        tpu.yield
      }) : () -> ()
      %add3A_90 = arith.constant 3 : i32
      %add3A_91 = arith.addi %mul3A_62, %add3A_90 : i32
      %lt3A_92 = arith.constant 125 : i32
      %lt3A_93 = arith.cmpi slt, %add3A_91, %lt3A_92 : i32
      %convert_element_type3A_94 = arith.extui %lt3A_93 : i1 to i32
      %cond3A_95 = arith.constant 0 : i32
      %cond3A_96 = arith.cmpi ne, %convert_element_type3A_94, %cond3A_95 : i32
      scf.if %cond3A_96 {
        %dma_wait3A_97 = tpu.memref_slice %arg3[%mul3A_39] : memref<320000xi32, #tpu.memory_space<hbm>> -> memref<80xi32, #tpu.memory_space<hbm>>
        %dma_wait3A_98 = tpu.memref_slice %arg3[%mul3A_39] : memref<320000xi32, #tpu.memory_space<hbm>> -> memref<80xi32, #tpu.memory_space<hbm>>
        tpu.wait_dma2 semaphore(%arg15 : memref<!tpu.dma_semaphore, #tpu.memory_space<semaphore_mem>>) src(%dma_wait3A_98 : memref<80xi32, #tpu.memory_space<hbm>>) dst(%arg8 : memref<80xi32, #tpu.memory_space<vmem>>)
      } else {
      }
    }
    %scan3A_49 = arith.constant 62 : i32
    %dma_wait3A = arith.constant 0 : i32
    %dma_wait3A_50 = arith.constant 0 : i32
    %dma_wait3A_51 = tpu.memref_slice %arg2[%dma_wait3A, %dma_wait3A_50] : memref<10240x128xf32, #tpu.memory_space<hbm>> -> memref<10240x128xf32, #tpu.memory_space<hbm>>
    tpu.wait_indirect_dma semaphore(%arg12 : memref<!tpu.dma_semaphore, #tpu.memory_space<semaphore_mem>>) src(%dma_wait3A_51 : memref<10240x128xf32, #tpu.memory_space<hbm>>) dst(%arg9 : memref<80x128xf32, #tpu.memory_space<vmem>>)
    %run_scoped3A = arith.constant 124 : i32
    "tpu.region"() ({
      %run_scoped3A_60 = tpu.sem_alloc : memref<!tpu.dma_semaphore, #tpu.memory_space<semaphore_mem>>
      %dma_start3A_61 = arith.constant 0 : i32
      %dma_start3A_62 = tpu.memref_slice %arg6[%run_scoped3A, %dma_start3A_61] : memref<125x80xi32, #tpu.memory_space<vmem>> -> memref<1x80xi32, #tpu.memory_space<vmem>>
      %dma_start3A_63 = tpu.memref_squeeze %dma_start3A_62 : memref<1x80xi32, #tpu.memory_space<vmem>> -> memref<80xi32, #tpu.memory_space<vmem>>
      %dma_start3A_64 = arith.constant 0 : i32
      %dma_start3A_65 = arith.constant 0 : i32
      %dma_start3A_66 = tpu.memref_slice %arg11[%dma_start3A_64, %dma_start3A_65] : memref<10240x128xf32, #tpu.memory_space<vmem_shared>> -> memref<10240x128xf32, #tpu.memory_space<vmem_shared>>
      tpu.enqueue_indirect_dma source(%arg9 : memref<80x128xf32, #tpu.memory_space<vmem>>) target(%dma_start3A_66 : memref<10240x128xf32, #tpu.memory_space<vmem_shared>>) offsets(%dma_start3A_63 : memref<80xi32, #tpu.memory_space<vmem>>) semaphore(%run_scoped3A_60 : memref<!tpu.dma_semaphore, #tpu.memory_space<semaphore_mem>>) {add = true}
      %dma_wait3A_67 = arith.constant 0 : i32
      %dma_wait3A_68 = tpu.memref_slice %arg6[%run_scoped3A, %dma_wait3A_67] : memref<125x80xi32, #tpu.memory_space<vmem>> -> memref<1x80xi32, #tpu.memory_space<vmem>>
      %dma_wait3A_69 = tpu.memref_squeeze %dma_wait3A_68 : memref<1x80xi32, #tpu.memory_space<vmem>> -> memref<80xi32, #tpu.memory_space<vmem>>
      %dma_wait3A_70 = arith.constant 0 : i32
      %dma_wait3A_71 = arith.constant 0 : i32
      %dma_wait3A_72 = tpu.memref_slice %arg11[%dma_wait3A_70, %dma_wait3A_71] : memref<10240x128xf32, #tpu.memory_space<vmem_shared>> -> memref<10240x128xf32, #tpu.memory_space<vmem_shared>>
      tpu.wait_indirect_dma semaphore(%run_scoped3A_60 : memref<!tpu.dma_semaphore, #tpu.memory_space<semaphore_mem>>) src(%arg9 : memref<80x128xf32, #tpu.memory_space<vmem>>) dst(%dma_wait3A_72 : memref<10240x128xf32, #tpu.memory_space<vmem_shared>>)
      tpu.yield
    }) : () -> ()
    %barrier3A_52 = arith.constant 0 : index
    tpu.barrier barrier_id(%barrier3A_52)
    %mul3A_53 = arith.constant 640 : i32
    %mul3A_54 = arith.muli %arg1, %mul3A_53 : i32
    %mul3A_55 = arith.constant 10240 : i32
    %mul3A_56 = arith.muli %arg0, %mul3A_55 : i32
    %mul3A_57 = arith.constant 640 : i32
    %mul3A_58 = arith.muli %arg1, %mul3A_57 : i32
    %add3A_59 = arith.addi %mul3A_56, %mul3A_58 : i32
    "tpu.region"() ({
      %run_scoped3A_60 = tpu.sem_alloc : memref<!tpu.dma_semaphore, #tpu.memory_space<semaphore_mem>>
      %dma_start3A_61 = arith.constant 0 : i32
      %dma_start3A_62 = tpu.memref_slice %arg5[%add3A_59, %dma_start3A_61] : memref<20480x128xf32, #tpu.memory_space<hbm>> -> memref<640x128xf32, #tpu.memory_space<hbm>>
      %dma_start3A_63 = arith.constant 0 : i32
      %dma_start3A_64 = tpu.memref_slice %arg11[%mul3A_54, %dma_start3A_63] : memref<10240x128xf32, #tpu.memory_space<vmem_shared>> -> memref<640x128xf32, #tpu.memory_space<vmem_shared>>
      tpu.enqueue_dma source(%dma_start3A_64 : memref<640x128xf32, #tpu.memory_space<vmem_shared>>) target(%dma_start3A_62 : memref<640x128xf32, #tpu.memory_space<hbm>>) target_semaphore(%run_scoped3A_60 : memref<!tpu.dma_semaphore, #tpu.memory_space<semaphore_mem>>)
      %dma_wait3A_65 = arith.constant 0 : i32
      %dma_wait3A_66 = tpu.memref_slice %arg5[%add3A_59, %dma_wait3A_65] : memref<20480x128xf32, #tpu.memory_space<hbm>> -> memref<640x128xf32, #tpu.memory_space<hbm>>
      %dma_wait3A_67 = arith.constant 0 : i32
      %dma_wait3A_68 = tpu.memref_slice %arg11[%mul3A_54, %dma_wait3A_67] : memref<10240x128xf32, #tpu.memory_space<vmem_shared>> -> memref<640x128xf32, #tpu.memory_space<vmem_shared>>
      tpu.wait_dma2 semaphore(%run_scoped3A_60 : memref<!tpu.dma_semaphore, #tpu.memory_space<semaphore_mem>>) src(%dma_wait3A_68 : memref<640x128xf32, #tpu.memory_space<vmem_shared>>) dst(%dma_wait3A_66 : memref<640x128xf32, #tpu.memory_space<hbm>>)
      tpu.yield
    }) : () -> ()
    return
  }
}

#map = affine_map<(d0, d1) -> (0, 0, 0)>
#map1 = affine_map<(d0, d1) -> (0, 0)>
module attributes {stable_mosaic.version = 14 : i64} {
  func.func @_deg_body(%arg0: i32, %arg1: i32, %arg2: memref<32x125x80xi32, #tpu.memory_space<hbm>>, %arg3: memref<20480x128xf32, #tpu.memory_space<hbm>>, %arg4: memref<125x80xi32, #tpu.memory_space<vmem>>, %arg5: memref<80x128xf32, #tpu.memory_space<vmem>>, %arg6: memref<80x128xf32, #tpu.memory_space<vmem>>, %arg7: memref<10240x128xf32, #tpu.memory_space<vmem_shared>>, %arg8: memref<!tpu.dma_semaphore, #tpu.memory_space<semaphore_mem>>) attributes {dimension_semantics = [#tpu.dimension_semantics<core_parallel>, #tpu.dimension_semantics<subcore_parallel>], iteration_bounds = array<i64: 2, 16>, scalar_prefetch = 0 : i64, scratch_operands = 5 : i64, tpu.core_type = #tpu.core_type<sc_vector_subcore>, window_params = [{transform_indices = #map}, {transform_indices = #map1}]} {
    %mul3A = arith.constant 16 : i32
    %mul3A_0 = arith.muli %arg0, %mul3A : i32
    %add3A = arith.addi %mul3A_0, %arg1 : i32
    %scan3A = arith.constant 0 : i32
    %scan3A_1 = arith.constant 0 : i32
    %scan3A_2 = arith.constant 80 : i32
    %scan3A_3 = arith.addi %scan3A_1, %scan3A_2 : i32
    %scan3A_4 = arith.constant 1 : i32
    scf.for %scan3A_168 = %scan3A_1 to %scan3A_3 step %scan3A_4  : i32 {
      %broadcast_in_dim3A = arith.constant 1.000000e+00 : f32
      %broadcast_in_dim3A_169 = vector.broadcast %broadcast_in_dim3A : f32 to vector<16xf32>
      %swap3A = arith.index_cast %scan3A_168 : i32 to index
      %swap3A_170 = arith.constant 0 : index
      %swap3A_171 = tpu.vector_load %arg5[%swap3A, %swap3A_170] {strides = array<i32>} : memref<80x128xf32, #tpu.memory_space<vmem>>, vector<1x16xf32>,
      %swap3A_172 = vector.shape_cast %swap3A_171 : vector<1x16xf32> to vector<16xf32>
      %swap3A_173 = vector.shape_cast %broadcast_in_dim3A_169 : vector<16xf32> to vector<1x16xf32>
      tpu.vector_store %arg5[%swap3A, %swap3A_170], %swap3A_173 {strides = array<i32>} : memref<80x128xf32, #tpu.memory_space<vmem>>, vector<1x16xf32>,
      %broadcast_in_dim3A_174 = arith.constant 1.000000e+00 : f32
      %broadcast_in_dim3A_175 = vector.broadcast %broadcast_in_dim3A_174 : f32 to vector<16xf32>
      %swap3A_176 = arith.index_cast %scan3A_168 : i32 to index
      %swap3A_177 = arith.constant 16 : index
      %swap3A_178 = tpu.vector_load %arg5[%swap3A_176, %swap3A_177] {strides = array<i32>} : memref<80x128xf32, #tpu.memory_space<vmem>>, vector<1x16xf32>,
      %swap3A_179 = vector.shape_cast %swap3A_178 : vector<1x16xf32> to vector<16xf32>
      %swap3A_180 = vector.shape_cast %broadcast_in_dim3A_175 : vector<16xf32> to vector<1x16xf32>
      tpu.vector_store %arg5[%swap3A_176, %swap3A_177], %swap3A_180 {strides = array<i32>} : memref<80x128xf32, #tpu.memory_space<vmem>>, vector<1x16xf32>,
      %broadcast_in_dim3A_181 = arith.constant 1.000000e+00 : f32
      %broadcast_in_dim3A_182 = vector.broadcast %broadcast_in_dim3A_181 : f32 to vector<16xf32>
      %swap3A_183 = arith.index_cast %scan3A_168 : i32 to index
      %swap3A_184 = arith.constant 32 : index
      %swap3A_185 = tpu.vector_load %arg5[%swap3A_183, %swap3A_184] {strides = array<i32>} : memref<80x128xf32, #tpu.memory_space<vmem>>, vector<1x16xf32>,
      %swap3A_186 = vector.shape_cast %swap3A_185 : vector<1x16xf32> to vector<16xf32>
      %swap3A_187 = vector.shape_cast %broadcast_in_dim3A_182 : vector<16xf32> to vector<1x16xf32>
      tpu.vector_store %arg5[%swap3A_183, %swap3A_184], %swap3A_187 {strides = array<i32>} : memref<80x128xf32, #tpu.memory_space<vmem>>, vector<1x16xf32>,
      %broadcast_in_dim3A_188 = arith.constant 1.000000e+00 : f32
      %broadcast_in_dim3A_189 = vector.broadcast %broadcast_in_dim3A_188 : f32 to vector<16xf32>
      %swap3A_190 = arith.index_cast %scan3A_168 : i32 to index
      %swap3A_191 = arith.constant 48 : index
      %swap3A_192 = tpu.vector_load %arg5[%swap3A_190, %swap3A_191] {strides = array<i32>} : memref<80x128xf32, #tpu.memory_space<vmem>>, vector<1x16xf32>,
      %swap3A_193 = vector.shape_cast %swap3A_192 : vector<1x16xf32> to vector<16xf32>
      %swap3A_194 = vector.shape_cast %broadcast_in_dim3A_189 : vector<16xf32> to vector<1x16xf32>
      tpu.vector_store %arg5[%swap3A_190, %swap3A_191], %swap3A_194 {strides = array<i32>} : memref<80x128xf32, #tpu.memory_space<vmem>>, vector<1x16xf32>,
      %broadcast_in_dim3A_195 = arith.constant 1.000000e+00 : f32
      %broadcast_in_dim3A_196 = vector.broadcast %broadcast_in_dim3A_195 : f32 to vector<16xf32>
      %swap3A_197 = arith.index_cast %scan3A_168 : i32 to index
      %swap3A_198 = arith.constant 64 : index
      %swap3A_199 = tpu.vector_load %arg5[%swap3A_197, %swap3A_198] {strides = array<i32>} : memref<80x128xf32, #tpu.memory_space<vmem>>, vector<1x16xf32>,
      %swap3A_200 = vector.shape_cast %swap3A_199 : vector<1x16xf32> to vector<16xf32>
      %swap3A_201 = vector.shape_cast %broadcast_in_dim3A_196 : vector<16xf32> to vector<1x16xf32>
      tpu.vector_store %arg5[%swap3A_197, %swap3A_198], %swap3A_201 {strides = array<i32>} : memref<80x128xf32, #tpu.memory_space<vmem>>, vector<1x16xf32>,
      %broadcast_in_dim3A_202 = arith.constant 1.000000e+00 : f32
      %broadcast_in_dim3A_203 = vector.broadcast %broadcast_in_dim3A_202 : f32 to vector<16xf32>
      %swap3A_204 = arith.index_cast %scan3A_168 : i32 to index
      %swap3A_205 = arith.constant 80 : index
      %swap3A_206 = tpu.vector_load %arg5[%swap3A_204, %swap3A_205] {strides = array<i32>} : memref<80x128xf32, #tpu.memory_space<vmem>>, vector<1x16xf32>,
      %swap3A_207 = vector.shape_cast %swap3A_206 : vector<1x16xf32> to vector<16xf32>
      %swap3A_208 = vector.shape_cast %broadcast_in_dim3A_203 : vector<16xf32> to vector<1x16xf32>
      tpu.vector_store %arg5[%swap3A_204, %swap3A_205], %swap3A_208 {strides = array<i32>} : memref<80x128xf32, #tpu.memory_space<vmem>>, vector<1x16xf32>,
      %broadcast_in_dim3A_209 = arith.constant 1.000000e+00 : f32
      %broadcast_in_dim3A_210 = vector.broadcast %broadcast_in_dim3A_209 : f32 to vector<16xf32>
      %swap3A_211 = arith.index_cast %scan3A_168 : i32 to index
      %swap3A_212 = arith.constant 96 : index
      %swap3A_213 = tpu.vector_load %arg5[%swap3A_211, %swap3A_212] {strides = array<i32>} : memref<80x128xf32, #tpu.memory_space<vmem>>, vector<1x16xf32>,
      %swap3A_214 = vector.shape_cast %swap3A_213 : vector<1x16xf32> to vector<16xf32>
      %swap3A_215 = vector.shape_cast %broadcast_in_dim3A_210 : vector<16xf32> to vector<1x16xf32>
      tpu.vector_store %arg5[%swap3A_211, %swap3A_212], %swap3A_215 {strides = array<i32>} : memref<80x128xf32, #tpu.memory_space<vmem>>, vector<1x16xf32>,
      %broadcast_in_dim3A_216 = arith.constant 1.000000e+00 : f32
      %broadcast_in_dim3A_217 = vector.broadcast %broadcast_in_dim3A_216 : f32 to vector<16xf32>
      %swap3A_218 = arith.index_cast %scan3A_168 : i32 to index
      %swap3A_219 = arith.constant 112 : index
      %swap3A_220 = tpu.vector_load %arg5[%swap3A_218, %swap3A_219] {strides = array<i32>} : memref<80x128xf32, #tpu.memory_space<vmem>>, vector<1x16xf32>,
      %swap3A_221 = vector.shape_cast %swap3A_220 : vector<1x16xf32> to vector<16xf32>
      %swap3A_222 = vector.shape_cast %broadcast_in_dim3A_217 : vector<16xf32> to vector<1x16xf32>
      tpu.vector_store %arg5[%swap3A_218, %swap3A_219], %swap3A_222 {strides = array<i32>} : memref<80x128xf32, #tpu.memory_space<vmem>>, vector<1x16xf32>,
    }
    %scan3A_5 = arith.constant 80 : i32
    "tpu.region"() ({
      %run_scoped3A = tpu.sem_alloc : memref<!tpu.dma_semaphore, #tpu.memory_space<semaphore_mem>>
      %dma_start3A_168 = arith.constant 0 : i32
      %dma_start3A_169 = arith.constant 0 : i32
      %dma_start3A_170 = tpu.memref_slice %arg2[%add3A, %dma_start3A_168, %dma_start3A_169] : memref<32x125x80xi32, #tpu.memory_space<hbm>> -> memref<1x125x80xi32, #tpu.memory_space<hbm>>
      %dma_start3A_171 = tpu.memref_squeeze %dma_start3A_170 : memref<1x125x80xi32, #tpu.memory_space<hbm>> -> memref<125x80xi32, #tpu.memory_space<hbm>>
      %dma_start3A_172 = arith.constant 0 : i32
      %dma_start3A_173 = arith.constant 0 : i32
      %dma_start3A_174 = tpu.memref_slice %arg2[%add3A, %dma_start3A_172, %dma_start3A_173] : memref<32x125x80xi32, #tpu.memory_space<hbm>> -> memref<1x125x80xi32, #tpu.memory_space<hbm>>
      %dma_start3A_175 = tpu.memref_squeeze %dma_start3A_174 : memref<1x125x80xi32, #tpu.memory_space<hbm>> -> memref<125x80xi32, #tpu.memory_space<hbm>>
      tpu.enqueue_dma source(%dma_start3A_175 : memref<125x80xi32, #tpu.memory_space<hbm>>) target(%arg4 : memref<125x80xi32, #tpu.memory_space<vmem>>) target_semaphore(%run_scoped3A : memref<!tpu.dma_semaphore, #tpu.memory_space<semaphore_mem>>)
      %dma_wait3A_176 = arith.constant 0 : i32
      %dma_wait3A_177 = arith.constant 0 : i32
      %dma_wait3A_178 = tpu.memref_slice %arg2[%add3A, %dma_wait3A_176, %dma_wait3A_177] : memref<32x125x80xi32, #tpu.memory_space<hbm>> -> memref<1x125x80xi32, #tpu.memory_space<hbm>>
      %dma_wait3A_179 = tpu.memref_squeeze %dma_wait3A_178 : memref<1x125x80xi32, #tpu.memory_space<hbm>> -> memref<125x80xi32, #tpu.memory_space<hbm>>
      %dma_wait3A_180 = arith.constant 0 : i32
      %dma_wait3A_181 = arith.constant 0 : i32
      %dma_wait3A_182 = tpu.memref_slice %arg2[%add3A, %dma_wait3A_180, %dma_wait3A_181] : memref<32x125x80xi32, #tpu.memory_space<hbm>> -> memref<1x125x80xi32, #tpu.memory_space<hbm>>
      %dma_wait3A_183 = tpu.memref_squeeze %dma_wait3A_182 : memref<1x125x80xi32, #tpu.memory_space<hbm>> -> memref<125x80xi32, #tpu.memory_space<hbm>>
      tpu.wait_dma2 semaphore(%run_scoped3A : memref<!tpu.dma_semaphore, #tpu.memory_space<semaphore_mem>>) src(%dma_wait3A_183 : memref<125x80xi32, #tpu.memory_space<hbm>>) dst(%arg4 : memref<125x80xi32, #tpu.memory_space<vmem>>)
      tpu.yield
    }) : () -> ()
    %scan3A_6 = arith.constant 0 : i32
    %scan3A_7 = arith.constant 0 : i32
    %scan3A_8 = arith.constant 80 : i32
    %scan3A_9 = arith.addi %scan3A_7, %scan3A_8 : i32
    %scan3A_10 = arith.constant 1 : i32
    scf.for %scan3A_168 = %scan3A_7 to %scan3A_9 step %scan3A_10  : i32 {
      %broadcast_in_dim3A = arith.constant 0.000000e+00 : f32
      %broadcast_in_dim3A_169 = vector.broadcast %broadcast_in_dim3A : f32 to vector<16xf32>
      %swap3A = arith.index_cast %scan3A_168 : i32 to index
      %swap3A_170 = arith.constant 0 : index
      %swap3A_171 = tpu.vector_load %arg6[%swap3A, %swap3A_170] {strides = array<i32>} : memref<80x128xf32, #tpu.memory_space<vmem>>, vector<1x16xf32>,
      %swap3A_172 = vector.shape_cast %swap3A_171 : vector<1x16xf32> to vector<16xf32>
      %swap3A_173 = vector.shape_cast %broadcast_in_dim3A_169 : vector<16xf32> to vector<1x16xf32>
      tpu.vector_store %arg6[%swap3A, %swap3A_170], %swap3A_173 {strides = array<i32>} : memref<80x128xf32, #tpu.memory_space<vmem>>, vector<1x16xf32>,
      %broadcast_in_dim3A_174 = arith.constant 0.000000e+00 : f32
      %broadcast_in_dim3A_175 = vector.broadcast %broadcast_in_dim3A_174 : f32 to vector<16xf32>
      %swap3A_176 = arith.index_cast %scan3A_168 : i32 to index
      %swap3A_177 = arith.constant 16 : index
      %swap3A_178 = tpu.vector_load %arg6[%swap3A_176, %swap3A_177] {strides = array<i32>} : memref<80x128xf32, #tpu.memory_space<vmem>>, vector<1x16xf32>,
      %swap3A_179 = vector.shape_cast %swap3A_178 : vector<1x16xf32> to vector<16xf32>
      %swap3A_180 = vector.shape_cast %broadcast_in_dim3A_175 : vector<16xf32> to vector<1x16xf32>
      tpu.vector_store %arg6[%swap3A_176, %swap3A_177], %swap3A_180 {strides = array<i32>} : memref<80x128xf32, #tpu.memory_space<vmem>>, vector<1x16xf32>,
      %broadcast_in_dim3A_181 = arith.constant 0.000000e+00 : f32
      %broadcast_in_dim3A_182 = vector.broadcast %broadcast_in_dim3A_181 : f32 to vector<16xf32>
      %swap3A_183 = arith.index_cast %scan3A_168 : i32 to index
      %swap3A_184 = arith.constant 32 : index
      %swap3A_185 = tpu.vector_load %arg6[%swap3A_183, %swap3A_184] {strides = array<i32>} : memref<80x128xf32, #tpu.memory_space<vmem>>, vector<1x16xf32>,
      %swap3A_186 = vector.shape_cast %swap3A_185 : vector<1x16xf32> to vector<16xf32>
      %swap3A_187 = vector.shape_cast %broadcast_in_dim3A_182 : vector<16xf32> to vector<1x16xf32>
      tpu.vector_store %arg6[%swap3A_183, %swap3A_184], %swap3A_187 {strides = array<i32>} : memref<80x128xf32, #tpu.memory_space<vmem>>, vector<1x16xf32>,
      %broadcast_in_dim3A_188 = arith.constant 0.000000e+00 : f32
      %broadcast_in_dim3A_189 = vector.broadcast %broadcast_in_dim3A_188 : f32 to vector<16xf32>
      %swap3A_190 = arith.index_cast %scan3A_168 : i32 to index
      %swap3A_191 = arith.constant 48 : index
      %swap3A_192 = tpu.vector_load %arg6[%swap3A_190, %swap3A_191] {strides = array<i32>} : memref<80x128xf32, #tpu.memory_space<vmem>>, vector<1x16xf32>,
      %swap3A_193 = vector.shape_cast %swap3A_192 : vector<1x16xf32> to vector<16xf32>
      %swap3A_194 = vector.shape_cast %broadcast_in_dim3A_189 : vector<16xf32> to vector<1x16xf32>
      tpu.vector_store %arg6[%swap3A_190, %swap3A_191], %swap3A_194 {strides = array<i32>} : memref<80x128xf32, #tpu.memory_space<vmem>>, vector<1x16xf32>,
      %broadcast_in_dim3A_195 = arith.constant 0.000000e+00 : f32
      %broadcast_in_dim3A_196 = vector.broadcast %broadcast_in_dim3A_195 : f32 to vector<16xf32>
      %swap3A_197 = arith.index_cast %scan3A_168 : i32 to index
      %swap3A_198 = arith.constant 64 : index
      %swap3A_199 = tpu.vector_load %arg6[%swap3A_197, %swap3A_198] {strides = array<i32>} : memref<80x128xf32, #tpu.memory_space<vmem>>, vector<1x16xf32>,
      %swap3A_200 = vector.shape_cast %swap3A_199 : vector<1x16xf32> to vector<16xf32>
      %swap3A_201 = vector.shape_cast %broadcast_in_dim3A_196 : vector<16xf32> to vector<1x16xf32>
      tpu.vector_store %arg6[%swap3A_197, %swap3A_198], %swap3A_201 {strides = array<i32>} : memref<80x128xf32, #tpu.memory_space<vmem>>, vector<1x16xf32>,
      %broadcast_in_dim3A_202 = arith.constant 0.000000e+00 : f32
      %broadcast_in_dim3A_203 = vector.broadcast %broadcast_in_dim3A_202 : f32 to vector<16xf32>
      %swap3A_204 = arith.index_cast %scan3A_168 : i32 to index
      %swap3A_205 = arith.constant 80 : index
      %swap3A_206 = tpu.vector_load %arg6[%swap3A_204, %swap3A_205] {strides = array<i32>} : memref<80x128xf32, #tpu.memory_space<vmem>>, vector<1x16xf32>,
      %swap3A_207 = vector.shape_cast %swap3A_206 : vector<1x16xf32> to vector<16xf32>
      %swap3A_208 = vector.shape_cast %broadcast_in_dim3A_203 : vector<16xf32> to vector<1x16xf32>
      tpu.vector_store %arg6[%swap3A_204, %swap3A_205], %swap3A_208 {strides = array<i32>} : memref<80x128xf32, #tpu.memory_space<vmem>>, vector<1x16xf32>,
      %broadcast_in_dim3A_209 = arith.constant 0.000000e+00 : f32
      %broadcast_in_dim3A_210 = vector.broadcast %broadcast_in_dim3A_209 : f32 to vector<16xf32>
      %swap3A_211 = arith.index_cast %scan3A_168 : i32 to index
      %swap3A_212 = arith.constant 96 : index
      %swap3A_213 = tpu.vector_load %arg6[%swap3A_211, %swap3A_212] {strides = array<i32>} : memref<80x128xf32, #tpu.memory_space<vmem>>, vector<1x16xf32>,
      %swap3A_214 = vector.shape_cast %swap3A_213 : vector<1x16xf32> to vector<16xf32>
      %swap3A_215 = vector.shape_cast %broadcast_in_dim3A_210 : vector<16xf32> to vector<1x16xf32>
      tpu.vector_store %arg6[%swap3A_211, %swap3A_212], %swap3A_215 {strides = array<i32>} : memref<80x128xf32, #tpu.memory_space<vmem>>, vector<1x16xf32>,
      %broadcast_in_dim3A_216 = arith.constant 0.000000e+00 : f32
      %broadcast_in_dim3A_217 = vector.broadcast %broadcast_in_dim3A_216 : f32 to vector<16xf32>
      %swap3A_218 = arith.index_cast %scan3A_168 : i32 to index
      %swap3A_219 = arith.constant 112 : index
      %swap3A_220 = tpu.vector_load %arg6[%swap3A_218, %swap3A_219] {strides = array<i32>} : memref<80x128xf32, #tpu.memory_space<vmem>>, vector<1x16xf32>,
      %swap3A_221 = vector.shape_cast %swap3A_220 : vector<1x16xf32> to vector<16xf32>
      %swap3A_222 = vector.shape_cast %broadcast_in_dim3A_217 : vector<16xf32> to vector<1x16xf32>
      tpu.vector_store %arg6[%swap3A_218, %swap3A_219], %swap3A_222 {strides = array<i32>} : memref<80x128xf32, #tpu.memory_space<vmem>>, vector<1x16xf32>,
    }
    %scan3A_11 = arith.constant 80 : i32
    %mul3A_12 = arith.constant 640 : i32
    %mul3A_13 = arith.muli %arg1, %mul3A_12 : i32
    %add3A_14 = arith.constant 0 : i32
    %add3A_15 = arith.addi %mul3A_13, %add3A_14 : i32
    "tpu.region"() ({
      %run_scoped3A = tpu.sem_alloc : memref<!tpu.dma_semaphore, #tpu.memory_space<semaphore_mem>>
      %dma_start3A_168 = arith.constant 0 : i32
      %dma_start3A_169 = tpu.memref_slice %arg7[%add3A_15, %dma_start3A_168] : memref<10240x128xf32, #tpu.memory_space<vmem_shared>> -> memref<80x128xf32, #tpu.memory_space<vmem_shared>>
      %dma_start3A_170 = arith.constant 0 : i32
      %dma_start3A_171 = tpu.memref_slice %arg7[%add3A_15, %dma_start3A_170] : memref<10240x128xf32, #tpu.memory_space<vmem_shared>> -> memref<80x128xf32, #tpu.memory_space<vmem_shared>>
      tpu.enqueue_dma source(%arg6 : memref<80x128xf32, #tpu.memory_space<vmem>>) target(%dma_start3A_171 : memref<80x128xf32, #tpu.memory_space<vmem_shared>>) target_semaphore(%run_scoped3A : memref<!tpu.dma_semaphore, #tpu.memory_space<semaphore_mem>>)
      %dma_wait3A_172 = arith.constant 0 : i32
      %dma_wait3A_173 = tpu.memref_slice %arg7[%add3A_15, %dma_wait3A_172] : memref<10240x128xf32, #tpu.memory_space<vmem_shared>> -> memref<80x128xf32, #tpu.memory_space<vmem_shared>>
      %dma_wait3A_174 = arith.constant 0 : i32
      %dma_wait3A_175 = tpu.memref_slice %arg7[%add3A_15, %dma_wait3A_174] : memref<10240x128xf32, #tpu.memory_space<vmem_shared>> -> memref<80x128xf32, #tpu.memory_space<vmem_shared>>
      tpu.wait_dma2 semaphore(%run_scoped3A : memref<!tpu.dma_semaphore, #tpu.memory_space<semaphore_mem>>) src(%arg6 : memref<80x128xf32, #tpu.memory_space<vmem>>) dst(%dma_wait3A_175 : memref<80x128xf32, #tpu.memory_space<vmem_shared>>)
      tpu.yield
    }) : () -> ()
    %mul3A_16 = arith.constant 640 : i32
    %mul3A_17 = arith.muli %arg1, %mul3A_16 : i32
    %add3A_18 = arith.constant 80 : i32
    %add3A_19 = arith.addi %mul3A_17, %add3A_18 : i32
    "tpu.region"() ({
      %run_scoped3A = tpu.sem_alloc : memref<!tpu.dma_semaphore, #tpu.memory_space<semaphore_mem>>
      %dma_start3A_168 = arith.constant 0 : i32
      %dma_start3A_169 = tpu.memref_slice %arg7[%add3A_19, %dma_start3A_168] : memref<10240x128xf32, #tpu.memory_space<vmem_shared>> -> memref<80x128xf32, #tpu.memory_space<vmem_shared>>
      %dma_start3A_170 = arith.constant 0 : i32
      %dma_start3A_171 = tpu.memref_slice %arg7[%add3A_19, %dma_start3A_170] : memref<10240x128xf32, #tpu.memory_space<vmem_shared>> -> memref<80x128xf32, #tpu.memory_space<vmem_shared>>
      tpu.enqueue_dma source(%arg6 : memref<80x128xf32, #tpu.memory_space<vmem>>) target(%dma_start3A_171 : memref<80x128xf32, #tpu.memory_space<vmem_shared>>) target_semaphore(%run_scoped3A : memref<!tpu.dma_semaphore, #tpu.memory_space<semaphore_mem>>)
      %dma_wait3A_172 = arith.constant 0 : i32
      %dma_wait3A_173 = tpu.memref_slice %arg7[%add3A_19, %dma_wait3A_172] : memref<10240x128xf32, #tpu.memory_space<vmem_shared>> -> memref<80x128xf32, #tpu.memory_space<vmem_shared>>
      %dma_wait3A_174 = arith.constant 0 : i32
      %dma_wait3A_175 = tpu.memref_slice %arg7[%add3A_19, %dma_wait3A_174] : memref<10240x128xf32, #tpu.memory_space<vmem_shared>> -> memref<80x128xf32, #tpu.memory_space<vmem_shared>>
      tpu.wait_dma2 semaphore(%run_scoped3A : memref<!tpu.dma_semaphore, #tpu.memory_space<semaphore_mem>>) src(%arg6 : memref<80x128xf32, #tpu.memory_space<vmem>>) dst(%dma_wait3A_175 : memref<80x128xf32, #tpu.memory_space<vmem_shared>>)
      tpu.yield
    }) : () -> ()
    %mul3A_20 = arith.constant 640 : i32
    %mul3A_21 = arith.muli %arg1, %mul3A_20 : i32
    %add3A_22 = arith.constant 160 : i32
    %add3A_23 = arith.addi %mul3A_21, %add3A_22 : i32
    "tpu.region"() ({
      %run_scoped3A = tpu.sem_alloc : memref<!tpu.dma_semaphore, #tpu.memory_space<semaphore_mem>>
      %dma_start3A_168 = arith.constant 0 : i32
      %dma_start3A_169 = tpu.memref_slice %arg7[%add3A_23, %dma_start3A_168] : memref<10240x128xf32, #tpu.memory_space<vmem_shared>> -> memref<80x128xf32, #tpu.memory_space<vmem_shared>>
      %dma_start3A_170 = arith.constant 0 : i32
      %dma_start3A_171 = tpu.memref_slice %arg7[%add3A_23, %dma_start3A_170] : memref<10240x128xf32, #tpu.memory_space<vmem_shared>> -> memref<80x128xf32, #tpu.memory_space<vmem_shared>>
      tpu.enqueue_dma source(%arg6 : memref<80x128xf32, #tpu.memory_space<vmem>>) target(%dma_start3A_171 : memref<80x128xf32, #tpu.memory_space<vmem_shared>>) target_semaphore(%run_scoped3A : memref<!tpu.dma_semaphore, #tpu.memory_space<semaphore_mem>>)
      %dma_wait3A_172 = arith.constant 0 : i32
      %dma_wait3A_173 = tpu.memref_slice %arg7[%add3A_23, %dma_wait3A_172] : memref<10240x128xf32, #tpu.memory_space<vmem_shared>> -> memref<80x128xf32, #tpu.memory_space<vmem_shared>>
      %dma_wait3A_174 = arith.constant 0 : i32
      %dma_wait3A_175 = tpu.memref_slice %arg7[%add3A_23, %dma_wait3A_174] : memref<10240x128xf32, #tpu.memory_space<vmem_shared>> -> memref<80x128xf32, #tpu.memory_space<vmem_shared>>
      tpu.wait_dma2 semaphore(%run_scoped3A : memref<!tpu.dma_semaphore, #tpu.memory_space<semaphore_mem>>) src(%arg6 : memref<80x128xf32, #tpu.memory_space<vmem>>) dst(%dma_wait3A_175 : memref<80x128xf32, #tpu.memory_space<vmem_shared>>)
      tpu.yield
    }) : () -> ()
    %mul3A_24 = arith.constant 640 : i32
    %mul3A_25 = arith.muli %arg1, %mul3A_24 : i32
    %add3A_26 = arith.constant 240 : i32
    %add3A_27 = arith.addi %mul3A_25, %add3A_26 : i32
    "tpu.region"() ({
      %run_scoped3A = tpu.sem_alloc : memref<!tpu.dma_semaphore, #tpu.memory_space<semaphore_mem>>
      %dma_start3A_168 = arith.constant 0 : i32
      %dma_start3A_169 = tpu.memref_slice %arg7[%add3A_27, %dma_start3A_168] : memref<10240x128xf32, #tpu.memory_space<vmem_shared>> -> memref<80x128xf32, #tpu.memory_space<vmem_shared>>
      %dma_start3A_170 = arith.constant 0 : i32
      %dma_start3A_171 = tpu.memref_slice %arg7[%add3A_27, %dma_start3A_170] : memref<10240x128xf32, #tpu.memory_space<vmem_shared>> -> memref<80x128xf32, #tpu.memory_space<vmem_shared>>
      tpu.enqueue_dma source(%arg6 : memref<80x128xf32, #tpu.memory_space<vmem>>) target(%dma_start3A_171 : memref<80x128xf32, #tpu.memory_space<vmem_shared>>) target_semaphore(%run_scoped3A : memref<!tpu.dma_semaphore, #tpu.memory_space<semaphore_mem>>)
      %dma_wait3A_172 = arith.constant 0 : i32
      %dma_wait3A_173 = tpu.memref_slice %arg7[%add3A_27, %dma_wait3A_172] : memref<10240x128xf32, #tpu.memory_space<vmem_shared>> -> memref<80x128xf32, #tpu.memory_space<vmem_shared>>
      %dma_wait3A_174 = arith.constant 0 : i32
      %dma_wait3A_175 = tpu.memref_slice %arg7[%add3A_27, %dma_wait3A_174] : memref<10240x128xf32, #tpu.memory_space<vmem_shared>> -> memref<80x128xf32, #tpu.memory_space<vmem_shared>>
      tpu.wait_dma2 semaphore(%run_scoped3A : memref<!tpu.dma_semaphore, #tpu.memory_space<semaphore_mem>>) src(%arg6 : memref<80x128xf32, #tpu.memory_space<vmem>>) dst(%dma_wait3A_175 : memref<80x128xf32, #tpu.memory_space<vmem_shared>>)
      tpu.yield
    }) : () -> ()
    %mul3A_28 = arith.constant 640 : i32
    %mul3A_29 = arith.muli %arg1, %mul3A_28 : i32
    %add3A_30 = arith.constant 320 : i32
    %add3A_31 = arith.addi %mul3A_29, %add3A_30 : i32
    "tpu.region"() ({
      %run_scoped3A = tpu.sem_alloc : memref<!tpu.dma_semaphore, #tpu.memory_space<semaphore_mem>>
      %dma_start3A_168 = arith.constant 0 : i32
      %dma_start3A_169 = tpu.memref_slice %arg7[%add3A_31, %dma_start3A_168] : memref<10240x128xf32, #tpu.memory_space<vmem_shared>> -> memref<80x128xf32, #tpu.memory_space<vmem_shared>>
      %dma_start3A_170 = arith.constant 0 : i32
      %dma_start3A_171 = tpu.memref_slice %arg7[%add3A_31, %dma_start3A_170] : memref<10240x128xf32, #tpu.memory_space<vmem_shared>> -> memref<80x128xf32, #tpu.memory_space<vmem_shared>>
      tpu.enqueue_dma source(%arg6 : memref<80x128xf32, #tpu.memory_space<vmem>>) target(%dma_start3A_171 : memref<80x128xf32, #tpu.memory_space<vmem_shared>>) target_semaphore(%run_scoped3A : memref<!tpu.dma_semaphore, #tpu.memory_space<semaphore_mem>>)
      %dma_wait3A_172 = arith.constant 0 : i32
      %dma_wait3A_173 = tpu.memref_slice %arg7[%add3A_31, %dma_wait3A_172] : memref<10240x128xf32, #tpu.memory_space<vmem_shared>> -> memref<80x128xf32, #tpu.memory_space<vmem_shared>>
      %dma_wait3A_174 = arith.constant 0 : i32
      %dma_wait3A_175 = tpu.memref_slice %arg7[%add3A_31, %dma_wait3A_174] : memref<10240x128xf32, #tpu.memory_space<vmem_shared>> -> memref<80x128xf32, #tpu.memory_space<vmem_shared>>
      tpu.wait_dma2 semaphore(%run_scoped3A : memref<!tpu.dma_semaphore, #tpu.memory_space<semaphore_mem>>) src(%arg6 : memref<80x128xf32, #tpu.memory_space<vmem>>) dst(%dma_wait3A_175 : memref<80x128xf32, #tpu.memory_space<vmem_shared>>)
      tpu.yield
    }) : () -> ()
    %mul3A_32 = arith.constant 640 : i32
    %mul3A_33 = arith.muli %arg1, %mul3A_32 : i32
    %add3A_34 = arith.constant 400 : i32
    %add3A_35 = arith.addi %mul3A_33, %add3A_34 : i32
    "tpu.region"() ({
      %run_scoped3A = tpu.sem_alloc : memref<!tpu.dma_semaphore, #tpu.memory_space<semaphore_mem>>
      %dma_start3A_168 = arith.constant 0 : i32
      %dma_start3A_169 = tpu.memref_slice %arg7[%add3A_35, %dma_start3A_168] : memref<10240x128xf32, #tpu.memory_space<vmem_shared>> -> memref<80x128xf32, #tpu.memory_space<vmem_shared>>
      %dma_start3A_170 = arith.constant 0 : i32
      %dma_start3A_171 = tpu.memref_slice %arg7[%add3A_35, %dma_start3A_170] : memref<10240x128xf32, #tpu.memory_space<vmem_shared>> -> memref<80x128xf32, #tpu.memory_space<vmem_shared>>
      tpu.enqueue_dma source(%arg6 : memref<80x128xf32, #tpu.memory_space<vmem>>) target(%dma_start3A_171 : memref<80x128xf32, #tpu.memory_space<vmem_shared>>) target_semaphore(%run_scoped3A : memref<!tpu.dma_semaphore, #tpu.memory_space<semaphore_mem>>)
      %dma_wait3A_172 = arith.constant 0 : i32
      %dma_wait3A_173 = tpu.memref_slice %arg7[%add3A_35, %dma_wait3A_172] : memref<10240x128xf32, #tpu.memory_space<vmem_shared>> -> memref<80x128xf32, #tpu.memory_space<vmem_shared>>
      %dma_wait3A_174 = arith.constant 0 : i32
      %dma_wait3A_175 = tpu.memref_slice %arg7[%add3A_35, %dma_wait3A_174] : memref<10240x128xf32, #tpu.memory_space<vmem_shared>> -> memref<80x128xf32, #tpu.memory_space<vmem_shared>>
      tpu.wait_dma2 semaphore(%run_scoped3A : memref<!tpu.dma_semaphore, #tpu.memory_space<semaphore_mem>>) src(%arg6 : memref<80x128xf32, #tpu.memory_space<vmem>>) dst(%dma_wait3A_175 : memref<80x128xf32, #tpu.memory_space<vmem_shared>>)
      tpu.yield
    }) : () -> ()
    %mul3A_36 = arith.constant 640 : i32
    %mul3A_37 = arith.muli %arg1, %mul3A_36 : i32
    %add3A_38 = arith.constant 480 : i32
    %add3A_39 = arith.addi %mul3A_37, %add3A_38 : i32
    "tpu.region"() ({
      %run_scoped3A = tpu.sem_alloc : memref<!tpu.dma_semaphore, #tpu.memory_space<semaphore_mem>>
      %dma_start3A_168 = arith.constant 0 : i32
      %dma_start3A_169 = tpu.memref_slice %arg7[%add3A_39, %dma_start3A_168] : memref<10240x128xf32, #tpu.memory_space<vmem_shared>> -> memref<80x128xf32, #tpu.memory_space<vmem_shared>>
      %dma_start3A_170 = arith.constant 0 : i32
      %dma_start3A_171 = tpu.memref_slice %arg7[%add3A_39, %dma_start3A_170] : memref<10240x128xf32, #tpu.memory_space<vmem_shared>> -> memref<80x128xf32, #tpu.memory_space<vmem_shared>>
      tpu.enqueue_dma source(%arg6 : memref<80x128xf32, #tpu.memory_space<vmem>>) target(%dma_start3A_171 : memref<80x128xf32, #tpu.memory_space<vmem_shared>>) target_semaphore(%run_scoped3A : memref<!tpu.dma_semaphore, #tpu.memory_space<semaphore_mem>>)
      %dma_wait3A_172 = arith.constant 0 : i32
      %dma_wait3A_173 = tpu.memref_slice %arg7[%add3A_39, %dma_wait3A_172] : memref<10240x128xf32, #tpu.memory_space<vmem_shared>> -> memref<80x128xf32, #tpu.memory_space<vmem_shared>>
      %dma_wait3A_174 = arith.constant 0 : i32
      %dma_wait3A_175 = tpu.memref_slice %arg7[%add3A_39, %dma_wait3A_174] : memref<10240x128xf32, #tpu.memory_space<vmem_shared>> -> memref<80x128xf32, #tpu.memory_space<vmem_shared>>
      tpu.wait_dma2 semaphore(%run_scoped3A : memref<!tpu.dma_semaphore, #tpu.memory_space<semaphore_mem>>) src(%arg6 : memref<80x128xf32, #tpu.memory_space<vmem>>) dst(%dma_wait3A_175 : memref<80x128xf32, #tpu.memory_space<vmem_shared>>)
      tpu.yield
    }) : () -> ()
    %mul3A_40 = arith.constant 640 : i32
    %mul3A_41 = arith.muli %arg1, %mul3A_40 : i32
    %add3A_42 = arith.constant 560 : i32
    %add3A_43 = arith.addi %mul3A_41, %add3A_42 : i32
    "tpu.region"() ({
      %run_scoped3A = tpu.sem_alloc : memref<!tpu.dma_semaphore, #tpu.memory_space<semaphore_mem>>
      %dma_start3A_168 = arith.constant 0 : i32
      %dma_start3A_169 = tpu.memref_slice %arg7[%add3A_43, %dma_start3A_168] : memref<10240x128xf32, #tpu.memory_space<vmem_shared>> -> memref<80x128xf32, #tpu.memory_space<vmem_shared>>
      %dma_start3A_170 = arith.constant 0 : i32
      %dma_start3A_171 = tpu.memref_slice %arg7[%add3A_43, %dma_start3A_170] : memref<10240x128xf32, #tpu.memory_space<vmem_shared>> -> memref<80x128xf32, #tpu.memory_space<vmem_shared>>
      tpu.enqueue_dma source(%arg6 : memref<80x128xf32, #tpu.memory_space<vmem>>) target(%dma_start3A_171 : memref<80x128xf32, #tpu.memory_space<vmem_shared>>) target_semaphore(%run_scoped3A : memref<!tpu.dma_semaphore, #tpu.memory_space<semaphore_mem>>)
      %dma_wait3A_172 = arith.constant 0 : i32
      %dma_wait3A_173 = tpu.memref_slice %arg7[%add3A_43, %dma_wait3A_172] : memref<10240x128xf32, #tpu.memory_space<vmem_shared>> -> memref<80x128xf32, #tpu.memory_space<vmem_shared>>
      %dma_wait3A_174 = arith.constant 0 : i32
      %dma_wait3A_175 = tpu.memref_slice %arg7[%add3A_43, %dma_wait3A_174] : memref<10240x128xf32, #tpu.memory_space<vmem_shared>> -> memref<80x128xf32, #tpu.memory_space<vmem_shared>>
      tpu.wait_dma2 semaphore(%run_scoped3A : memref<!tpu.dma_semaphore, #tpu.memory_space<semaphore_mem>>) src(%arg6 : memref<80x128xf32, #tpu.memory_space<vmem>>) dst(%dma_wait3A_175 : memref<80x128xf32, #tpu.memory_space<vmem_shared>>)
      tpu.yield
    }) : () -> ()
    %barrier3A = arith.constant 0 : index
    tpu.barrier barrier_id(%barrier3A)
    %dma_start3A = arith.constant 0 : i32
    %dma_start3A_44 = arith.constant 0 : i32
    %dma_start3A_45 = tpu.memref_slice %arg4[%dma_start3A, %dma_start3A_44] : memref<125x80xi32, #tpu.memory_space<vmem>> -> memref<1x80xi32, #tpu.memory_space<vmem>>
    %dma_start3A_46 = tpu.memref_squeeze %dma_start3A_45 : memref<1x80xi32, #tpu.memory_space<vmem>> -> memref<80xi32, #tpu.memory_space<vmem>>
    %dma_start3A_47 = arith.constant 0 : i32
    %dma_start3A_48 = arith.constant 0 : i32
    %dma_start3A_49 = tpu.memref_slice %arg7[%dma_start3A_47, %dma_start3A_48] : memref<10240x128xf32, #tpu.memory_space<vmem_shared>> -> memref<10240x128xf32, #tpu.memory_space<vmem_shared>>
    tpu.enqueue_indirect_dma source(%arg5 : memref<80x128xf32, #tpu.memory_space<vmem>>) target(%dma_start3A_49 : memref<10240x128xf32, #tpu.memory_space<vmem_shared>>) offsets(%dma_start3A_46 : memref<80xi32, #tpu.memory_space<vmem>>) semaphore(%arg8 : memref<!tpu.dma_semaphore, #tpu.memory_space<semaphore_mem>>) {add = true}
    %dma_start3A_50 = arith.constant 1 : i32
    %dma_start3A_51 = arith.constant 0 : i32
    %dma_start3A_52 = tpu.memref_slice %arg4[%dma_start3A_50, %dma_start3A_51] : memref<125x80xi32, #tpu.memory_space<vmem>> -> memref<1x80xi32, #tpu.memory_space<vmem>>
    %dma_start3A_53 = tpu.memref_squeeze %dma_start3A_52 : memref<1x80xi32, #tpu.memory_space<vmem>> -> memref<80xi32, #tpu.memory_space<vmem>>
    %dma_start3A_54 = arith.constant 0 : i32
    %dma_start3A_55 = arith.constant 0 : i32
    %dma_start3A_56 = tpu.memref_slice %arg7[%dma_start3A_54, %dma_start3A_55] : memref<10240x128xf32, #tpu.memory_space<vmem_shared>> -> memref<10240x128xf32, #tpu.memory_space<vmem_shared>>
    tpu.enqueue_indirect_dma source(%arg5 : memref<80x128xf32, #tpu.memory_space<vmem>>) target(%dma_start3A_56 : memref<10240x128xf32, #tpu.memory_space<vmem_shared>>) offsets(%dma_start3A_53 : memref<80xi32, #tpu.memory_space<vmem>>) semaphore(%arg8 : memref<!tpu.dma_semaphore, #tpu.memory_space<semaphore_mem>>) {add = true}
    %dma_start3A_57 = arith.constant 2 : i32
    %dma_start3A_58 = arith.constant 0 : i32
    %dma_start3A_59 = tpu.memref_slice %arg4[%dma_start3A_57, %dma_start3A_58] : memref<125x80xi32, #tpu.memory_space<vmem>> -> memref<1x80xi32, #tpu.memory_space<vmem>>
    %dma_start3A_60 = tpu.memref_squeeze %dma_start3A_59 : memref<1x80xi32, #tpu.memory_space<vmem>> -> memref<80xi32, #tpu.memory_space<vmem>>
    %dma_start3A_61 = arith.constant 0 : i32
    %dma_start3A_62 = arith.constant 0 : i32
    %dma_start3A_63 = tpu.memref_slice %arg7[%dma_start3A_61, %dma_start3A_62] : memref<10240x128xf32, #tpu.memory_space<vmem_shared>> -> memref<10240x128xf32, #tpu.memory_space<vmem_shared>>
    tpu.enqueue_indirect_dma source(%arg5 : memref<80x128xf32, #tpu.memory_space<vmem>>) target(%dma_start3A_63 : memref<10240x128xf32, #tpu.memory_space<vmem_shared>>) offsets(%dma_start3A_60 : memref<80xi32, #tpu.memory_space<vmem>>) semaphore(%arg8 : memref<!tpu.dma_semaphore, #tpu.memory_space<semaphore_mem>>) {add = true}
    %dma_start3A_64 = arith.constant 3 : i32
    %dma_start3A_65 = arith.constant 0 : i32
    %dma_start3A_66 = tpu.memref_slice %arg4[%dma_start3A_64, %dma_start3A_65] : memref<125x80xi32, #tpu.memory_space<vmem>> -> memref<1x80xi32, #tpu.memory_space<vmem>>
    %dma_start3A_67 = tpu.memref_squeeze %dma_start3A_66 : memref<1x80xi32, #tpu.memory_space<vmem>> -> memref<80xi32, #tpu.memory_space<vmem>>
    %dma_start3A_68 = arith.constant 0 : i32
    %dma_start3A_69 = arith.constant 0 : i32
    %dma_start3A_70 = tpu.memref_slice %arg7[%dma_start3A_68, %dma_start3A_69] : memref<10240x128xf32, #tpu.memory_space<vmem_shared>> -> memref<10240x128xf32, #tpu.memory_space<vmem_shared>>
    tpu.enqueue_indirect_dma source(%arg5 : memref<80x128xf32, #tpu.memory_space<vmem>>) target(%dma_start3A_70 : memref<10240x128xf32, #tpu.memory_space<vmem_shared>>) offsets(%dma_start3A_67 : memref<80xi32, #tpu.memory_space<vmem>>) semaphore(%arg8 : memref<!tpu.dma_semaphore, #tpu.memory_space<semaphore_mem>>) {add = true}
    %dma_start3A_71 = arith.constant 4 : i32
    %dma_start3A_72 = arith.constant 0 : i32
    %dma_start3A_73 = tpu.memref_slice %arg4[%dma_start3A_71, %dma_start3A_72] : memref<125x80xi32, #tpu.memory_space<vmem>> -> memref<1x80xi32, #tpu.memory_space<vmem>>
    %dma_start3A_74 = tpu.memref_squeeze %dma_start3A_73 : memref<1x80xi32, #tpu.memory_space<vmem>> -> memref<80xi32, #tpu.memory_space<vmem>>
    %dma_start3A_75 = arith.constant 0 : i32
    %dma_start3A_76 = arith.constant 0 : i32
    %dma_start3A_77 = tpu.memref_slice %arg7[%dma_start3A_75, %dma_start3A_76] : memref<10240x128xf32, #tpu.memory_space<vmem_shared>> -> memref<10240x128xf32, #tpu.memory_space<vmem_shared>>
    tpu.enqueue_indirect_dma source(%arg5 : memref<80x128xf32, #tpu.memory_space<vmem>>) target(%dma_start3A_77 : memref<10240x128xf32, #tpu.memory_space<vmem_shared>>) offsets(%dma_start3A_74 : memref<80xi32, #tpu.memory_space<vmem>>) semaphore(%arg8 : memref<!tpu.dma_semaphore, #tpu.memory_space<semaphore_mem>>) {add = true}
    %dma_start3A_78 = arith.constant 5 : i32
    %dma_start3A_79 = arith.constant 0 : i32
    %dma_start3A_80 = tpu.memref_slice %arg4[%dma_start3A_78, %dma_start3A_79] : memref<125x80xi32, #tpu.memory_space<vmem>> -> memref<1x80xi32, #tpu.memory_space<vmem>>
    %dma_start3A_81 = tpu.memref_squeeze %dma_start3A_80 : memref<1x80xi32, #tpu.memory_space<vmem>> -> memref<80xi32, #tpu.memory_space<vmem>>
    %dma_start3A_82 = arith.constant 0 : i32
    %dma_start3A_83 = arith.constant 0 : i32
    %dma_start3A_84 = tpu.memref_slice %arg7[%dma_start3A_82, %dma_start3A_83] : memref<10240x128xf32, #tpu.memory_space<vmem_shared>> -> memref<10240x128xf32, #tpu.memory_space<vmem_shared>>
    tpu.enqueue_indirect_dma source(%arg5 : memref<80x128xf32, #tpu.memory_space<vmem>>) target(%dma_start3A_84 : memref<10240x128xf32, #tpu.memory_space<vmem_shared>>) offsets(%dma_start3A_81 : memref<80xi32, #tpu.memory_space<vmem>>) semaphore(%arg8 : memref<!tpu.dma_semaphore, #tpu.memory_space<semaphore_mem>>) {add = true}
    %dma_start3A_85 = arith.constant 6 : i32
    %dma_start3A_86 = arith.constant 0 : i32
    %dma_start3A_87 = tpu.memref_slice %arg4[%dma_start3A_85, %dma_start3A_86] : memref<125x80xi32, #tpu.memory_space<vmem>> -> memref<1x80xi32, #tpu.memory_space<vmem>>
    %dma_start3A_88 = tpu.memref_squeeze %dma_start3A_87 : memref<1x80xi32, #tpu.memory_space<vmem>> -> memref<80xi32, #tpu.memory_space<vmem>>
    %dma_start3A_89 = arith.constant 0 : i32
    %dma_start3A_90 = arith.constant 0 : i32
    %dma_start3A_91 = tpu.memref_slice %arg7[%dma_start3A_89, %dma_start3A_90] : memref<10240x128xf32, #tpu.memory_space<vmem_shared>> -> memref<10240x128xf32, #tpu.memory_space<vmem_shared>>
    tpu.enqueue_indirect_dma source(%arg5 : memref<80x128xf32, #tpu.memory_space<vmem>>) target(%dma_start3A_91 : memref<10240x128xf32, #tpu.memory_space<vmem_shared>>) offsets(%dma_start3A_88 : memref<80xi32, #tpu.memory_space<vmem>>) semaphore(%arg8 : memref<!tpu.dma_semaphore, #tpu.memory_space<semaphore_mem>>) {add = true}
    %dma_start3A_92 = arith.constant 7 : i32
    %dma_start3A_93 = arith.constant 0 : i32
    %dma_start3A_94 = tpu.memref_slice %arg4[%dma_start3A_92, %dma_start3A_93] : memref<125x80xi32, #tpu.memory_space<vmem>> -> memref<1x80xi32, #tpu.memory_space<vmem>>
    %dma_start3A_95 = tpu.memref_squeeze %dma_start3A_94 : memref<1x80xi32, #tpu.memory_space<vmem>> -> memref<80xi32, #tpu.memory_space<vmem>>
    %dma_start3A_96 = arith.constant 0 : i32
    %dma_start3A_97 = arith.constant 0 : i32
    %dma_start3A_98 = tpu.memref_slice %arg7[%dma_start3A_96, %dma_start3A_97] : memref<10240x128xf32, #tpu.memory_space<vmem_shared>> -> memref<10240x128xf32, #tpu.memory_space<vmem_shared>>
    tpu.enqueue_indirect_dma source(%arg5 : memref<80x128xf32, #tpu.memory_space<vmem>>) target(%dma_start3A_98 : memref<10240x128xf32, #tpu.memory_space<vmem_shared>>) offsets(%dma_start3A_95 : memref<80xi32, #tpu.memory_space<vmem>>) semaphore(%arg8 : memref<!tpu.dma_semaphore, #tpu.memory_space<semaphore_mem>>) {add = true}
    %scan3A_99 = arith.constant 0 : i32
    %scan3A_100 = arith.constant 0 : i32
    %scan3A_101 = arith.constant 117 : i32
    %scan3A_102 = arith.addi %scan3A_100, %scan3A_101 : i32
    %scan3A_103 = arith.constant 1 : i32
    scf.for %scan3A_168 = %scan3A_100 to %scan3A_102 step %scan3A_103  : i32 {
      %dma_wait3A_169 = arith.constant 0 : i32
      %dma_wait3A_170 = arith.constant 0 : i32
      %dma_wait3A_171 = tpu.memref_slice %arg4[%dma_wait3A_169, %dma_wait3A_170] : memref<125x80xi32, #tpu.memory_space<vmem>> -> memref<1x80xi32, #tpu.memory_space<vmem>>
      %dma_wait3A_172 = tpu.memref_squeeze %dma_wait3A_171 : memref<1x80xi32, #tpu.memory_space<vmem>> -> memref<80xi32, #tpu.memory_space<vmem>>
      %dma_wait3A_173 = arith.constant 0 : i32
      %dma_wait3A_174 = arith.constant 0 : i32
      %dma_wait3A_175 = tpu.memref_slice %arg7[%dma_wait3A_173, %dma_wait3A_174] : memref<10240x128xf32, #tpu.memory_space<vmem_shared>> -> memref<10240x128xf32, #tpu.memory_space<vmem_shared>>
      tpu.wait_indirect_dma semaphore(%arg8 : memref<!tpu.dma_semaphore, #tpu.memory_space<semaphore_mem>>) src(%arg5 : memref<80x128xf32, #tpu.memory_space<vmem>>) dst(%dma_wait3A_175 : memref<10240x128xf32, #tpu.memory_space<vmem_shared>>)
      %add3A_176 = arith.constant 8 : i32
      %add3A_177 = arith.addi %scan3A_168, %add3A_176 : i32
      %dma_start3A_178 = arith.constant 0 : i32
      %dma_start3A_179 = tpu.memref_slice %arg4[%add3A_177, %dma_start3A_178] : memref<125x80xi32, #tpu.memory_space<vmem>> -> memref<1x80xi32, #tpu.memory_space<vmem>>
      %dma_start3A_180 = tpu.memref_squeeze %dma_start3A_179 : memref<1x80xi32, #tpu.memory_space<vmem>> -> memref<80xi32, #tpu.memory_space<vmem>>
      %dma_start3A_181 = arith.constant 0 : i32
      %dma_start3A_182 = arith.constant 0 : i32
      %dma_start3A_183 = tpu.memref_slice %arg7[%dma_start3A_181, %dma_start3A_182] : memref<10240x128xf32, #tpu.memory_space<vmem_shared>> -> memref<10240x128xf32, #tpu.memory_space<vmem_shared>>
      tpu.enqueue_indirect_dma source(%arg5 : memref<80x128xf32, #tpu.memory_space<vmem>>) target(%dma_start3A_183 : memref<10240x128xf32, #tpu.memory_space<vmem_shared>>) offsets(%dma_start3A_180 : memref<80xi32, #tpu.memory_space<vmem>>) semaphore(%arg8 : memref<!tpu.dma_semaphore, #tpu.memory_space<semaphore_mem>>) {add = true}
    }
    %scan3A_104 = arith.constant 117 : i32
    %dma_wait3A = arith.constant 0 : i32
    %dma_wait3A_105 = arith.constant 0 : i32
    %dma_wait3A_106 = tpu.memref_slice %arg4[%dma_wait3A, %dma_wait3A_105] : memref<125x80xi32, #tpu.memory_space<vmem>> -> memref<1x80xi32, #tpu.memory_space<vmem>>
    %dma_wait3A_107 = tpu.memref_squeeze %dma_wait3A_106 : memref<1x80xi32, #tpu.memory_space<vmem>> -> memref<80xi32, #tpu.memory_space<vmem>>
    %dma_wait3A_108 = arith.constant 0 : i32
    %dma_wait3A_109 = arith.constant 0 : i32
    %dma_wait3A_110 = tpu.memref_slice %arg7[%dma_wait3A_108, %dma_wait3A_109] : memref<10240x128xf32, #tpu.memory_space<vmem_shared>> -> memref<10240x128xf32, #tpu.memory_space<vmem_shared>>
    tpu.wait_indirect_dma semaphore(%arg8 : memref<!tpu.dma_semaphore, #tpu.memory_space<semaphore_mem>>) src(%arg5 : memref<80x128xf32, #tpu.memory_space<vmem>>) dst(%dma_wait3A_110 : memref<10240x128xf32, #tpu.memory_space<vmem_shared>>)
    %dma_wait3A_111 = arith.constant 0 : i32
    %dma_wait3A_112 = arith.constant 0 : i32
    %dma_wait3A_113 = tpu.memref_slice %arg4[%dma_wait3A_111, %dma_wait3A_112] : memref<125x80xi32, #tpu.memory_space<vmem>> -> memref<1x80xi32, #tpu.memory_space<vmem>>
    %dma_wait3A_114 = tpu.memref_squeeze %dma_wait3A_113 : memref<1x80xi32, #tpu.memory_space<vmem>> -> memref<80xi32, #tpu.memory_space<vmem>>
    %dma_wait3A_115 = arith.constant 0 : i32
    %dma_wait3A_116 = arith.constant 0 : i32
    %dma_wait3A_117 = tpu.memref_slice %arg7[%dma_wait3A_115, %dma_wait3A_116] : memref<10240x128xf32, #tpu.memory_space<vmem_shared>> -> memref<10240x128xf32, #tpu.memory_space<vmem_shared>>
    tpu.wait_indirect_dma semaphore(%arg8 : memref<!tpu.dma_semaphore, #tpu.memory_space<semaphore_mem>>) src(%arg5 : memref<80x128xf32, #tpu.memory_space<vmem>>) dst(%dma_wait3A_117 : memref<10240x128xf32, #tpu.memory_space<vmem_shared>>)
    %dma_wait3A_118 = arith.constant 0 : i32
    %dma_wait3A_119 = arith.constant 0 : i32
    %dma_wait3A_120 = tpu.memref_slice %arg4[%dma_wait3A_118, %dma_wait3A_119] : memref<125x80xi32, #tpu.memory_space<vmem>> -> memref<1x80xi32, #tpu.memory_space<vmem>>
    %dma_wait3A_121 = tpu.memref_squeeze %dma_wait3A_120 : memref<1x80xi32, #tpu.memory_space<vmem>> -> memref<80xi32, #tpu.memory_space<vmem>>
    %dma_wait3A_122 = arith.constant 0 : i32
    %dma_wait3A_123 = arith.constant 0 : i32
    %dma_wait3A_124 = tpu.memref_slice %arg7[%dma_wait3A_122, %dma_wait3A_123] : memref<10240x128xf32, #tpu.memory_space<vmem_shared>> -> memref<10240x128xf32, #tpu.memory_space<vmem_shared>>
    tpu.wait_indirect_dma semaphore(%arg8 : memref<!tpu.dma_semaphore, #tpu.memory_space<semaphore_mem>>) src(%arg5 : memref<80x128xf32, #tpu.memory_space<vmem>>) dst(%dma_wait3A_124 : memref<10240x128xf32, #tpu.memory_space<vmem_shared>>)
    %dma_wait3A_125 = arith.constant 0 : i32
    %dma_wait3A_126 = arith.constant 0 : i32
    %dma_wait3A_127 = tpu.memref_slice %arg4[%dma_wait3A_125, %dma_wait3A_126] : memref<125x80xi32, #tpu.memory_space<vmem>> -> memref<1x80xi32, #tpu.memory_space<vmem>>
    %dma_wait3A_128 = tpu.memref_squeeze %dma_wait3A_127 : memref<1x80xi32, #tpu.memory_space<vmem>> -> memref<80xi32, #tpu.memory_space<vmem>>
    %dma_wait3A_129 = arith.constant 0 : i32
    %dma_wait3A_130 = arith.constant 0 : i32
    %dma_wait3A_131 = tpu.memref_slice %arg7[%dma_wait3A_129, %dma_wait3A_130] : memref<10240x128xf32, #tpu.memory_space<vmem_shared>> -> memref<10240x128xf32, #tpu.memory_space<vmem_shared>>
    tpu.wait_indirect_dma semaphore(%arg8 : memref<!tpu.dma_semaphore, #tpu.memory_space<semaphore_mem>>) src(%arg5 : memref<80x128xf32, #tpu.memory_space<vmem>>) dst(%dma_wait3A_131 : memref<10240x128xf32, #tpu.memory_space<vmem_shared>>)
    %dma_wait3A_132 = arith.constant 0 : i32
    %dma_wait3A_133 = arith.constant 0 : i32
    %dma_wait3A_134 = tpu.memref_slice %arg4[%dma_wait3A_132, %dma_wait3A_133] : memref<125x80xi32, #tpu.memory_space<vmem>> -> memref<1x80xi32, #tpu.memory_space<vmem>>
    %dma_wait3A_135 = tpu.memref_squeeze %dma_wait3A_134 : memref<1x80xi32, #tpu.memory_space<vmem>> -> memref<80xi32, #tpu.memory_space<vmem>>
    %dma_wait3A_136 = arith.constant 0 : i32
    %dma_wait3A_137 = arith.constant 0 : i32
    %dma_wait3A_138 = tpu.memref_slice %arg7[%dma_wait3A_136, %dma_wait3A_137] : memref<10240x128xf32, #tpu.memory_space<vmem_shared>> -> memref<10240x128xf32, #tpu.memory_space<vmem_shared>>
    tpu.wait_indirect_dma semaphore(%arg8 : memref<!tpu.dma_semaphore, #tpu.memory_space<semaphore_mem>>) src(%arg5 : memref<80x128xf32, #tpu.memory_space<vmem>>) dst(%dma_wait3A_138 : memref<10240x128xf32, #tpu.memory_space<vmem_shared>>)
    %dma_wait3A_139 = arith.constant 0 : i32
    %dma_wait3A_140 = arith.constant 0 : i32
    %dma_wait3A_141 = tpu.memref_slice %arg4[%dma_wait3A_139, %dma_wait3A_140] : memref<125x80xi32, #tpu.memory_space<vmem>> -> memref<1x80xi32, #tpu.memory_space<vmem>>
    %dma_wait3A_142 = tpu.memref_squeeze %dma_wait3A_141 : memref<1x80xi32, #tpu.memory_space<vmem>> -> memref<80xi32, #tpu.memory_space<vmem>>
    %dma_wait3A_143 = arith.constant 0 : i32
    %dma_wait3A_144 = arith.constant 0 : i32
    %dma_wait3A_145 = tpu.memref_slice %arg7[%dma_wait3A_143, %dma_wait3A_144] : memref<10240x128xf32, #tpu.memory_space<vmem_shared>> -> memref<10240x128xf32, #tpu.memory_space<vmem_shared>>
    tpu.wait_indirect_dma semaphore(%arg8 : memref<!tpu.dma_semaphore, #tpu.memory_space<semaphore_mem>>) src(%arg5 : memref<80x128xf32, #tpu.memory_space<vmem>>) dst(%dma_wait3A_145 : memref<10240x128xf32, #tpu.memory_space<vmem_shared>>)
    %dma_wait3A_146 = arith.constant 0 : i32
    %dma_wait3A_147 = arith.constant 0 : i32
    %dma_wait3A_148 = tpu.memref_slice %arg4[%dma_wait3A_146, %dma_wait3A_147] : memref<125x80xi32, #tpu.memory_space<vmem>> -> memref<1x80xi32, #tpu.memory_space<vmem>>
    %dma_wait3A_149 = tpu.memref_squeeze %dma_wait3A_148 : memref<1x80xi32, #tpu.memory_space<vmem>> -> memref<80xi32, #tpu.memory_space<vmem>>
    %dma_wait3A_150 = arith.constant 0 : i32
    %dma_wait3A_151 = arith.constant 0 : i32
    %dma_wait3A_152 = tpu.memref_slice %arg7[%dma_wait3A_150, %dma_wait3A_151] : memref<10240x128xf32, #tpu.memory_space<vmem_shared>> -> memref<10240x128xf32, #tpu.memory_space<vmem_shared>>
    tpu.wait_indirect_dma semaphore(%arg8 : memref<!tpu.dma_semaphore, #tpu.memory_space<semaphore_mem>>) src(%arg5 : memref<80x128xf32, #tpu.memory_space<vmem>>) dst(%dma_wait3A_152 : memref<10240x128xf32, #tpu.memory_space<vmem_shared>>)
    %dma_wait3A_153 = arith.constant 0 : i32
    %dma_wait3A_154 = arith.constant 0 : i32
    %dma_wait3A_155 = tpu.memref_slice %arg4[%dma_wait3A_153, %dma_wait3A_154] : memref<125x80xi32, #tpu.memory_space<vmem>> -> memref<1x80xi32, #tpu.memory_space<vmem>>
    %dma_wait3A_156 = tpu.memref_squeeze %dma_wait3A_155 : memref<1x80xi32, #tpu.memory_space<vmem>> -> memref<80xi32, #tpu.memory_space<vmem>>
    %dma_wait3A_157 = arith.constant 0 : i32
    %dma_wait3A_158 = arith.constant 0 : i32
    %dma_wait3A_159 = tpu.memref_slice %arg7[%dma_wait3A_157, %dma_wait3A_158] : memref<10240x128xf32, #tpu.memory_space<vmem_shared>> -> memref<10240x128xf32, #tpu.memory_space<vmem_shared>>
    tpu.wait_indirect_dma semaphore(%arg8 : memref<!tpu.dma_semaphore, #tpu.memory_space<semaphore_mem>>) src(%arg5 : memref<80x128xf32, #tpu.memory_space<vmem>>) dst(%dma_wait3A_159 : memref<10240x128xf32, #tpu.memory_space<vmem_shared>>)
    %barrier3A_160 = arith.constant 0 : index
    tpu.barrier barrier_id(%barrier3A_160)
    %mul3A_161 = arith.constant 640 : i32
    %mul3A_162 = arith.muli %arg1, %mul3A_161 : i32
    %mul3A_163 = arith.constant 10240 : i32
    %mul3A_164 = arith.muli %arg0, %mul3A_163 : i32
    %mul3A_165 = arith.constant 640 : i32
    %mul3A_166 = arith.muli %arg1, %mul3A_165 : i32
    %add3A_167 = arith.addi %mul3A_164, %mul3A_166 : i32
    "tpu.region"() ({
      %run_scoped3A = tpu.sem_alloc : memref<!tpu.dma_semaphore, #tpu.memory_space<semaphore_mem>>
      %dma_start3A_168 = arith.constant 0 : i32
      %dma_start3A_169 = tpu.memref_slice %arg3[%add3A_167, %dma_start3A_168] : memref<20480x128xf32, #tpu.memory_space<hbm>> -> memref<640x128xf32, #tpu.memory_space<hbm>>
      %dma_start3A_170 = arith.constant 0 : i32
      %dma_start3A_171 = tpu.memref_slice %arg7[%mul3A_162, %dma_start3A_170] : memref<10240x128xf32, #tpu.memory_space<vmem_shared>> -> memref<640x128xf32, #tpu.memory_space<vmem_shared>>
      tpu.enqueue_dma source(%dma_start3A_171 : memref<640x128xf32, #tpu.memory_space<vmem_shared>>) target(%dma_start3A_169 : memref<640x128xf32, #tpu.memory_space<hbm>>) target_semaphore(%run_scoped3A : memref<!tpu.dma_semaphore, #tpu.memory_space<semaphore_mem>>)
      %dma_wait3A_172 = arith.constant 0 : i32
      %dma_wait3A_173 = tpu.memref_slice %arg3[%add3A_167, %dma_wait3A_172] : memref<20480x128xf32, #tpu.memory_space<hbm>> -> memref<640x128xf32, #tpu.memory_space<hbm>>
      %dma_wait3A_174 = arith.constant 0 : i32
      %dma_wait3A_175 = tpu.memref_slice %arg7[%mul3A_162, %dma_wait3A_174] : memref<10240x128xf32, #tpu.memory_space<vmem_shared>> -> memref<640x128xf32, #tpu.memory_space<vmem_shared>>
      tpu.wait_dma2 semaphore(%run_scoped3A : memref<!tpu.dma_semaphore, #tpu.memory_space<semaphore_mem>>) src(%dma_wait3A_175 : memref<640x128xf32, #tpu.memory_space<vmem_shared>>) dst(%dma_wait3A_173 : memref<640x128xf32, #tpu.memory_space<hbm>>)
      tpu.yield
    }) : () -> ()
    return
  }
}

module attributes {stable_mosaic.version = 14 : i64} {
  func.func @_tc_a_body(%arg0: i32, %arg1: memref<2048x128xf32, #tpu.memory_space<vmem>>, %arg2: memref<2x2048x128xf32, #tpu.memory_space<vmem>>, %arg3: memref<128x128xf32, #tpu.memory_space<vmem>>, %arg4: memref<2048x128xf32, #tpu.memory_space<vmem>>, %arg5: memref<2048x1xf32, #tpu.memory_space<vmem>>) attributes {dimension_semantics = [#tpu.dimension_semantics<arbitrary>], iteration_bounds = array<i64: 5>, scalar_prefetch = 0 : i64, scratch_operands = 0 : i64, tpu.core_type = #tpu.core_type<tc>, window_params = [{transform_indices = @transform_0, window_bounds = array<i64: 2048, 128>}, {transform_indices = @transform_1, window_bounds = array<i64: 2, 2048, 128>}, {pipeline_mode = #tpu.pipeline_mode<synchronous>, transform_indices = @transform_2, window_bounds = array<i64: 128, 128>}, {transform_indices = @transform_3, window_bounds = array<i64: 2048, 128>}, {transform_indices = @transform_4, window_bounds = array<i64: 2048, 1>}]} {
    %get3A = arith.constant 0 : index
    %get3A_0 = arith.constant 0 : index
    %get3A_1 = arith.constant 0 : index
    %get3A_2 = vector.load %arg2[%get3A, %get3A_0, %get3A_1] : memref<2x2048x128xf32, #tpu.memory_space<vmem>>, vector<1x2048x1xf32>
    %get3A_3 = vector.shape_cast %get3A_2 : vector<1x2048x1xf32> to vector<2048x1xf32>
    %add3A = arith.constant 1.000000e+00 : f32
    %add3A_4 = vector.broadcast %add3A : f32 to vector<2048x1xf32>
    %add3A_5 = arith.addf %add3A_4, %get3A_3 : vector<2048x1xf32>
    %get3A_6 = arith.constant 1 : index
    %get3A_7 = arith.constant 0 : index
    %get3A_8 = arith.constant 0 : index
    %get3A_9 = vector.load %arg2[%get3A_6, %get3A_7, %get3A_8] : memref<2x2048x128xf32, #tpu.memory_space<vmem>>, vector<1x2048x1xf32>
    %get3A_10 = vector.shape_cast %get3A_9 : vector<1x2048x1xf32> to vector<2048x1xf32>
    %add3A_11 = arith.addf %add3A_5, %get3A_10 : vector<2048x1xf32>
    %rsqrt3A = math.rsqrt %add3A_11 : vector<2048x1xf32>
    %get3A_12 = arith.constant 0 : index
    %get3A_13 = arith.constant 0 : index
    %get3A_14 = vector.load %arg1[%get3A_12, %get3A_13] : memref<2048x128xf32, #tpu.memory_space<vmem>>, vector<2048x128xf32>
    %get3A_15 = arith.constant 0 : index
    %get3A_16 = arith.constant 0 : index
    %get3A_17 = vector.load %arg3[%get3A_15, %get3A_16] : memref<128x128xf32, #tpu.memory_space<vmem>>, vector<128x128xf32>
    %dot_general3A = arith.constant dense<0.000000e+00> : vector<2048x128xf32>
    %dot_general3A_18 = tpu.matmul %get3A_14, %get3A_17, %dot_general3A {dimension_numbers = #tpu.dot_dimension_numbers<[1], [0], [0], [1], [0, 0, 1, 1], [], []>, transpose_lhs_hint = false} : vector<2048x128xf32>, vector<128x128xf32>, vector<2048x128xf32> -> vector<2048x128xf32>
    %mul3A = vector.broadcast %rsqrt3A : vector<2048x1xf32> to vector<2048x128xf32>
    %mul3A_19 = arith.mulf %mul3A, %dot_general3A_18 : vector<2048x128xf32>
    %swap3A = arith.constant 0 : index
    %swap3A_20 = arith.constant 0 : index
    %swap3A_21 = vector.load %arg4[%swap3A, %swap3A_20] : memref<2048x128xf32, #tpu.memory_space<vmem>>, vector<2048x128xf32>
    tpu.vector_store %arg4[%swap3A, %swap3A_20], %mul3A_19 {strides = array<i32>} : memref<2048x128xf32, #tpu.memory_space<vmem>>, vector<2048x128xf32>,
    %swap3A_22 = arith.constant 0 : index
    %swap3A_23 = arith.constant 0 : index
    %swap3A_24 = vector.load %arg5[%swap3A_22, %swap3A_23] : memref<2048x1xf32, #tpu.memory_space<vmem>>, vector<2048x1xf32>
    tpu.vector_store %arg5[%swap3A_22, %swap3A_23], %rsqrt3A {strides = array<i32>} : memref<2048x1xf32, #tpu.memory_space<vmem>>, vector<2048x1xf32>,
    return
  }
  func.func @transform_0(%arg0: i32) -> (i32, i32) {
    %c0_i32 = arith.constant 0 : i32
    %c0_i32_0 = arith.constant 0 : i32
    return %arg0, %c0_i32 : i32, i32
  }
  func.func @transform_1(%arg0: i32) -> (i32, i32, i32) {
    %c0_i32 = arith.constant 0 : i32
    %c0_i32_0 = arith.constant 0 : i32
    %c0_i32_1 = arith.constant 0 : i32
    return %c0_i32, %arg0, %c0_i32_0 : i32, i32, i32
  }
  func.func @transform_2(%arg0: i32) -> (i32, i32) {
    %c0_i32 = arith.constant 0 : i32
    %c0_i32_0 = arith.constant 0 : i32
    %c0_i32_1 = arith.constant 0 : i32
    return %c0_i32, %c0_i32_0 : i32, i32
  }
  func.func @transform_3(%arg0: i32) -> (i32, i32) {
    %c0_i32 = arith.constant 0 : i32
    %c0_i32_0 = arith.constant 0 : i32
    return %arg0, %c0_i32 : i32, i32
  }
  func.func @transform_4(%arg0: i32) -> (i32, i32) {
    %c0_i32 = arith.constant 0 : i32
    %c0_i32_0 = arith.constant 0 : i32
    return %arg0, %c0_i32 : i32, i32
  }
}

module attributes {stable_mosaic.version = 14 : i64} {
  func.func @_tc_b_body(%arg0: i32, %arg1: memref<2x2048x128xf32, #tpu.memory_space<vmem>>, %arg2: memref<2048x128xf32, #tpu.memory_space<vmem>>, %arg3: memref<2048x1xf32, #tpu.memory_space<vmem>>, %arg4: memref<128x128xf32, #tpu.memory_space<vmem>>, %arg5: memref<1x128xf32, #tpu.memory_space<vmem>>, %arg6: memref<2048x128xf32, #tpu.memory_space<vmem>>) attributes {dimension_semantics = [#tpu.dimension_semantics<arbitrary>], iteration_bounds = array<i64: 5>, scalar_prefetch = 0 : i64, scratch_operands = 0 : i64, tpu.core_type = #tpu.core_type<tc>, window_params = [{transform_indices = @transform_0, window_bounds = array<i64: 2, 2048, 128>}, {transform_indices = @transform_1, window_bounds = array<i64: 2048, 128>}, {transform_indices = @transform_2, window_bounds = array<i64: 2048, 1>}, {pipeline_mode = #tpu.pipeline_mode<synchronous>, transform_indices = @transform_3, window_bounds = array<i64: 128, 128>}, {pipeline_mode = #tpu.pipeline_mode<synchronous>, transform_indices = @transform_4, window_bounds = array<i64: 1, 128>}, {transform_indices = @transform_5, window_bounds = array<i64: 2048, 128>}]} {
    %get3A = arith.constant 0 : index
    %get3A_0 = arith.constant 0 : index
    %get3A_1 = arith.constant 0 : index
    %get3A_2 = vector.load %arg1[%get3A, %get3A_0, %get3A_1] : memref<2x2048x128xf32, #tpu.memory_space<vmem>>, vector<1x2048x128xf32>
    %get3A_3 = vector.shape_cast %get3A_2 : vector<1x2048x128xf32> to vector<2048x128xf32>
    %get3A_4 = arith.constant 1 : index
    %get3A_5 = arith.constant 0 : index
    %get3A_6 = arith.constant 0 : index
    %get3A_7 = vector.load %arg1[%get3A_4, %get3A_5, %get3A_6] : memref<2x2048x128xf32, #tpu.memory_space<vmem>>, vector<1x2048x128xf32>
    %get3A_8 = vector.shape_cast %get3A_7 : vector<1x2048x128xf32> to vector<2048x128xf32>
    %add3A = arith.addf %get3A_3, %get3A_8 : vector<2048x128xf32>
    %get3A_9 = arith.constant 0 : index
    %get3A_10 = arith.constant 0 : index
    %get3A_11 = vector.load %arg2[%get3A_9, %get3A_10] : memref<2048x128xf32, #tpu.memory_space<vmem>>, vector<2048x128xf32>
    %add3A_12 = arith.addf %add3A, %get3A_11 : vector<2048x128xf32>
    %get3A_13 = arith.constant 0 : index
    %get3A_14 = arith.constant 0 : index
    %get3A_15 = vector.load %arg3[%get3A_13, %get3A_14] : memref<2048x1xf32, #tpu.memory_space<vmem>>, vector<2048x1xf32>
    %mul3A = vector.broadcast %get3A_15 : vector<2048x1xf32> to vector<2048x128xf32>
    %mul3A_16 = arith.mulf %mul3A, %add3A_12 : vector<2048x128xf32>
    %get3A_17 = arith.constant 0 : index
    %get3A_18 = arith.constant 0 : index
    %get3A_19 = vector.load %arg5[%get3A_17, %get3A_18] : memref<1x128xf32, #tpu.memory_space<vmem>>, vector<1x128xf32>
    %add3A_20 = vector.broadcast %get3A_19 : vector<1x128xf32> to vector<2048x128xf32>
    %add3A_21 = arith.addf %mul3A_16, %add3A_20 : vector<2048x128xf32>
    %max3A = arith.constant 0.000000e+00 : f32
    %max3A_22 = vector.broadcast %max3A : f32 to vector<2048x128xf32>
    %max3A_23 = arith.maximumf %add3A_21, %max3A_22 : vector<2048x128xf32>
    %get3A_24 = arith.constant 0 : index
    %get3A_25 = arith.constant 0 : index
    %get3A_26 = vector.load %arg3[%get3A_24, %get3A_25] : memref<2048x1xf32, #tpu.memory_space<vmem>>, vector<2048x1xf32>
    %get3A_27 = arith.constant 0 : index
    %get3A_28 = arith.constant 0 : index
    %get3A_29 = vector.load %arg4[%get3A_27, %get3A_28] : memref<128x128xf32, #tpu.memory_space<vmem>>, vector<128x128xf32>
    %dot_general3A = arith.constant dense<0.000000e+00> : vector<2048x128xf32>
    %dot_general3A_30 = tpu.matmul %max3A_23, %get3A_29, %dot_general3A {dimension_numbers = #tpu.dot_dimension_numbers<[1], [0], [0], [1], [0, 0, 1, 1], [], []>, transpose_lhs_hint = false} : vector<2048x128xf32>, vector<128x128xf32>, vector<2048x128xf32> -> vector<2048x128xf32>
    %mul3A_31 = vector.broadcast %get3A_26 : vector<2048x1xf32> to vector<2048x128xf32>
    %mul3A_32 = arith.mulf %mul3A_31, %dot_general3A_30 : vector<2048x128xf32>
    %swap3A = arith.constant 0 : index
    %swap3A_33 = arith.constant 0 : index
    %swap3A_34 = vector.load %arg6[%swap3A, %swap3A_33] : memref<2048x128xf32, #tpu.memory_space<vmem>>, vector<2048x128xf32>
    tpu.vector_store %arg6[%swap3A, %swap3A_33], %mul3A_32 {strides = array<i32>} : memref<2048x128xf32, #tpu.memory_space<vmem>>, vector<2048x128xf32>,
    return
  }
  func.func @transform_0(%arg0: i32) -> (i32, i32, i32) {
    %c0_i32 = arith.constant 0 : i32
    %c0_i32_0 = arith.constant 0 : i32
    %c0_i32_1 = arith.constant 0 : i32
    return %c0_i32, %arg0, %c0_i32_0 : i32, i32, i32
  }
  func.func @transform_1(%arg0: i32) -> (i32, i32) {
    %c0_i32 = arith.constant 0 : i32
    %c0_i32_0 = arith.constant 0 : i32
    return %arg0, %c0_i32 : i32, i32
  }
  func.func @transform_2(%arg0: i32) -> (i32, i32) {
    %c0_i32 = arith.constant 0 : i32
    %c0_i32_0 = arith.constant 0 : i32
    return %arg0, %c0_i32 : i32, i32
  }
  func.func @transform_3(%arg0: i32) -> (i32, i32) {
    %c0_i32 = arith.constant 0 : i32
    %c0_i32_0 = arith.constant 0 : i32
    %c0_i32_1 = arith.constant 0 : i32
    return %c0_i32, %c0_i32_0 : i32, i32
  }
  func.func @transform_4(%arg0: i32) -> (i32, i32) {
    %c0_i32 = arith.constant 0 : i32
    %c0_i32_0 = arith.constant 0 : i32
    %c0_i32_1 = arith.constant 0 : i32
    return %c0_i32, %c0_i32_0 : i32, i32
  }
  func.func @transform_5(%arg0: i32) -> (i32, i32) {
    %c0_i32 = arith.constant 0 : i32
    %c0_i32_0 = arith.constant 0 : i32
    return %arg0, %c0_i32 : i32, i32
  }
}

module attributes {stable_mosaic.version = 14 : i64} {
  func.func @_tc_c_body(%arg0: i32, %arg1: memref<2x2048x128xf32, #tpu.memory_space<vmem>>, %arg2: memref<2048x128xf32, #tpu.memory_space<vmem>>, %arg3: memref<2048x1xf32, #tpu.memory_space<vmem>>, %arg4: memref<1x128xf32, #tpu.memory_space<vmem>>, %arg5: memref<2048x128xf32, #tpu.memory_space<vmem>>) attributes {dimension_semantics = [#tpu.dimension_semantics<arbitrary>], iteration_bounds = array<i64: 5>, scalar_prefetch = 0 : i64, scratch_operands = 0 : i64, tpu.core_type = #tpu.core_type<tc>, window_params = [{transform_indices = @transform_0, window_bounds = array<i64: 2, 2048, 128>}, {transform_indices = @transform_1, window_bounds = array<i64: 2048, 128>}, {transform_indices = @transform_2, window_bounds = array<i64: 2048, 1>}, {pipeline_mode = #tpu.pipeline_mode<synchronous>, transform_indices = @transform_3, window_bounds = array<i64: 1, 128>}, {transform_indices = @transform_4, window_bounds = array<i64: 2048, 128>}]} {
    %get3A = arith.constant 0 : index
    %get3A_0 = arith.constant 0 : index
    %get3A_1 = arith.constant 0 : index
    %get3A_2 = vector.load %arg1[%get3A, %get3A_0, %get3A_1] : memref<2x2048x128xf32, #tpu.memory_space<vmem>>, vector<1x2048x128xf32>
    %get3A_3 = vector.shape_cast %get3A_2 : vector<1x2048x128xf32> to vector<2048x128xf32>
    %get3A_4 = arith.constant 1 : index
    %get3A_5 = arith.constant 0 : index
    %get3A_6 = arith.constant 0 : index
    %get3A_7 = vector.load %arg1[%get3A_4, %get3A_5, %get3A_6] : memref<2x2048x128xf32, #tpu.memory_space<vmem>>, vector<1x2048x128xf32>
    %get3A_8 = vector.shape_cast %get3A_7 : vector<1x2048x128xf32> to vector<2048x128xf32>
    %add3A = arith.addf %get3A_3, %get3A_8 : vector<2048x128xf32>
    %get3A_9 = arith.constant 0 : index
    %get3A_10 = arith.constant 0 : index
    %get3A_11 = vector.load %arg2[%get3A_9, %get3A_10] : memref<2048x128xf32, #tpu.memory_space<vmem>>, vector<2048x128xf32>
    %add3A_12 = arith.addf %add3A, %get3A_11 : vector<2048x128xf32>
    %get3A_13 = arith.constant 0 : index
    %get3A_14 = arith.constant 0 : index
    %get3A_15 = vector.load %arg3[%get3A_13, %get3A_14] : memref<2048x1xf32, #tpu.memory_space<vmem>>, vector<2048x1xf32>
    %mul3A = vector.broadcast %get3A_15 : vector<2048x1xf32> to vector<2048x128xf32>
    %mul3A_16 = arith.mulf %mul3A, %add3A_12 : vector<2048x128xf32>
    %get3A_17 = arith.constant 0 : index
    %get3A_18 = arith.constant 0 : index
    %get3A_19 = vector.load %arg4[%get3A_17, %get3A_18] : memref<1x128xf32, #tpu.memory_space<vmem>>, vector<1x128xf32>
    %add3A_20 = vector.broadcast %get3A_19 : vector<1x128xf32> to vector<2048x128xf32>
    %add3A_21 = arith.addf %mul3A_16, %add3A_20 : vector<2048x128xf32>
    %swap3A = arith.constant 0 : index
    %swap3A_22 = arith.constant 0 : index
    %swap3A_23 = vector.load %arg5[%swap3A, %swap3A_22] : memref<2048x128xf32, #tpu.memory_space<vmem>>, vector<2048x128xf32>
    tpu.vector_store %arg5[%swap3A, %swap3A_22], %add3A_21 {strides = array<i32>} : memref<2048x128xf32, #tpu.memory_space<vmem>>, vector<2048x128xf32>,
    return
  }
  func.func @transform_0(%arg0: i32) -> (i32, i32, i32) {
    %c0_i32 = arith.constant 0 : i32
    %c0_i32_0 = arith.constant 0 : i32
    %c0_i32_1 = arith.constant 0 : i32
    return %c0_i32, %arg0, %c0_i32_0 : i32, i32, i32
  }
  func.func @transform_1(%arg0: i32) -> (i32, i32) {
    %c0_i32 = arith.constant 0 : i32
    %c0_i32_0 = arith.constant 0 : i32
    return %arg0, %c0_i32 : i32, i32
  }
  func.func @transform_2(%arg0: i32) -> (i32, i32) {
    %c0_i32 = arith.constant 0 : i32
    %c0_i32_0 = arith.constant 0 : i32
    return %arg0, %c0_i32 : i32, i32
  }
  func.func @transform_3(%arg0: i32) -> (i32, i32) {
    %c0_i32 = arith.constant 0 : i32
    %c0_i32_0 = arith.constant 0 : i32
    %c0_i32_1 = arith.constant 0 : i32
    return %c0_i32, %c0_i32_0 : i32, i32
  }
  func.func @transform_4(%arg0: i32) -> (i32, i32) {
    %c0_i32 = arith.constant 0 : i32
    %c0_i32_0 = arith.constant 0 : i32
    return %arg0, %c0_i32 : i32, i32
  }
}

</mosaic_0001>

<sc_bundles>
// kernel: kernel.11.cloned.1.call-start
scs
__scs_entry_jumppad:
0x0: {  	(pc) =	sbr.rel $0x88, $3  }
0x1: {  	(tag) =	ssettag $0x0;
	lr =	simm.s32 $0x1  }
0x2: {  	[smem:$0x3F9B] =	sst lr;
	_ =	strace $0xD0000000  }
0x3: {  	_ = 	snop  }
0x4: {  	_ = 	snop  }
0x5: {  	_ = 	snop  }
0x6: {  	_ = 	snop  }
0x7: {  	_ = 	snop  }
__scs_overlays_trampoline_lowered:
0x8: {  	[smem:$0x3FAA] =	sst s0  }
0x9: {  	[smem:$0x3FAB] =	sst s1  }
0xa: {  	[smem:$0x3FAC] =	sst s2  }
0xb: {  	[smem:$0x3FAD] =	sst s3  }
0xc: {  	[smem:$0x3FAE] =	sst s4  }
0xd: {  	[smem:$0x3FAF] =	sst s5  }
0xe: {  	[smem:$0x3FB0] =	sst s6  }
0xf: {  	[smem:$0x3FB1] =	sst s7  }
0x10: {  	[smem:$0x3FB2] =	sst s8  }
0x11: {  	[smem:$0x3FB3] =	sst s9;
	s0 =	simm.s32 @!p0 $0x0  }
0x12: {  	s1 =	sld [smem:$0x3F99];
	s0 =	simm.s32 @p0 $0x1  }
0x13: {  	[smem:$0x3FB4] =	sst s0;
	s0 =	simm.s32 @!p1 $0x0  }
0x14: {  	s2 =	sld [smem:$0x3F98];
	s0 =	simm.s32 @p1 $0x1  }
0x15: {  	[smem:$0x3FB5] =	sst s0;
	s0 =	simm.s32 @!p2 $0x0  }
0x16: {  	s3 =	sld [smem:$0x3FDB];
	s0 =	simm.s32 @p2 $0x1  }
0x17: {  	s4 =	simm.s32 $0x1BF5;
	[smem:$0x3FB7] =	sst s0  }
0x18: {  	s0 =	sld [smem:$0x3F9A];
	_ =	swait.ge [sflag:s4], $0x0  }
0x19: {  	s7 =	sld [smem:$0x3F9B]  }
0x1a: {  	s8 =	sadd.s32 $0xFFFFE003, lr  }
0x1b: {  	s9 =	sadd.s32 $0xFFFFFEF7, lr;
	s5 =	simm.s32 $0xFFFFFFFF;
	p2 =	slt.u32 s8, $0xFFFFF086  }
0x1c: {  	p1 =	slt.u32 s9, $0xF7A;
	s5 =	simm.s32 @!p2 $0x0  }
0x1d: {  	s5 =	simm.s32 @p1 $0x1;
	p0 =	seq.s32 s7, s2  }
0x1e: {  	s7 =	smul.u32 @!p0 $0xF7A, s2;
	p2 =	seq.s32 @!p0 s5, $0x0  }
0x1f: {  	s9 =	smul.u32 $0xF7A, s1;
	s8 =	simm.s32 @!p0 $0x1BF5;
	p2 =	por !p2, p0  }
0x20: {  	[sflag:s8] =	ssyncset.s32 @!p0 $0xFFFFF086;
	s6 =	sadd.s32 @!p0 s3, s7;
	s7 =	simm.s32 @!p0 $0x108  }
0x21: {  	s3 =	sadd.s32 s3, s9;
	s6 =	sadd.s32 @!p0 $0x88, s6;
	s7 =	simm.s32 @p2 $0x1082  }
0x22: {  	[simem:s7], [sflag:s8] =	dma.local @!p0 [hbm:s6], $0xF7A  }
0x23: {  	s9 =	sor.u32 $0xD0000000, s2;
	s6 =	simm.s32 $0x108;
	_ =	swait.ge @!p0 [sflag:s8], $0x0  }
0x24: {  	s3 =	sadd.s32 $0x88, s3;
	s6 =	simm.s32 @!p1 $0x1082;
	[sflag:s4] =	ssyncset.s32 $0xFFFFF086  }
0x25: {  	[simem:s6], [sflag:s4] =	dma.local [hbm:s3], $0xF7A  }
0x26: {  	[smem:$0x3F9B] =	sst s1;
	(tag) =	ssettag s2;
	_ =	strace s9  }
0x27: {  	s1 =	sld [smem:$0x3FAB]  }
0x28: {  	s2 =	sld [smem:$0x3FAC]  }
0x29: {  	s4 =	sld [smem:$0x3FAE]  }
0x2a: {  	p0 =	seq.s32 s5, $0x0;
	s5 =	sld [smem:$0x3FAF]  }
0x2b: {  	s6 =	sld [smem:$0x3FB0]  }
0x2c: {  	s7 =	sld [smem:$0x3FB1]  }
0x2d: {  	s3 =	simm.s32 $0x108;
	s8 =	sld [smem:$0x3FB2]  }
0x2e: {  	s3 =	simm.s32 @!p0 $0x1082;
	s9 =	sld [smem:$0x3FB3]  }
0x2f: {  	lr =	sadd.s32 s0, s3;
	s0 =	sld [smem:$0x3FAA]  }
0x30: {  	s3 =	sld [smem:$0x3FAD]  }
0x31: {  	[smem:$0x3FB6] =	sst s10  }
0x32: {  	s10 =	sld [smem:$0x3FB4];
	_ =	sdelay $0x3  }
0x33: {  	p0 =	seq.s32 s10, $0x1;
	s10 =	sld [smem:$0x3FB6];
	_ =	sdelay $0x3  }
0x34: {  	[smem:$0x3FB6] =	sst s10  }
0x35: {  	s10 =	sld [smem:$0x3FB5];
	_ =	sdelay $0x3  }
0x36: {  	p1 =	seq.s32 s10, $0x1;
	s10 =	sld [smem:$0x3FB6];
	_ =	sdelay $0x3  }
0x37: {  	[smem:$0x3FB6] =	sst s10  }
0x38: {  	s10 =	sld [smem:$0x3FB7]  }
0x39: {  	_ = 	snop;
	(pc) =	sbr.ind lr, $3  }
0x3a: {  	_ = 	snop  }
0x3b: {  	_ = 	snop  }
0x3c: {  	p2 =	seq.s32 s10, $0x1;
	s10 =	sld [smem:$0x3FB6]  }
0x3d: {  	_ =	shalt  }
0x3e: {  	_ =	shalt  }
0x3f: {  	_ =	shalt  }
0x40: {  	_ =	shalt  }
0x41: {  	_ =	shalt  }
0x42: {  	_ =	shalt  }
0x43: {  	_ =	shalt  }
0x44: {  	_ =	shalt  }
0x45: {  	_ =	shalt  }
0x46: {  	_ =	shalt  }
0x47: {  	_ =	shalt  }
0x48: {  	_ =	shalt  }
0x49: {  	_ =	shalt  }
0x4a: {  	_ =	shalt  }
0x4b: {  	_ =	shalt  }
0x4c: {  	_ =	shalt  }
0x4d: {  	_ =	shalt  }
0x4e: {  	_ =	shalt  }
0x4f: {  	_ =	shalt  }
0x50: {  	_ =	shalt  }
0x51: {  	_ =	shalt  }
0x52: {  	_ =	shalt  }
0x53: {  	_ =	shalt  }
0x54: {  	_ =	shalt  }
0x55: {  	_ =	shalt  }
0x56: {  	_ =	shalt  }
0x57: {  	_ =	shalt  }
0x58: {  	_ =	shalt  }
0x59: {  	_ =	shalt  }
0x5a: {  	_ =	shalt  }
0x5b: {  	_ =	shalt  }
0x5c: {  	_ =	shalt  }
0x5d: {  	_ =	shalt  }
0x5e: {  	_ =	shalt  }
0x5f: {  	_ =	shalt  }
0x60: {  	_ =	shalt  }
0x61: {  	_ =	shalt  }
0x62: {  	_ =	shalt  }
0x63: {  	_ =	shalt  }
0x64: {  	_ =	shalt  }
0x65: {  	_ =	shalt  }
0x66: {  	_ =	shalt  }
0x67: {  	_ =	shalt  }
0x68: {  	_ =	shalt  }
0x69: {  	_ =	shalt  }
0x6a: {  	_ =	shalt  }
0x6b: {  	_ =	shalt  }
0x6c: {  	_ =	shalt  }
0x6d: {  	_ =	shalt  }
0x6e: {  	_ =	shalt  }
0x6f: {  	_ =	shalt  }
0x70: {  	_ =	shalt  }
0x71: {  	_ =	shalt  }
0x72: {  	_ =	shalt  }
0x73: {  	_ =	shalt  }
0x74: {  	_ =	shalt  }
0x75: {  	_ =	shalt  }
0x76: {  	_ =	shalt  }
0x77: {  	_ =	shalt  }
0x78: {  	_ =	shalt  }
0x79: {  	_ =	shalt  }
0x7a: {  	_ =	shalt  }
0x7b: {  	_ =	shalt  }
0x7c: {  	_ =	shalt  }
0x7d: {  	_ =	shalt  }
0x7e: {  	_ =	shalt  }
0x7f: {  	_ =	shalt  }
0x80: {  	_ =	shalt  }
0x81: {  	_ =	shalt  }
0x82: {  	_ =	shalt  }
0x83: {  	_ =	shalt  }
0x84: {  	_ =	shalt  }
0x85: {  	_ =	shalt  }
0x86: {  	_ =	shalt  }
0x87: {  	_ =	shalt  }
.Lfunc_end0:
.L_simem_size_0:
called_computation.1_lowered:
.L_overlay_start_0:
0x88: {  	s2 =	sld [smem:$0x3FD9]  }
0x89: {  	s3 =	sld [smem:$0x3FFE];
	_ =	sdelay $0x1  }
0x8a: {  	s1 =	srdreg.scid  }
0x8b: {  	s0 =	sand.u32 $0x1, s1  }
0x8c: {  	s17 =	sshll.u32 s0, $0xA;
	s2 =	sadd.s32 s3, s2  }
0x8d: {  	s2 =	sadd.s32 s2, s17  }
0x8e: {  	[smem:$0x3FC2] =	sst s2  }
0x8f: {  	_ = 	snop  }
0x90: {  	s2 =	sld [smem:$0x3FD0];
	(tm) =	ssettm $0x1  }
0x91: {  	s18 =	sld [smem:$0x3FFB];
	_ =	sdelay $0x3  }
0x92: {  	_ =	strace s18  }
0x93: {  	s3 =	sld [smem:$0x3FFC];
	_ =	sdelay $0x3  }
0x94: {  	_ =	strace s3  }
0x95: {  	s3 =	sld [smem:$0x3FFD];
	_ =	sdelay $0x3  }
0x96: {  	_ =	strace s3  }
0x97: {  	_ =	strace $0x8FFFFFFF  }
0x98: {  	s19 =	sld [smem:$0x3FDB];
	_ =	sdelay $0x1  }
0x99: {  	s4 =	simm.s32 $_scs_section_size  }
0x9a: {  	s5 =	simm.s32 $_size__tile_overlayer_lowered;
	s6 =	simm.s32 $_tile_overlayer_lowered  }
0x9b: {  	s22 =	simm.s32 $0x1BFF;
	s21 =	sshll.u32 s6, $0x1;
	s3 =	sadd.s32 s4, s19  }
0x9c: {  	s7 =	simm.s32 $0x0;
	s20 =	sshll.u32 s5, $0x1;
	s5 =	sadd.s32 s21, s3  }
0x9d: {  	[timem:s7], [sflag:s22] =	dma.local [hbm:s5], s20  }
0x9e: {  	_ =	swait.ge [sflag:s22], s20  }
0x9f: {  	s4 =	ssub.s32 $0x0, s20;
	[sflag:s22] =	ssyncset.done $0x0  }
0xa0: {  	[sflag:s22] =	ssyncadd.s32 s4;
	_ =	sdelay $0x1  }
0xa1: {  	s23 =	simm.s32 $0x1B8B  }
0xa2: {  	_ =	swait.ge [sflag:s23], $0x1  }
0xa3: {  	[sflag:s23] =	ssyncset.done $0x0  }
0xa4: {  	s25 =	simm.s32 $0x1B8E;
	s24 =	sld [smem:$0x3FFE];
	[sflag:s23] =	ssyncadd.s32 $0xFFFFFFFF  }
0xa5: {  	s26 =	simm.s32 $execute0_lowered;
	[smem:$0x3FD2] =	sst s25  }
0xa6: {  	s5 =	sshll.u32 s26, $0x1;
	_ =	strace $0x80000049;
	[dreg:$0x1] =	wrdreg $0xFFFFFFFF  }
0xa7: {  	s28 =	simm.s32 $_size_execute0_lowered;
	s3 =	sadd.s32 s3, s5;
	[dreg:$0x0] =	wrdreg $0x0  }
0xa8: {  	s5 =	sshll.u32 s28, $0x1;
	[dreg:$0x2] =	wrdreg s3  }
0xa9: {  	[dreg:$0x3] =	wrdreg s5  }
0xaa: {  	[dreg:$0x4] =	wrdreg $0xC0  }
0xab: {  	_ =	task [dreg:s7], $0x5FFFF  }
0xac: {  	[dreg:$0x1] =	wrdreg $0xFFFFFFFF  }
0xad: {  	[dreg:$0x0] =	wrdreg $0x60  }
0xae: {  	[dreg:$0x2] =	wrdreg s24  }
0xaf: {  	[dreg:$0x3] =	wrdreg s2  }
0xb0: {  	[dreg:$0x4] =	wrdreg $0x91000  }
0xb1: {  	[dreg:$0x5] =	wrdreg $0x9  }
0xb2: {  	_ =	task.clear_ibuf [dreg:s7], $0x6FFFF;
	_ =	strace $0x90000049  }
0xb3: {  	s29 =	simm.s32 $0x9;
	_ =	strace $0x8000004B  }
0xb4: {  	_ =	swait.ge [sflag:s29], $0x1  }
0xb5: {  	[sflag:s29] =	ssyncadd.s32 $0xFFFFFFFF  }
0xb6: {  	_ =	strace $0x9000004B  }
0xb7: {  	_ =	sfence  }
0xb8: {  	s30 =	sld [smem:$0x0];
	_ =	sdelay $0x2  }
0xb9: {  	s31 =	sshll.u32 s1, $0xD;
	s1 =	sshrl.u32 s1, $0x2  }
0xba: {  	s3 =	sand.u32 $0x4000, s31;
	s1 =	sadd.s32 s1, s30  }
0xbb: {  	s0 =	sor.u32 s3, s0;
	s1 =	sshll.u32 s1, $0x11  }
0xbc: {  	s0 =	sor.u32 s1, s0  }
0xbd: {  	s0 =	sadd.s32 $0x8F2B, s0  }
0xbe: {  	[sflag:s0] =	ssyncadd.remote.s32 $0x1  }
0xbf: {  	_ =	sfence.sel $0xFFFF  }
0xc0: {  	[dreg:$0x0] =	wrdreg $0xFFFFFFFF;
	(pc) =	sbr.abs _section_cstart, $3  }
0xc1: {  	[dreg:$0x1] =	wrdreg $0xFFFFFFFF  }
0xc2: {  	_ =	task.clear_ibuf [dreg:s7], $0x2FFFF;
	_ =	strace $0x9FFFFFFF  }
0xc3: {  	(tm) =	ssettm $0x7FFFFFFF  }
tec
execute0_lowered:
.L_overlay_start_1:
0x0: {  	(tag) =	ssettag $0x1  }
0x1: {  	s0 =	rddreg [dreg:$0x0]  }
0x2: {  	s1 =	rddreg [dreg:$0x1]  }
0x3: {  	s2 =	rddreg [dreg:$0x2]  }
0x4: {  	s4 =	srdreg.scid;
	s12 =	stileid.u32  }
0x5: {  	s3 =	simm.s32 $0x0;
	s28 =	simm.s32 $0x6900;
	s29 =	simm.s32 $0x1  }
0x6: {  	s30 =	simm.s32 $0x3;
	s31 =	simm.s32 $0x2;
	s7 =	smul.u32 $0x2800, s12  }
0x7: {  	s6 =	sand.u32 $0x1, s4;
	[smem:$0x7FF] =	sst s3;
	s11 =	smul.u32 $0x50000, s12  }
0x8: {  	s4 =	sadd.s32 $0xBC00, s0;
	s5 =	sadd.s32 $0x1E00, s0;
	s22 =	smul.u32 $0x2710, s12  }
0x9: {  	s8 =	smul.u32 $0x28000, s6;
	_ =	strace $0x8000004A;
	s15 =	ssub.s32 $0x2, s6  }
0xa: {  	s10 =	sshll.u32 s6, $0x4;
	s19 =	smul.u32 $0x27100, s6;
	s9 =	sshrl.u32 s15, $0x1  }
0xb: {  	s16 =	sor.u32 s12, s10;
	s18 =	sshrl.u32 s11, $0x2;
	s7 =	sadd.s32 s7, s8  }
0xc: {  	s8 =	ssub.s32 s15, s9;
	s17 =	sshll.u32 s16, $0xB;
	s14 =	smul.u32 $0x2710, s16  }
0xd: {  	s0 =	sadd.s32 s7, s0;
	s1 =	sadd.s32 s1, s17;
	s7 =	sadd.s32 s18, s2  }
0xe: {  	s18 =	smax.u32 s8, $0x1;
	[dreg:$0x4] =	wrdreg s1;
	s20 =	sadd.s32 $0x2800, s7  }
0xf: {  	s21 =	sadd.s32 $0x5000, s7;
	s23 =	sadd.s32 $0x7800, s7;
	s24 =	sadd.s32 $0xA000, s7  }
0x10: {  	s12 =	sadd.s32 $0xC800, s7;
	s13 =	sadd.s32 $0xF000, s7;
	[dreg:$0x5] =	wrdreg s20  }
0x11: {  	s25 =	sshrl.u32 s14, $0x3;
	s1 =	sadd.s32 s22, s19;
	[dreg:$0x6] =	wrdreg s21  }
0x12: {  	s14 =	sadd.s32 $0x11800, s7;
	s17 =	sadd.s32 $0x33C00, s0;
	[dreg:$0x7] =	wrdreg s23  }
0x13: {  	s22 =	simm.s32 $0x5;
	s0 =	simm.s32 $0x4;
	[dreg:$0x8] =	wrdreg s24  }
0x14: {  	s15 =	sadd.s32 s5, s25;
	s6 =	sadd.s32 $0xF0, s1;
	s9 =	sadd.s32 $0xA0, s1  }
0x15: {  	s23 =	simm.s32 $0x4100;
	s24 =	simm.s32 $0x4000;
	s25 =	simm.s32 $0x50  }
0x16: {  	s1 =	simm.s32 $0x0;
	s16 =	sadd.s32 $0xA, s15;
	s26 =	sshrl.u32 s6, $0x3  }
0x17: {  	v0 =	vimm.f32 $0.0e+00;
	s19 =	sadd.s32 $0x4D8, s15;
	s20 =	sadd.s32 s26, s5;
	s26 =	simm.s32 $0x4080  }
.LBB2_1:
0x18: {  	s6 =	rddreg [dreg:$0x4]  }
0x19: {  	[tilespmem:s3], [sflag:$0x5] =	stream.linear.gather [hbm4b:s6+s3], $0x3E80, $0x38;
	[tilespmem:$0x1D100] =	vst v63  }
0x1a: {  	_ =	swait.ge [sflag:s22], $0x3E80  }
0x1b: {  	[sflag:s22] =	ssyncset.done $0x0  }
0x1c: {  	s8 =	simm.s32 $0x200;
	s6 =	simm.s32 $0x0;
	[sflag:s22] =	ssyncadd.s32 $0xFFFFC180  }
.LBB2_2:
0x1d: {  	p0 =	sne.s32 s8, $0x9E00;
	[tilespmem:s6+$0x4170] =	vst v0  }
0x1e: {  	[tilespmem:s6+$0x4100] =	vst v0  }
0x1f: {  	[tilespmem:s6+$0x4110] =	vst v0  }
.Ltmp0:
0x20: {  	[tilespmem:s6+$0x4120] =	vst v0;
	(pc) =	sbr.rel @p0 .LBB2_2-.Ltmp0, $4  }
0x21: {  	[tilespmem:s6+$0x4130] =	vst v0  }
0x22: {  	[tilespmem:s6+$0x4140] =	vst v0  }
0x23: {  	[tilespmem:s6+$0x4150] =	vst v0  }
0x24: {  	[tilespmem:s6+$0x4160] =	vst v0;
	s6 =	sshra.s32 s8, $0x2;
	s8 =	sadd.s32 $0x200, s8  }
0x25: {  	[tilespmem:s6+$0x4170] =	vst v0  }
0x26: {  	[tilespmem:s6+$0x4100] =	vst v0  }
0x27: {  	[tilespmem:s6+$0x4110] =	vst v0  }
0x28: {  	[tilespmem:s6+$0x4120] =	vst v0  }
0x29: {  	[tilespmem:s6+$0x4130] =	vst v0  }
0x2a: {  	[tilespmem:s6+$0x4140] =	vst v0  }
0x2b: {  	[tilespmem:s6+$0x4150] =	vst v0  }
0x2c: {  	[tilespmem:s6+$0x4160] =	vst v0  }
0x2d: {  	[spmem:s7] =	stream.linear.scatter [tilespmem:s23], [sflag:$0x5], $0x2800, $0x38;
	[tilespmem:$0x1D100] =	vst v63  }
0x2e: {  	_ =	swait.ge [sflag:s22], $0x2800  }
0x2f: {  	[sflag:s22] =	ssyncset.done $0x0  }
0x30: {  	s8 =	rddreg [dreg:$0x5];
	[sflag:s22] =	ssyncadd.s32 $0xFFFFD800  }
0x31: {  	[spmem:s8] =	stream.linear.scatter [tilespmem:s23], [sflag:$0x5], $0x2800, $0x38;
	[tilespmem:$0x1D100] =	vst v63  }
0x32: {  	_ =	swait.ge [sflag:s22], $0x2800  }
0x33: {  	[sflag:s22] =	ssyncset.done $0x0  }
0x34: {  	s10 =	rddreg [dreg:$0x6];
	[sflag:s22] =	ssyncadd.s32 $0xFFFFD800  }
0x35: {  	[spmem:s10] =	stream.linear.scatter [tilespmem:s23], [sflag:$0x5], $0x2800, $0x38;
	[tilespmem:$0x1D100] =	vst v63  }
0x36: {  	_ =	swait.ge [sflag:s22], $0x2800  }
0x37: {  	[sflag:s22] =	ssyncset.done $0x0  }
0x38: {  	s11 =	rddreg [dreg:$0x7];
	[sflag:s22] =	ssyncadd.s32 $0xFFFFD800  }
0x39: {  	[spmem:s11] =	stream.linear.scatter [tilespmem:s23], [sflag:$0x5], $0x2800, $0x38;
	[tilespmem:$0x1D100] =	vst v63  }
0x3a: {  	_ =	swait.ge [sflag:s22], $0x2800  }
0x3b: {  	[sflag:s22] =	ssyncset.done $0x0  }
0x3c: {  	s21 =	rddreg [dreg:$0x8];
	[sflag:s22] =	ssyncadd.s32 $0xFFFFD800  }
0x3d: {  	[spmem:s21] =	stream.linear.scatter [tilespmem:s23], [sflag:$0x5], $0x2800, $0x38;
	[tilespmem:$0x1D100] =	vst v63  }
0x3e: {  	_ =	swait.ge [sflag:s22], $0x2800  }
0x3f: {  	[sflag:s22] =	ssyncset.done $0x0  }
0x40: {  	[sflag:s22] =	ssyncadd.s32 $0xFFFFD800  }
0x41: {  	[spmem:s12] =	stream.linear.scatter [tilespmem:s23], [sflag:$0x5], $0x2800, $0x38;
	[tilespmem:$0x1D100] =	vst v63  }
0x42: {  	_ =	swait.ge [sflag:s22], $0x2800  }
0x43: {  	[sflag:s22] =	ssyncset.done $0x0  }
0x44: {  	[sflag:s22] =	ssyncadd.s32 $0xFFFFD800  }
0x45: {  	[spmem:s13] =	stream.linear.scatter [tilespmem:s23], [sflag:$0x5], $0x2800, $0x38;
	[tilespmem:$0x1D100] =	vst v63  }
0x46: {  	_ =	swait.ge [sflag:s22], $0x2800  }
0x47: {  	[sflag:s22] =	ssyncset.done $0x0  }
0x48: {  	[sflag:s22] =	ssyncadd.s32 $0xFFFFD800  }
0x49: {  	[spmem:s14] =	stream.linear.scatter [tilespmem:s23], [sflag:$0x5], $0x2800, $0x38;
	[tilespmem:$0x1D100] =	vst v63  }
0x4a: {  	_ =	swait.ge [sflag:s22], $0x2800  }
0x4b: {  	[sflag:s22] =	ssyncset.done $0x0  }
0x4c: {  	[sflag:s22] =	ssyncadd.s32 $0xFFFFD800  }
0x4d: {  	s8 =	simm.s32 $0x0;
	[bflag:$0x0] =	sbarrier.arrive $0xFFFF  }
0x4e: {  	[tilespmem:s24], [sflag:$0x5] =	stream.linear.gather [hbm4b:s15+s8], $0x50, $0x38;
	[tilespmem:$0x1D100] =	vst v63  }
0x4f: {  	_ =	swait.ge [sflag:s22], $0x50  }
0x50: {  	[sflag:s22] =	ssyncset.done $0x0  }
0x51: {  	[sflag:s22] =	ssyncadd.s32 $0xFFFFFFB0  }
0x52: {  	[tilespmem:s23], [sflag:$0x1] =	stream.indirect.gather [hbm4b:s4+s25], $0x80, s24, s25, $0xb8;
	[tilespmem:$0x1D100] =	vst v63  }
0x53: {  	_ = 	snop  }
0x54: {  	[tilespmem:s26], [sflag:$0x5] =	stream.linear.gather [hbm4b:s16+s8], $0x50, $0x38;
	[tilespmem:$0x1D100] =	vst v63  }
0x55: {  	_ =	swait.ge [sflag:s22], $0x50  }
0x56: {  	[sflag:s22] =	ssyncset.done $0x0  }
0x57: {  	[sflag:s22] =	ssyncadd.s32 $0xFFFFFFB0  }
0x58: {  	[tilespmem:s28], [sflag:$0x2] =	stream.indirect.gather [hbm4b:s4+s25], $0x80, s26, s25, $0xb8;
	[tilespmem:$0x1D100] =	vst v63  }
0x59: {  	_ =	swait.ge [sflag:s29], $0x2800  }
0x5a: {  	s10 =	sshrl.u32 s9, $0x3;
	[sflag:s29] =	ssyncset.done $0x0  }
0x5b: {  	s6 =	sadd.s32 s5, s10;
	[sflag:s29] =	ssyncadd.s32 $0xFFFFD800  }
0x5c: {  	[tilespmem:s24], [sflag:$0x3] =	stream.linear.gather [hbm4b:s6+s3], $0x50, $0x38;
	[tilespmem:$0x1D100] =	vst v63  }
0x5d: {  	s11 =	simm.s32 $0x0  }
0x5e: {  	[spmem:s2] =	stream.indirect.scatter.add.f32 [tilespmem:s23], [sflag:$0x5], $0x80, s11, s25, $0xb8;
	[tilespmem:$0x1D100] =	vst v63  }
0x5f: {  	_ =	swait.ge [sflag:s22], $0x2800  }
0x60: {  	[sflag:s22] =	ssyncset.done $0x0  }
0x61: {  	[sflag:s22] =	ssyncadd.s32 $0xFFFFD800  }
0x62: {  	_ =	swait.ge [sflag:s30], $0x50  }
0x63: {  	[sflag:s30] =	ssyncset.done $0x0  }
0x64: {  	[sflag:s30] =	ssyncadd.s32 $0xFFFFFFB0  }
0x65: {  	[tilespmem:s23], [sflag:$0x1] =	stream.indirect.gather [hbm4b:s4+s25], $0x80, s24, s25, $0xb8;
	[tilespmem:$0x1D100] =	vst v63  }
0x66: {  	_ =	swait.ge [sflag:s31], $0x2800  }
0x67: {  	[sflag:s31] =	ssyncset.done $0x0  }
0x68: {  	s21 =	sadd.s32 $0x0, s20;
	[sflag:s31] =	ssyncadd.s32 $0xFFFFD800  }
0x69: {  	[tilespmem:s26], [sflag:$0x4] =	stream.linear.gather [hbm4b:s21+s3], $0x50, $0x38;
	[tilespmem:$0x1D100] =	vst v63  }
0x6a: {  	s6 =	simm.s32 $0x80  }
0x6b: {  	[spmem:s2] =	stream.indirect.scatter.add.f32 [tilespmem:s28], [sflag:$0x5], $0x80, s6, s25, $0xb8;
	[tilespmem:$0x1D100] =	vst v63  }
0x6c: {  	_ =	swait.ge [sflag:s22], $0x2800  }
0x6d: {  	[sflag:s22] =	ssyncset.done $0x0  }
0x6e: {  	[sflag:s22] =	ssyncadd.s32 $0xFFFFD800  }
0x6f: {  	_ =	swait.ge [sflag:s0], $0x50  }
0x70: {  	s8 =	simm.s32 $0x14;
	s21 =	smov.u32 s9;
	[sflag:s0] =	ssyncset.done $0x0  }
.LBB2_4:
0x71: {  	[sflag:s0] =	ssyncadd.s32 $0xFFFFFFB0  }
0x72: {  	s6 =	sadd.s32 $0x100, s6;
	s21 =	sadd.s32 $0xA0, s21;
	s10 =	smov.u32 s8  }
0x73: {  	[tilespmem:s28], [sflag:$0x2] =	stream.indirect.gather [hbm4b:s4+s25], $0x80, s26, s25, $0xb8;
	[tilespmem:$0x1D100] =	vst v63  }
0x74: {  	p0 =	sne.s32 s8, $0x4B0;
	s8 =	sadd.s32 $0x14, s8;
	_ =	swait.ge [sflag:s29], $0x2800  }
0x75: {  	s11 =	sshrl.u32 s21, $0x3;
	[sflag:s29] =	ssyncset.done $0x0  }
0x76: {  	s11 =	sadd.s32 s5, s11;
	[sflag:s29] =	ssyncadd.s32 $0xFFFFD800  }
0x77: {  	[tilespmem:s24], [sflag:$0x3] =	stream.linear.gather [hbm4b:s11+s3], $0x50, $0x38;
	[tilespmem:$0x1D100] =	vst v63  }
0x78: {  	s11 =	sadd.s32 $0xFFFFFF80, s6  }
0x79: {  	[spmem:s2] =	stream.indirect.scatter.add.f32 [tilespmem:s23], [sflag:$0x5], $0x80, s11, s25, $0xb8;
	[tilespmem:$0x1D100] =	vst v63  }
0x7a: {  	_ =	swait.ge [sflag:s22], $0x2800  }
0x7b: {  	[sflag:s22] =	ssyncset.done $0x0  }
0x7c: {  	[sflag:s22] =	ssyncadd.s32 $0xFFFFD800  }
0x7d: {  	_ =	swait.ge [sflag:s30], $0x50  }
0x7e: {  	[sflag:s30] =	ssyncset.done $0x0  }
0x7f: {  	[sflag:s30] =	ssyncadd.s32 $0xFFFFFFB0  }
0x80: {  	[tilespmem:s23], [sflag:$0x1] =	stream.indirect.gather [hbm4b:s4+s25], $0x80, s24, s25, $0xb8;
	[tilespmem:$0x1D100] =	vst v63  }
0x81: {  	_ =	swait.ge [sflag:s31], $0x2800  }
0x82: {  	[sflag:s31] =	ssyncset.done $0x0  }
0x83: {  	s10 =	sadd.s32 s10, s20;
	[sflag:s31] =	ssyncadd.s32 $0xFFFFD800  }
0x84: {  	[tilespmem:s26], [sflag:$0x4] =	stream.linear.gather [hbm4b:s10+s3], $0x50, $0x38;
	[tilespmem:$0x1D100] =	vst v63  }
0x85: {  	_ = 	snop  }
0x86: {  	[spmem:s2] =	stream.indirect.scatter.add.f32 [tilespmem:s28], [sflag:$0x5], $0x80, s6, s25, $0xb8;
	[tilespmem:$0x1D100] =	vst v63  }
.Ltmp1:
0x87: {  	_ =	swait.ge [sflag:s22], $0x2800;
	(pc) =	sbr.rel @p0 .LBB2_4-.Ltmp1, $4  }
0x88: {  	[sflag:s22] =	ssyncset.done $0x0  }
0x89: {  	[sflag:s22] =	ssyncadd.s32 $0xFFFFD800  }
0x8a: {  	_ =	swait.ge [sflag:s0], $0x50  }
0x8b: {  	[sflag:s0] =	ssyncset.done $0x0  }
0x8c: {  	[sflag:s0] =	ssyncadd.s32 $0xFFFFFFB0  }
0x8d: {  	[tilespmem:s28], [sflag:$0x2] =	stream.indirect.gather [hbm4b:s4+s25], $0x80, s26, s25, $0xb8;
	[tilespmem:$0x1D100] =	vst v63  }
0x8e: {  	_ =	swait.ge [sflag:s29], $0x2800  }
0x8f: {  	[sflag:s29] =	ssyncset.done $0x0  }
0x90: {  	[sflag:s29] =	ssyncadd.s32 $0xFFFFD800  }
0x91: {  	[tilespmem:s24], [sflag:$0x3] =	stream.linear.gather [hbm4b:s19+s3], $0x50, $0x38;
	[tilespmem:$0x1D100] =	vst v63  }
0x92: {  	s6 =	simm.s32 $0x3D00  }
0x93: {  	[spmem:s2] =	stream.indirect.scatter.add.f32 [tilespmem:s23], [sflag:$0x5], $0x80, s6, s25, $0xb8;
	[tilespmem:$0x1D100] =	vst v63  }
0x94: {  	_ =	swait.ge [sflag:s22], $0x2800  }
0x95: {  	[sflag:s22] =	ssyncset.done $0x0  }
0x96: {  	[sflag:s22] =	ssyncadd.s32 $0xFFFFD800  }
0x97: {  	_ =	swait.ge [sflag:s30], $0x50  }
0x98: {  	[sflag:s30] =	ssyncset.done $0x0  }
0x99: {  	[sflag:s30] =	ssyncadd.s32 $0xFFFFFFB0  }
0x9a: {  	[tilespmem:s23], [sflag:$0x1] =	stream.indirect.gather [hbm4b:s4+s25], $0x80, s24, s25, $0xb8;
	[tilespmem:$0x1D100] =	vst v63  }
0x9b: {  	_ =	swait.ge [sflag:s31], $0x2800  }
0x9c: {  	[sflag:s31] =	ssyncset.done $0x0  }
0x9d: {  	s10 =	simm.s32 $0x3D80;
	[sflag:s31] =	ssyncadd.s32 $0xFFFFD800  }
0x9e: {  	[spmem:s2] =	stream.indirect.scatter.add.f32 [tilespmem:s28], [sflag:$0x5], $0x80, s10, s25, $0xb8;
	[tilespmem:$0x1D100] =	vst v63  }
0x9f: {  	_ =	swait.ge [sflag:s22], $0x2800  }
0xa0: {  	[sflag:s22] =	ssyncset.done $0x0  }
0xa1: {  	[sflag:s22] =	ssyncadd.s32 $0xFFFFD800  }
0xa2: {  	_ =	swait.ge [sflag:s29], $0x2800  }
0xa3: {  	[sflag:s29] =	ssyncset.done $0x0  }
0xa4: {  	s11 =	simm.s32 $0x3E00;
	[sflag:s29] =	ssyncadd.s32 $0xFFFFD800  }
0xa5: {  	[spmem:s2] =	stream.indirect.scatter.add.f32 [tilespmem:s23], [sflag:$0x5], $0x80, s11, s25, $0xb8;
	[tilespmem:$0x1D100] =	vst v63  }
0xa6: {  	s21 =	stileid.u32;
	_ =	swait.ge [sflag:s22], $0x2800  }
0xa7: {  	s8 =	sshrl.u32 s7, $0x3;
	s1 =	sadd.s32 $0x1, s1;
	[sflag:s22] =	ssyncset.done $0x0  }
0xa8: {  	p0 =	sne.s32 s1, s18;
	s6 =	sshll.u32 s21, $0x6;
	[sflag:s22] =	ssyncadd.s32 $0xFFFFD800  }
.Ltmp2:
0xa9: {  	s6 =	sor.u32 $0x1C05, s6;
	[bflag:$0x0] =	sbarrier.arrive $0xFFFF;
	(pc) =	sbr.rel @p0 .LBB2_1-.Ltmp2, $4  }
0xaa: {  	[hbm:s17], [sflag:s6] =	dma.local [spmem:s8], $0x2800  }
0xab: {  	_ =	swait.ge [sflag:s22], $0x2800  }
0xac: {  	[sflag:s22] =	ssyncset.done $0x0  }
0xad: {  	[sflag:s22] =	ssyncadd.s32 $0xFFFFD800  }
0xae: {  	_ =	sfence.sel $0x180000  }
0xaf: {  	[bflag:$0x0] =	sbarrier.arrive $0xFFFF  }
0xb0: {  	_ =	strace $0x9000004A  }
0xb1: {  	s0 =	stileid.u32;
	[bflag:$0x2] =	sbarrier.arrive $0xFFFF  }
0xb2: {  	p0 =	sne.s32 s0, $0x0;
	s0 =	rddreg [dreg:$0x3]  }
0xb3: {  	s0 =	sadd.s32 @!p0 $0x100000, s0  }
0xb4: {  	[sflag:s0] =	ssyncadd.tile.s32 @!p0 $0x1;
	_ =	shalt  }
.Lfunc_end2:
_tile_overlayer_lowered:
.L_overlay_start_2:
0xb5: {  	(tag) =	ssettag $0x2  }
0xb6: {  	s0 =	rddreg [dreg:$0x0];
	s2 =	stileid.u32  }
0xb7: {  	s1 =	rddreg [dreg:$0x1];
	p0 =	sne.s32 s2, $0x0  }
0xb8: {  	s3 =	rddreg [dreg:$0x2];
	[bflag:$0x3] =	sbarrier.arrive $0xFFFF;
	s2 =	simm.s32 @!p0 $0x1C05  }
0xb9: {  	[timem:s3], [sflag:s2] =	dma.local @!p0 [hbm:s0], s1  }
0xba: {  	s0 =	simm.s32 @!p0 $0x5  }
0xbb: {  	_ =	swait.ge @!p0 [sflag:s0], s1  }
0xbc: {  	s1 =	ssub.s32 @!p0 $0x0, s1;
	[sflag:s0] =	ssyncset.done @!p0 $0x0  }
0xbd: {  	[sflag:s0] =	ssyncadd.s32 @!p0 s1  }
0xbe: {  	[bflag:$0x3] =	sbarrier.arrive $0xFFFF  }
0xbf: {  	_ =	shalt  }

// kernel: kernel.14.cloned.1.call-start
scs
__scs_entry_jumppad:
0x0: {  	(pc) =	sbr.rel $0x88, $3  }
0x1: {  	(tag) =	ssettag $0x0;
	lr =	simm.s32 $0x1  }
0x2: {  	[smem:$0x3F9B] =	sst lr;
	_ =	strace $0xD0000000  }
0x3: {  	_ = 	snop  }
0x4: {  	_ = 	snop  }
0x5: {  	_ = 	snop  }
0x6: {  	_ = 	snop  }
0x7: {  	_ = 	snop  }
__scs_overlays_trampoline_lowered:
0x8: {  	[smem:$0x3FAA] =	sst s0  }
0x9: {  	[smem:$0x3FAB] =	sst s1  }
0xa: {  	[smem:$0x3FAC] =	sst s2  }
0xb: {  	[smem:$0x3FAD] =	sst s3  }
0xc: {  	[smem:$0x3FAE] =	sst s4  }
0xd: {  	[smem:$0x3FAF] =	sst s5  }
0xe: {  	[smem:$0x3FB0] =	sst s6  }
0xf: {  	[smem:$0x3FB1] =	sst s7  }
0x10: {  	[smem:$0x3FB2] =	sst s8  }
0x11: {  	[smem:$0x3FB3] =	sst s9;
	s0 =	simm.s32 @!p0 $0x0  }
0x12: {  	s1 =	sld [smem:$0x3F99];
	s0 =	simm.s32 @p0 $0x1  }
0x13: {  	[smem:$0x3FB4] =	sst s0;
	s0 =	simm.s32 @!p1 $0x0  }
0x14: {  	s2 =	sld [smem:$0x3F98];
	s0 =	simm.s32 @p1 $0x1  }
0x15: {  	[smem:$0x3FB5] =	sst s0;
	s0 =	simm.s32 @!p2 $0x0  }
0x16: {  	s3 =	sld [smem:$0x3FDB];
	s0 =	simm.s32 @p2 $0x1  }
0x17: {  	s4 =	simm.s32 $0x1BF5;
	[smem:$0x3FB7] =	sst s0  }
0x18: {  	s0 =	sld [smem:$0x3F9A];
	_ =	swait.ge [sflag:s4], $0x0  }
0x19: {  	s7 =	sld [smem:$0x3F9B]  }
0x1a: {  	s8 =	sadd.s32 $0xFFFFE003, lr  }
0x1b: {  	s9 =	sadd.s32 $0xFFFFFEF7, lr;
	s5 =	simm.s32 $0xFFFFFFFF;
	p2 =	slt.u32 s8, $0xFFFFF086  }
0x1c: {  	p1 =	slt.u32 s9, $0xF7A;
	s5 =	simm.s32 @!p2 $0x0  }
0x1d: {  	s5 =	simm.s32 @p1 $0x1;
	p0 =	seq.s32 s7, s2  }
0x1e: {  	s7 =	smul.u32 @!p0 $0xF7A, s2;
	p2 =	seq.s32 @!p0 s5, $0x0  }
0x1f: {  	s9 =	smul.u32 $0xF7A, s1;
	s8 =	simm.s32 @!p0 $0x1BF5;
	p2 =	por !p2, p0  }
0x20: {  	[sflag:s8] =	ssyncset.s32 @!p0 $0xFFFFF086;
	s6 =	sadd.s32 @!p0 s3, s7;
	s7 =	simm.s32 @!p0 $0x108  }
0x21: {  	s3 =	sadd.s32 s3, s9;
	s6 =	sadd.s32 @!p0 $0x88, s6;
	s7 =	simm.s32 @p2 $0x1082  }
0x22: {  	[simem:s7], [sflag:s8] =	dma.local @!p0 [hbm:s6], $0xF7A  }
0x23: {  	s9 =	sor.u32 $0xD0000000, s2;
	s6 =	simm.s32 $0x108;
	_ =	swait.ge @!p0 [sflag:s8], $0x0  }
0x24: {  	s3 =	sadd.s32 $0x88, s3;
	s6 =	simm.s32 @!p1 $0x1082;
	[sflag:s4] =	ssyncset.s32 $0xFFFFF086  }
0x25: {  	[simem:s6], [sflag:s4] =	dma.local [hbm:s3], $0xF7A  }
0x26: {  	[smem:$0x3F9B] =	sst s1;
	(tag) =	ssettag s2;
	_ =	strace s9  }
0x27: {  	s1 =	sld [smem:$0x3FAB]  }
0x28: {  	s2 =	sld [smem:$0x3FAC]  }
0x29: {  	s4 =	sld [smem:$0x3FAE]  }
0x2a: {  	p0 =	seq.s32 s5, $0x0;
	s5 =	sld [smem:$0x3FAF]  }
0x2b: {  	s6 =	sld [smem:$0x3FB0]  }
0x2c: {  	s7 =	sld [smem:$0x3FB1]  }
0x2d: {  	s3 =	simm.s32 $0x108;
	s8 =	sld [smem:$0x3FB2]  }
0x2e: {  	s3 =	simm.s32 @!p0 $0x1082;
	s9 =	sld [smem:$0x3FB3]  }
0x2f: {  	lr =	sadd.s32 s0, s3;
	s0 =	sld [smem:$0x3FAA]  }
0x30: {  	s3 =	sld [smem:$0x3FAD]  }
0x31: {  	[smem:$0x3FB6] =	sst s10  }
0x32: {  	s10 =	sld [smem:$0x3FB4];
	_ =	sdelay $0x3  }
0x33: {  	p0 =	seq.s32 s10, $0x1;
	s10 =	sld [smem:$0x3FB6];
	_ =	sdelay $0x3  }
0x34: {  	[smem:$0x3FB6] =	sst s10  }
0x35: {  	s10 =	sld [smem:$0x3FB5];
	_ =	sdelay $0x3  }
0x36: {  	p1 =	seq.s32 s10, $0x1;
	s10 =	sld [smem:$0x3FB6];
	_ =	sdelay $0x3  }
0x37: {  	[smem:$0x3FB6] =	sst s10  }
0x38: {  	s10 =	sld [smem:$0x3FB7]  }
0x39: {  	_ = 	snop;
	(pc) =	sbr.ind lr, $3  }
0x3a: {  	_ = 	snop  }
0x3b: {  	_ = 	snop  }
0x3c: {  	p2 =	seq.s32 s10, $0x1;
	s10 =	sld [smem:$0x3FB6]  }
0x3d: {  	_ =	shalt  }
0x3e: {  	_ =	shalt  }
0x3f: {  	_ =	shalt  }
0x40: {  	_ =	shalt  }
0x41: {  	_ =	shalt  }
0x42: {  	_ =	shalt  }
0x43: {  	_ =	shalt  }
0x44: {  	_ =	shalt  }
0x45: {  	_ =	shalt  }
0x46: {  	_ =	shalt  }
0x47: {  	_ =	shalt  }
0x48: {  	_ =	shalt  }
0x49: {  	_ =	shalt  }
0x4a: {  	_ =	shalt  }
0x4b: {  	_ =	shalt  }
0x4c: {  	_ =	shalt  }
0x4d: {  	_ =	shalt  }
0x4e: {  	_ =	shalt  }
0x4f: {  	_ =	shalt  }
0x50: {  	_ =	shalt  }
0x51: {  	_ =	shalt  }
0x52: {  	_ =	shalt  }
0x53: {  	_ =	shalt  }
0x54: {  	_ =	shalt  }
0x55: {  	_ =	shalt  }
0x56: {  	_ =	shalt  }
0x57: {  	_ =	shalt  }
0x58: {  	_ =	shalt  }
0x59: {  	_ =	shalt  }
0x5a: {  	_ =	shalt  }
0x5b: {  	_ =	shalt  }
0x5c: {  	_ =	shalt  }
0x5d: {  	_ =	shalt  }
0x5e: {  	_ =	shalt  }
0x5f: {  	_ =	shalt  }
0x60: {  	_ =	shalt  }
0x61: {  	_ =	shalt  }
0x62: {  	_ =	shalt  }
0x63: {  	_ =	shalt  }
0x64: {  	_ =	shalt  }
0x65: {  	_ =	shalt  }
0x66: {  	_ =	shalt  }
0x67: {  	_ =	shalt  }
0x68: {  	_ =	shalt  }
0x69: {  	_ =	shalt  }
0x6a: {  	_ =	shalt  }
0x6b: {  	_ =	shalt  }
0x6c: {  	_ =	shalt  }
0x6d: {  	_ =	shalt  }
0x6e: {  	_ =	shalt  }
0x6f: {  	_ =	shalt  }
0x70: {  	_ =	shalt  }
0x71: {  	_ =	shalt  }
0x72: {  	_ =	shalt  }
0x73: {  	_ =	shalt  }
0x74: {  	_ =	shalt  }
0x75: {  	_ =	shalt  }
0x76: {  	_ =	shalt  }
0x77: {  	_ =	shalt  }
0x78: {  	_ =	shalt  }
0x79: {  	_ =	shalt  }
0x7a: {  	_ =	shalt  }
0x7b: {  	_ =	shalt  }
0x7c: {  	_ =	shalt  }
0x7d: {  	_ =	shalt  }
0x7e: {  	_ =	shalt  }
0x7f: {  	_ =	shalt  }
0x80: {  	_ =	shalt  }
0x81: {  	_ =	shalt  }
0x82: {  	_ =	shalt  }
0x83: {  	_ =	shalt  }
0x84: {  	_ =	shalt  }
0x85: {  	_ =	shalt  }
0x86: {  	_ =	shalt  }
0x87: {  	_ =	shalt  }
.Lfunc_end0:
.L_simem_size_0:
called_computation.2_lowered:
.L_overlay_start_0:
0x88: {  	s2 =	sld [smem:$0x3FD9]  }
0x89: {  	s3 =	sld [smem:$0x3FFE];
	_ =	sdelay $0x1  }
0x8a: {  	s1 =	srdreg.scid  }
0x8b: {  	s0 =	sand.u32 $0x1, s1  }
0x8c: {  	s17 =	sshll.u32 s0, $0xA;
	s2 =	sadd.s32 s3, s2  }
0x8d: {  	s2 =	sadd.s32 s2, s17  }
0x8e: {  	[smem:$0x3FC2] =	sst s2  }
0x8f: {  	_ = 	snop  }
0x90: {  	s2 =	sld [smem:$0x3FD0];
	(tm) =	ssettm $0x1  }
0x91: {  	s18 =	sld [smem:$0x3FFB];
	_ =	sdelay $0x3  }
0x92: {  	_ =	strace s18  }
0x93: {  	s3 =	sld [smem:$0x3FFC];
	_ =	sdelay $0x3  }
0x94: {  	_ =	strace s3  }
0x95: {  	s3 =	sld [smem:$0x3FFD];
	_ =	sdelay $0x3  }
0x96: {  	_ =	strace s3  }
0x97: {  	_ =	strace $0x8FFFFFFF  }
0x98: {  	s19 =	sld [smem:$0x3FDB];
	_ =	sdelay $0x1  }
0x99: {  	s4 =	simm.s32 $_scs_section_size  }
0x9a: {  	s5 =	simm.s32 $_size__tile_overlayer_lowered;
	s6 =	simm.s32 $_tile_overlayer_lowered  }
0x9b: {  	s22 =	simm.s32 $0x1BFF;
	s21 =	sshll.u32 s6, $0x1;
	s3 =	sadd.s32 s4, s19  }
0x9c: {  	s7 =	simm.s32 $0x0;
	s20 =	sshll.u32 s5, $0x1;
	s5 =	sadd.s32 s21, s3  }
0x9d: {  	[timem:s7], [sflag:s22] =	dma.local [hbm:s5], s20  }
0x9e: {  	_ =	swait.ge [sflag:s22], s20  }
0x9f: {  	s4 =	ssub.s32 $0x0, s20;
	[sflag:s22] =	ssyncset.done $0x0  }
0xa0: {  	[sflag:s22] =	ssyncadd.s32 s4;
	_ =	sdelay $0x1  }
0xa1: {  	s23 =	simm.s32 $0x1B8B  }
0xa2: {  	_ =	swait.ge [sflag:s23], $0x1  }
0xa3: {  	[sflag:s23] =	ssyncset.done $0x0  }
0xa4: {  	s25 =	simm.s32 $0x1B8E;
	s24 =	sld [smem:$0x3FFE];
	[sflag:s23] =	ssyncadd.s32 $0xFFFFFFFF  }
0xa5: {  	s26 =	simm.s32 $execute0_lowered;
	[smem:$0x3FD2] =	sst s25  }
0xa6: {  	s5 =	sshll.u32 s26, $0x1;
	_ =	strace $0x8000004C;
	[dreg:$0x1] =	wrdreg $0xFFFFFFFF  }
0xa7: {  	s28 =	simm.s32 $_size_execute0_lowered;
	s3 =	sadd.s32 s3, s5;
	[dreg:$0x0] =	wrdreg $0x0  }
0xa8: {  	s5 =	sshll.u32 s28, $0x1;
	[dreg:$0x2] =	wrdreg s3  }
0xa9: {  	[dreg:$0x3] =	wrdreg s5  }
0xaa: {  	[dreg:$0x4] =	wrdreg $0xC0  }
0xab: {  	_ =	task [dreg:s7], $0x5FFFF  }
0xac: {  	[dreg:$0x1] =	wrdreg $0xFFFFFFFF  }
0xad: {  	[dreg:$0x0] =	wrdreg $0x60  }
0xae: {  	[dreg:$0x2] =	wrdreg s24  }
0xaf: {  	[dreg:$0x3] =	wrdreg s2  }
0xb0: {  	[dreg:$0x4] =	wrdreg $0x91000  }
0xb1: {  	[dreg:$0x5] =	wrdreg $0x9  }
0xb2: {  	_ =	task.clear_ibuf [dreg:s7], $0x6FFFF;
	_ =	strace $0x9000004C  }
0xb3: {  	s29 =	simm.s32 $0x9;
	_ =	strace $0x8000004E  }
0xb4: {  	_ =	swait.ge [sflag:s29], $0x1  }
0xb5: {  	[sflag:s29] =	ssyncadd.s32 $0xFFFFFFFF  }
0xb6: {  	_ =	strace $0x9000004E  }
0xb7: {  	_ =	sfence  }
0xb8: {  	s30 =	sld [smem:$0x0];
	_ =	sdelay $0x2  }
0xb9: {  	s31 =	sshll.u32 s1, $0xD;
	s1 =	sshrl.u32 s1, $0x2  }
0xba: {  	s3 =	sand.u32 $0x4000, s31;
	s1 =	sadd.s32 s1, s30  }
0xbb: {  	s0 =	sor.u32 s3, s0;
	s1 =	sshll.u32 s1, $0x11  }
0xbc: {  	s0 =	sor.u32 s1, s0  }
0xbd: {  	s0 =	sadd.s32 $0x8F2B, s0  }
0xbe: {  	[sflag:s0] =	ssyncadd.remote.s32 $0x1  }
0xbf: {  	_ =	sfence.sel $0xFFFF  }
0xc0: {  	[dreg:$0x0] =	wrdreg $0xFFFFFFFF;
	(pc) =	sbr.abs _section_cstart, $3  }
0xc1: {  	[dreg:$0x1] =	wrdreg $0xFFFFFFFF  }
0xc2: {  	_ =	task.clear_ibuf [dreg:s7], $0x2FFFF;
	_ =	strace $0x9FFFFFFF  }
0xc3: {  	(tm) =	ssettm $0x7FFFFFFF  }
tec
execute0_lowered:
.L_overlay_start_1:
0x0: {  	(tag) =	ssettag $0x1  }
0x1: {  	s0 =	rddreg [dreg:$0x0]  }
0x2: {  	s1 =	rddreg [dreg:$0x1]  }
0x3: {  	s2 =	rddreg [dreg:$0x2]  }
0x4: {  	s4 =	srdreg.scid;
	s12 =	stileid.u32  }
0x5: {  	s3 =	simm.s32 $0x0;
	s28 =	simm.s32 $0x6900;
	s29 =	simm.s32 $0x1  }
0x6: {  	s30 =	simm.s32 $0x3;
	s31 =	simm.s32 $0x2;
	s7 =	smul.u32 $0x2800, s12  }
0x7: {  	s6 =	sand.u32 $0x1, s4;
	[smem:$0x7FF] =	sst s3;
	s11 =	smul.u32 $0x50000, s12  }
0x8: {  	s4 =	sadd.s32 $0xBC00, s0;
	s5 =	sadd.s32 $0x1E00, s0;
	s22 =	smul.u32 $0x2710, s12  }
0x9: {  	s8 =	smul.u32 $0x28000, s6;
	_ =	strace $0x8000004D;
	s15 =	ssub.s32 $0x2, s6  }
0xa: {  	s10 =	sshll.u32 s6, $0x4;
	s19 =	smul.u32 $0x27100, s6;
	s9 =	sshrl.u32 s15, $0x1  }
0xb: {  	s16 =	sor.u32 s12, s10;
	s18 =	sshrl.u32 s11, $0x2;
	s7 =	sadd.s32 s7, s8  }
0xc: {  	s8 =	ssub.s32 s15, s9;
	s17 =	sshll.u32 s16, $0xB;
	s14 =	smul.u32 $0x2710, s16  }
0xd: {  	s0 =	sadd.s32 s7, s0;
	s1 =	sadd.s32 s1, s17;
	s7 =	sadd.s32 s18, s2  }
0xe: {  	s18 =	smax.u32 s8, $0x1;
	[dreg:$0x4] =	wrdreg s1;
	s20 =	sadd.s32 $0x2800, s7  }
0xf: {  	s21 =	sadd.s32 $0x5000, s7;
	s23 =	sadd.s32 $0x7800, s7;
	s24 =	sadd.s32 $0xA000, s7  }
0x10: {  	s12 =	sadd.s32 $0xC800, s7;
	s13 =	sadd.s32 $0xF000, s7;
	[dreg:$0x5] =	wrdreg s20  }
0x11: {  	s25 =	sshrl.u32 s14, $0x3;
	s1 =	sadd.s32 s22, s19;
	[dreg:$0x6] =	wrdreg s21  }
0x12: {  	s14 =	sadd.s32 $0x11800, s7;
	s17 =	sadd.s32 $0x33C00, s0;
	[dreg:$0x7] =	wrdreg s23  }
0x13: {  	s22 =	simm.s32 $0x5;
	s0 =	simm.s32 $0x4;
	[dreg:$0x8] =	wrdreg s24  }
0x14: {  	s15 =	sadd.s32 s5, s25;
	s6 =	sadd.s32 $0xF0, s1;
	s9 =	sadd.s32 $0xA0, s1  }
0x15: {  	s23 =	simm.s32 $0x4100;
	s24 =	simm.s32 $0x4000;
	s25 =	simm.s32 $0x50  }
0x16: {  	s1 =	simm.s32 $0x0;
	s16 =	sadd.s32 $0xA, s15;
	s26 =	sshrl.u32 s6, $0x3  }
0x17: {  	v0 =	vimm.f32 $0.0e+00;
	s19 =	sadd.s32 $0x4D8, s15;
	s20 =	sadd.s32 s26, s5;
	s26 =	simm.s32 $0x4080  }
.LBB2_1:
0x18: {  	s6 =	rddreg [dreg:$0x4]  }
0x19: {  	[tilespmem:s3], [sflag:$0x5] =	stream.linear.gather [hbm4b:s6+s3], $0x3E80, $0x38;
	[tilespmem:$0x1D100] =	vst v63  }
0x1a: {  	_ =	swait.ge [sflag:s22], $0x3E80  }
0x1b: {  	[sflag:s22] =	ssyncset.done $0x0  }
0x1c: {  	s8 =	simm.s32 $0x200;
	s6 =	simm.s32 $0x0;
	[sflag:s22] =	ssyncadd.s32 $0xFFFFC180  }
.LBB2_2:
0x1d: {  	p0 =	sne.s32 s8, $0x9E00;
	[tilespmem:s6+$0x4170] =	vst v0  }
0x1e: {  	[tilespmem:s6+$0x4100] =	vst v0  }
0x1f: {  	[tilespmem:s6+$0x4110] =	vst v0  }
.Ltmp0:
0x20: {  	[tilespmem:s6+$0x4120] =	vst v0;
	(pc) =	sbr.rel @p0 .LBB2_2-.Ltmp0, $4  }
0x21: {  	[tilespmem:s6+$0x4130] =	vst v0  }
0x22: {  	[tilespmem:s6+$0x4140] =	vst v0  }
0x23: {  	[tilespmem:s6+$0x4150] =	vst v0  }
0x24: {  	[tilespmem:s6+$0x4160] =	vst v0;
	s6 =	sshra.s32 s8, $0x2;
	s8 =	sadd.s32 $0x200, s8  }
0x25: {  	[tilespmem:s6+$0x4170] =	vst v0  }
0x26: {  	[tilespmem:s6+$0x4100] =	vst v0  }
0x27: {  	[tilespmem:s6+$0x4110] =	vst v0  }
0x28: {  	[tilespmem:s6+$0x4120] =	vst v0  }
0x29: {  	[tilespmem:s6+$0x4130] =	vst v0  }
0x2a: {  	[tilespmem:s6+$0x4140] =	vst v0  }
0x2b: {  	[tilespmem:s6+$0x4150] =	vst v0  }
0x2c: {  	[tilespmem:s6+$0x4160] =	vst v0  }
0x2d: {  	[spmem:s7] =	stream.linear.scatter [tilespmem:s23], [sflag:$0x5], $0x2800, $0x38;
	[tilespmem:$0x1D100] =	vst v63  }
0x2e: {  	_ =	swait.ge [sflag:s22], $0x2800  }
0x2f: {  	[sflag:s22] =	ssyncset.done $0x0  }
0x30: {  	s8 =	rddreg [dreg:$0x5];
	[sflag:s22] =	ssyncadd.s32 $0xFFFFD800  }
0x31: {  	[spmem:s8] =	stream.linear.scatter [tilespmem:s23], [sflag:$0x5], $0x2800, $0x38;
	[tilespmem:$0x1D100] =	vst v63  }
0x32: {  	_ =	swait.ge [sflag:s22], $0x2800  }
0x33: {  	[sflag:s22] =	ssyncset.done $0x0  }
0x34: {  	s10 =	rddreg [dreg:$0x6];
	[sflag:s22] =	ssyncadd.s32 $0xFFFFD800  }
0x35: {  	[spmem:s10] =	stream.linear.scatter [tilespmem:s23], [sflag:$0x5], $0x2800, $0x38;
	[tilespmem:$0x1D100] =	vst v63  }
0x36: {  	_ =	swait.ge [sflag:s22], $0x2800  }
0x37: {  	[sflag:s22] =	ssyncset.done $0x0  }
0x38: {  	s11 =	rddreg [dreg:$0x7];
	[sflag:s22] =	ssyncadd.s32 $0xFFFFD800  }
0x39: {  	[spmem:s11] =	stream.linear.scatter [tilespmem:s23], [sflag:$0x5], $0x2800, $0x38;
	[tilespmem:$0x1D100] =	vst v63  }
0x3a: {  	_ =	swait.ge [sflag:s22], $0x2800  }
0x3b: {  	[sflag:s22] =	ssyncset.done $0x0  }
0x3c: {  	s21 =	rddreg [dreg:$0x8];
	[sflag:s22] =	ssyncadd.s32 $0xFFFFD800  }
0x3d: {  	[spmem:s21] =	stream.linear.scatter [tilespmem:s23], [sflag:$0x5], $0x2800, $0x38;
	[tilespmem:$0x1D100] =	vst v63  }
0x3e: {  	_ =	swait.ge [sflag:s22], $0x2800  }
0x3f: {  	[sflag:s22] =	ssyncset.done $0x0  }
0x40: {  	[sflag:s22] =	ssyncadd.s32 $0xFFFFD800  }
0x41: {  	[spmem:s12] =	stream.linear.scatter [tilespmem:s23], [sflag:$0x5], $0x2800, $0x38;
	[tilespmem:$0x1D100] =	vst v63  }
0x42: {  	_ =	swait.ge [sflag:s22], $0x2800  }
0x43: {  	[sflag:s22] =	ssyncset.done $0x0  }
0x44: {  	[sflag:s22] =	ssyncadd.s32 $0xFFFFD800  }
0x45: {  	[spmem:s13] =	stream.linear.scatter [tilespmem:s23], [sflag:$0x5], $0x2800, $0x38;
	[tilespmem:$0x1D100] =	vst v63  }
0x46: {  	_ =	swait.ge [sflag:s22], $0x2800  }
0x47: {  	[sflag:s22] =	ssyncset.done $0x0  }
0x48: {  	[sflag:s22] =	ssyncadd.s32 $0xFFFFD800  }
0x49: {  	[spmem:s14] =	stream.linear.scatter [tilespmem:s23], [sflag:$0x5], $0x2800, $0x38;
	[tilespmem:$0x1D100] =	vst v63  }
0x4a: {  	_ =	swait.ge [sflag:s22], $0x2800  }
0x4b: {  	[sflag:s22] =	ssyncset.done $0x0  }
0x4c: {  	[sflag:s22] =	ssyncadd.s32 $0xFFFFD800  }
0x4d: {  	s8 =	simm.s32 $0x0;
	[bflag:$0x0] =	sbarrier.arrive $0xFFFF  }
0x4e: {  	[tilespmem:s24], [sflag:$0x5] =	stream.linear.gather [hbm4b:s15+s8], $0x50, $0x38;
	[tilespmem:$0x1D100] =	vst v63  }
0x4f: {  	_ =	swait.ge [sflag:s22], $0x50  }
0x50: {  	[sflag:s22] =	ssyncset.done $0x0  }
0x51: {  	[sflag:s22] =	ssyncadd.s32 $0xFFFFFFB0  }
0x52: {  	[tilespmem:s23], [sflag:$0x1] =	stream.indirect.gather [hbm4b:s4+s25], $0x80, s24, s25, $0xb8;
	[tilespmem:$0x1D100] =	vst v63  }
0x53: {  	_ = 	snop  }
0x54: {  	[tilespmem:s26], [sflag:$0x5] =	stream.linear.gather [hbm4b:s16+s8], $0x50, $0x38;
	[tilespmem:$0x1D100] =	vst v63  }
0x55: {  	_ =	swait.ge [sflag:s22], $0x50  }
0x56: {  	[sflag:s22] =	ssyncset.done $0x0  }
0x57: {  	[sflag:s22] =	ssyncadd.s32 $0xFFFFFFB0  }
0x58: {  	[tilespmem:s28], [sflag:$0x2] =	stream.indirect.gather [hbm4b:s4+s25], $0x80, s26, s25, $0xb8;
	[tilespmem:$0x1D100] =	vst v63  }
0x59: {  	_ =	swait.ge [sflag:s29], $0x2800  }
0x5a: {  	s10 =	sshrl.u32 s9, $0x3;
	[sflag:s29] =	ssyncset.done $0x0  }
0x5b: {  	s6 =	sadd.s32 s5, s10;
	[sflag:s29] =	ssyncadd.s32 $0xFFFFD800  }
0x5c: {  	[tilespmem:s24], [sflag:$0x3] =	stream.linear.gather [hbm4b:s6+s3], $0x50, $0x38;
	[tilespmem:$0x1D100] =	vst v63  }
0x5d: {  	s11 =	simm.s32 $0x0  }
0x5e: {  	[spmem:s2] =	stream.indirect.scatter.add.f32 [tilespmem:s23], [sflag:$0x5], $0x80, s11, s25, $0xb8;
	[tilespmem:$0x1D100] =	vst v63  }
0x5f: {  	_ =	swait.ge [sflag:s22], $0x2800  }
0x60: {  	[sflag:s22] =	ssyncset.done $0x0  }
0x61: {  	[sflag:s22] =	ssyncadd.s32 $0xFFFFD800  }
0x62: {  	_ =	swait.ge [sflag:s30], $0x50  }
0x63: {  	[sflag:s30] =	ssyncset.done $0x0  }
0x64: {  	[sflag:s30] =	ssyncadd.s32 $0xFFFFFFB0  }
0x65: {  	[tilespmem:s23], [sflag:$0x1] =	stream.indirect.gather [hbm4b:s4+s25], $0x80, s24, s25, $0xb8;
	[tilespmem:$0x1D100] =	vst v63  }
0x66: {  	_ =	swait.ge [sflag:s31], $0x2800  }
0x67: {  	[sflag:s31] =	ssyncset.done $0x0  }
0x68: {  	s21 =	sadd.s32 $0x0, s20;
	[sflag:s31] =	ssyncadd.s32 $0xFFFFD800  }
0x69: {  	[tilespmem:s26], [sflag:$0x4] =	stream.linear.gather [hbm4b:s21+s3], $0x50, $0x38;
	[tilespmem:$0x1D100] =	vst v63  }
0x6a: {  	s6 =	simm.s32 $0x80  }
0x6b: {  	[spmem:s2] =	stream.indirect.scatter.add.f32 [tilespmem:s28], [sflag:$0x5], $0x80, s6, s25, $0xb8;
	[tilespmem:$0x1D100] =	vst v63  }
0x6c: {  	_ =	swait.ge [sflag:s22], $0x2800  }
0x6d: {  	[sflag:s22] =	ssyncset.done $0x0  }
0x6e: {  	[sflag:s22] =	ssyncadd.s32 $0xFFFFD800  }
0x6f: {  	_ =	swait.ge [sflag:s0], $0x50  }
0x70: {  	s8 =	simm.s32 $0x14;
	s21 =	smov.u32 s9;
	[sflag:s0] =	ssyncset.done $0x0  }
.LBB2_4:
0x71: {  	[sflag:s0] =	ssyncadd.s32 $0xFFFFFFB0  }
0x72: {  	s6 =	sadd.s32 $0x100, s6;
	s21 =	sadd.s32 $0xA0, s21;
	s10 =	smov.u32 s8  }
0x73: {  	[tilespmem:s28], [sflag:$0x2] =	stream.indirect.gather [hbm4b:s4+s25], $0x80, s26, s25, $0xb8;
	[tilespmem:$0x1D100] =	vst v63  }
0x74: {  	p0 =	sne.s32 s8, $0x4B0;
	s8 =	sadd.s32 $0x14, s8;
	_ =	swait.ge [sflag:s29], $0x2800  }
0x75: {  	s11 =	sshrl.u32 s21, $0x3;
	[sflag:s29] =	ssyncset.done $0x0  }
0x76: {  	s11 =	sadd.s32 s5, s11;
	[sflag:s29] =	ssyncadd.s32 $0xFFFFD800  }
0x77: {  	[tilespmem:s24], [sflag:$0x3] =	stream.linear.gather [hbm4b:s11+s3], $0x50, $0x38;
	[tilespmem:$0x1D100] =	vst v63  }
0x78: {  	s11 =	sadd.s32 $0xFFFFFF80, s6  }
0x79: {  	[spmem:s2] =	stream.indirect.scatter.add.f32 [tilespmem:s23], [sflag:$0x5], $0x80, s11, s25, $0xb8;
	[tilespmem:$0x1D100] =	vst v63  }
0x7a: {  	_ =	swait.ge [sflag:s22], $0x2800  }
0x7b: {  	[sflag:s22] =	ssyncset.done $0x0  }
0x7c: {  	[sflag:s22] =	ssyncadd.s32 $0xFFFFD800  }
0x7d: {  	_ =	swait.ge [sflag:s30], $0x50  }
0x7e: {  	[sflag:s30] =	ssyncset.done $0x0  }
0x7f: {  	[sflag:s30] =	ssyncadd.s32 $0xFFFFFFB0  }
0x80: {  	[tilespmem:s23], [sflag:$0x1] =	stream.indirect.gather [hbm4b:s4+s25], $0x80, s24, s25, $0xb8;
	[tilespmem:$0x1D100] =	vst v63  }
0x81: {  	_ =	swait.ge [sflag:s31], $0x2800  }
0x82: {  	[sflag:s31] =	ssyncset.done $0x0  }
0x83: {  	s10 =	sadd.s32 s10, s20;
	[sflag:s31] =	ssyncadd.s32 $0xFFFFD800  }
0x84: {  	[tilespmem:s26], [sflag:$0x4] =	stream.linear.gather [hbm4b:s10+s3], $0x50, $0x38;
	[tilespmem:$0x1D100] =	vst v63  }
0x85: {  	_ = 	snop  }
0x86: {  	[spmem:s2] =	stream.indirect.scatter.add.f32 [tilespmem:s28], [sflag:$0x5], $0x80, s6, s25, $0xb8;
	[tilespmem:$0x1D100] =	vst v63  }
.Ltmp1:
0x87: {  	_ =	swait.ge [sflag:s22], $0x2800;
	(pc) =	sbr.rel @p0 .LBB2_4-.Ltmp1, $4  }
0x88: {  	[sflag:s22] =	ssyncset.done $0x0  }
0x89: {  	[sflag:s22] =	ssyncadd.s32 $0xFFFFD800  }
0x8a: {  	_ =	swait.ge [sflag:s0], $0x50  }
0x8b: {  	[sflag:s0] =	ssyncset.done $0x0  }
0x8c: {  	[sflag:s0] =	ssyncadd.s32 $0xFFFFFFB0  }
0x8d: {  	[tilespmem:s28], [sflag:$0x2] =	stream.indirect.gather [hbm4b:s4+s25], $0x80, s26, s25, $0xb8;
	[tilespmem:$0x1D100] =	vst v63  }
0x8e: {  	_ =	swait.ge [sflag:s29], $0x2800  }
0x8f: {  	[sflag:s29] =	ssyncset.done $0x0  }
0x90: {  	[sflag:s29] =	ssyncadd.s32 $0xFFFFD800  }
0x91: {  	[tilespmem:s24], [sflag:$0x3] =	stream.linear.gather [hbm4b:s19+s3], $0x50, $0x38;
	[tilespmem:$0x1D100] =	vst v63  }
0x92: {  	s6 =	simm.s32 $0x3D00  }
0x93: {  	[spmem:s2] =	stream.indirect.scatter.add.f32 [tilespmem:s23], [sflag:$0x5], $0x80, s6, s25, $0xb8;
	[tilespmem:$0x1D100] =	vst v63  }
0x94: {  	_ =	swait.ge [sflag:s22], $0x2800  }
0x95: {  	[sflag:s22] =	ssyncset.done $0x0  }
0x96: {  	[sflag:s22] =	ssyncadd.s32 $0xFFFFD800  }
0x97: {  	_ =	swait.ge [sflag:s30], $0x50  }
0x98: {  	[sflag:s30] =	ssyncset.done $0x0  }
0x99: {  	[sflag:s30] =	ssyncadd.s32 $0xFFFFFFB0  }
0x9a: {  	[tilespmem:s23], [sflag:$0x1] =	stream.indirect.gather [hbm4b:s4+s25], $0x80, s24, s25, $0xb8;
	[tilespmem:$0x1D100] =	vst v63  }
0x9b: {  	_ =	swait.ge [sflag:s31], $0x2800  }
0x9c: {  	[sflag:s31] =	ssyncset.done $0x0  }
0x9d: {  	s10 =	simm.s32 $0x3D80;
	[sflag:s31] =	ssyncadd.s32 $0xFFFFD800  }
0x9e: {  	[spmem:s2] =	stream.indirect.scatter.add.f32 [tilespmem:s28], [sflag:$0x5], $0x80, s10, s25, $0xb8;
	[tilespmem:$0x1D100] =	vst v63  }
0x9f: {  	_ =	swait.ge [sflag:s22], $0x2800  }
0xa0: {  	[sflag:s22] =	ssyncset.done $0x0  }
0xa1: {  	[sflag:s22] =	ssyncadd.s32 $0xFFFFD800  }
0xa2: {  	_ =	swait.ge [sflag:s29], $0x2800  }
0xa3: {  	[sflag:s29] =	ssyncset.done $0x0  }
0xa4: {  	s11 =	simm.s32 $0x3E00;
	[sflag:s29] =	ssyncadd.s32 $0xFFFFD800  }
0xa5: {  	[spmem:s2] =	stream.indirect.scatter.add.f32 [tilespmem:s23], [sflag:$0x5], $0x80, s11, s25, $0xb8;
	[tilespmem:$0x1D100] =	vst v63  }
0xa6: {  	s21 =	stileid.u32;
	_ =	swait.ge [sflag:s22], $0x2800  }
0xa7: {  	s8 =	sshrl.u32 s7, $0x3;
	s1 =	sadd.s32 $0x1, s1;
	[sflag:s22] =	ssyncset.done $0x0  }
0xa8: {  	p0 =	sne.s32 s1, s18;
	s6 =	sshll.u32 s21, $0x6;
	[sflag:s22] =	ssyncadd.s32 $0xFFFFD800  }
.Ltmp2:
0xa9: {  	s6 =	sor.u32 $0x1C05, s6;
	[bflag:$0x0] =	sbarrier.arrive $0xFFFF;
	(pc) =	sbr.rel @p0 .LBB2_1-.Ltmp2, $4  }
0xaa: {  	[hbm:s17], [sflag:s6] =	dma.local [spmem:s8], $0x2800  }
0xab: {  	_ =	swait.ge [sflag:s22], $0x2800  }
0xac: {  	[sflag:s22] =	ssyncset.done $0x0  }
0xad: {  	[sflag:s22] =	ssyncadd.s32 $0xFFFFD800  }
0xae: {  	_ =	sfence.sel $0x180000  }
0xaf: {  	[bflag:$0x0] =	sbarrier.arrive $0xFFFF  }
0xb0: {  	_ =	strace $0x9000004D  }
0xb1: {  	s0 =	stileid.u32;
	[bflag:$0x2] =	sbarrier.arrive $0xFFFF  }
0xb2: {  	p0 =	sne.s32 s0, $0x0;
	s0 =	rddreg [dreg:$0x3]  }
0xb3: {  	s0 =	sadd.s32 @!p0 $0x100000, s0  }
0xb4: {  	[sflag:s0] =	ssyncadd.tile.s32 @!p0 $0x1;
	_ =	shalt  }
.Lfunc_end2:
_tile_overlayer_lowered:
.L_overlay_start_2:
0xb5: {  	(tag) =	ssettag $0x2  }
0xb6: {  	s0 =	rddreg [dreg:$0x0];
	s2 =	stileid.u32  }
0xb7: {  	s1 =	rddreg [dreg:$0x1];
	p0 =	sne.s32 s2, $0x0  }
0xb8: {  	s3 =	rddreg [dreg:$0x2];
	[bflag:$0x3] =	sbarrier.arrive $0xFFFF;
	s2 =	simm.s32 @!p0 $0x1C05  }
0xb9: {  	[timem:s3], [sflag:s2] =	dma.local @!p0 [hbm:s0], s1  }
0xba: {  	s0 =	simm.s32 @!p0 $0x5  }
0xbb: {  	_ =	swait.ge @!p0 [sflag:s0], s1  }
0xbc: {  	s1 =	ssub.s32 @!p0 $0x0, s1;
	[sflag:s0] =	ssyncset.done @!p0 $0x0  }
0xbd: {  	[sflag:s0] =	ssyncadd.s32 @!p0 s1  }
0xbe: {  	[bflag:$0x3] =	sbarrier.arrive $0xFFFF  }
0xbf: {  	_ =	shalt  }

// kernel: kernel.8.cloned.1.call-start
scs
__scs_entry_jumppad:
0x0: {  	(pc) =	sbr.rel $0x88, $3  }
0x1: {  	(tag) =	ssettag $0x0;
	lr =	simm.s32 $0x1  }
0x2: {  	[smem:$0x3F9B] =	sst lr;
	_ =	strace $0xD0000000  }
0x3: {  	_ = 	snop  }
0x4: {  	_ = 	snop  }
0x5: {  	_ = 	snop  }
0x6: {  	_ = 	snop  }
0x7: {  	_ = 	snop  }
__scs_overlays_trampoline_lowered:
0x8: {  	[smem:$0x3FAA] =	sst s0  }
0x9: {  	[smem:$0x3FAB] =	sst s1  }
0xa: {  	[smem:$0x3FAC] =	sst s2  }
0xb: {  	[smem:$0x3FAD] =	sst s3  }
0xc: {  	[smem:$0x3FAE] =	sst s4  }
0xd: {  	[smem:$0x3FAF] =	sst s5  }
0xe: {  	[smem:$0x3FB0] =	sst s6  }
0xf: {  	[smem:$0x3FB1] =	sst s7  }
0x10: {  	[smem:$0x3FB2] =	sst s8  }
0x11: {  	[smem:$0x3FB3] =	sst s9;
	s0 =	simm.s32 @!p0 $0x0  }
0x12: {  	s1 =	sld [smem:$0x3F99];
	s0 =	simm.s32 @p0 $0x1  }
0x13: {  	[smem:$0x3FB4] =	sst s0;
	s0 =	simm.s32 @!p1 $0x0  }
0x14: {  	s2 =	sld [smem:$0x3F98];
	s0 =	simm.s32 @p1 $0x1  }
0x15: {  	[smem:$0x3FB5] =	sst s0;
	s0 =	simm.s32 @!p2 $0x0  }
0x16: {  	s3 =	sld [smem:$0x3FDB];
	s0 =	simm.s32 @p2 $0x1  }
0x17: {  	s4 =	simm.s32 $0x1BF5;
	[smem:$0x3FB7] =	sst s0  }
0x18: {  	s0 =	sld [smem:$0x3F9A];
	_ =	swait.ge [sflag:s4], $0x0  }
0x19: {  	s7 =	sld [smem:$0x3F9B]  }
0x1a: {  	s8 =	sadd.s32 $0xFFFFE003, lr  }
0x1b: {  	s9 =	sadd.s32 $0xFFFFFEF7, lr;
	s5 =	simm.s32 $0xFFFFFFFF;
	p2 =	slt.u32 s8, $0xFFFFF086  }
0x1c: {  	p1 =	slt.u32 s9, $0xF7A;
	s5 =	simm.s32 @!p2 $0x0  }
0x1d: {  	s5 =	simm.s32 @p1 $0x1;
	p0 =	seq.s32 s7, s2  }
0x1e: {  	s7 =	smul.u32 @!p0 $0xF7A, s2;
	p2 =	seq.s32 @!p0 s5, $0x0  }
0x1f: {  	s9 =	smul.u32 $0xF7A, s1;
	s8 =	simm.s32 @!p0 $0x1BF5;
	p2 =	por !p2, p0  }
0x20: {  	[sflag:s8] =	ssyncset.s32 @!p0 $0xFFFFF086;
	s6 =	sadd.s32 @!p0 s3, s7;
	s7 =	simm.s32 @!p0 $0x108  }
0x21: {  	s3 =	sadd.s32 s3, s9;
	s6 =	sadd.s32 @!p0 $0x88, s6;
	s7 =	simm.s32 @p2 $0x1082  }
0x22: {  	[simem:s7], [sflag:s8] =	dma.local @!p0 [hbm:s6], $0xF7A  }
0x23: {  	s9 =	sor.u32 $0xD0000000, s2;
	s6 =	simm.s32 $0x108;
	_ =	swait.ge @!p0 [sflag:s8], $0x0  }
0x24: {  	s3 =	sadd.s32 $0x88, s3;
	s6 =	simm.s32 @!p1 $0x1082;
	[sflag:s4] =	ssyncset.s32 $0xFFFFF086  }
0x25: {  	[simem:s6], [sflag:s4] =	dma.local [hbm:s3], $0xF7A  }
0x26: {  	[smem:$0x3F9B] =	sst s1;
	(tag) =	ssettag s2;
	_ =	strace s9  }
0x27: {  	s1 =	sld [smem:$0x3FAB]  }
0x28: {  	s2 =	sld [smem:$0x3FAC]  }
0x29: {  	s4 =	sld [smem:$0x3FAE]  }
0x2a: {  	p0 =	seq.s32 s5, $0x0;
	s5 =	sld [smem:$0x3FAF]  }
0x2b: {  	s6 =	sld [smem:$0x3FB0]  }
0x2c: {  	s7 =	sld [smem:$0x3FB1]  }
0x2d: {  	s3 =	simm.s32 $0x108;
	s8 =	sld [smem:$0x3FB2]  }
0x2e: {  	s3 =	simm.s32 @!p0 $0x1082;
	s9 =	sld [smem:$0x3FB3]  }
0x2f: {  	lr =	sadd.s32 s0, s3;
	s0 =	sld [smem:$0x3FAA]  }
0x30: {  	s3 =	sld [smem:$0x3FAD]  }
0x31: {  	[smem:$0x3FB6] =	sst s10  }
0x32: {  	s10 =	sld [smem:$0x3FB4];
	_ =	sdelay $0x3  }
0x33: {  	p0 =	seq.s32 s10, $0x1;
	s10 =	sld [smem:$0x3FB6];
	_ =	sdelay $0x3  }
0x34: {  	[smem:$0x3FB6] =	sst s10  }
0x35: {  	s10 =	sld [smem:$0x3FB5];
	_ =	sdelay $0x3  }
0x36: {  	p1 =	seq.s32 s10, $0x1;
	s10 =	sld [smem:$0x3FB6];
	_ =	sdelay $0x3  }
0x37: {  	[smem:$0x3FB6] =	sst s10  }
0x38: {  	s10 =	sld [smem:$0x3FB7]  }
0x39: {  	_ = 	snop;
	(pc) =	sbr.ind lr, $3  }
0x3a: {  	_ = 	snop  }
0x3b: {  	_ = 	snop  }
0x3c: {  	p2 =	seq.s32 s10, $0x1;
	s10 =	sld [smem:$0x3FB6]  }
0x3d: {  	_ =	shalt  }
0x3e: {  	_ =	shalt  }
0x3f: {  	_ =	shalt  }
0x40: {  	_ =	shalt  }
0x41: {  	_ =	shalt  }
0x42: {  	_ =	shalt  }
0x43: {  	_ =	shalt  }
0x44: {  	_ =	shalt  }
0x45: {  	_ =	shalt  }
0x46: {  	_ =	shalt  }
0x47: {  	_ =	shalt  }
0x48: {  	_ =	shalt  }
0x49: {  	_ =	shalt  }
0x4a: {  	_ =	shalt  }
0x4b: {  	_ =	shalt  }
0x4c: {  	_ =	shalt  }
0x4d: {  	_ =	shalt  }
0x4e: {  	_ =	shalt  }
0x4f: {  	_ =	shalt  }
0x50: {  	_ =	shalt  }
0x51: {  	_ =	shalt  }
0x52: {  	_ =	shalt  }
0x53: {  	_ =	shalt  }
0x54: {  	_ =	shalt  }
0x55: {  	_ =	shalt  }
0x56: {  	_ =	shalt  }
0x57: {  	_ =	shalt  }
0x58: {  	_ =	shalt  }
0x59: {  	_ =	shalt  }
0x5a: {  	_ =	shalt  }
0x5b: {  	_ =	shalt  }
0x5c: {  	_ =	shalt  }
0x5d: {  	_ =	shalt  }
0x5e: {  	_ =	shalt  }
0x5f: {  	_ =	shalt  }
0x60: {  	_ =	shalt  }
0x61: {  	_ =	shalt  }
0x62: {  	_ =	shalt  }
0x63: {  	_ =	shalt  }
0x64: {  	_ =	shalt  }
0x65: {  	_ =	shalt  }
0x66: {  	_ =	shalt  }
0x67: {  	_ =	shalt  }
0x68: {  	_ =	shalt  }
0x69: {  	_ =	shalt  }
0x6a: {  	_ =	shalt  }
0x6b: {  	_ =	shalt  }
0x6c: {  	_ =	shalt  }
0x6d: {  	_ =	shalt  }
0x6e: {  	_ =	shalt  }
0x6f: {  	_ =	shalt  }
0x70: {  	_ =	shalt  }
0x71: {  	_ =	shalt  }
0x72: {  	_ =	shalt  }
0x73: {  	_ =	shalt  }
0x74: {  	_ =	shalt  }
0x75: {  	_ =	shalt  }
0x76: {  	_ =	shalt  }
0x77: {  	_ =	shalt  }
0x78: {  	_ =	shalt  }
0x79: {  	_ =	shalt  }
0x7a: {  	_ =	shalt  }
0x7b: {  	_ =	shalt  }
0x7c: {  	_ =	shalt  }
0x7d: {  	_ =	shalt  }
0x7e: {  	_ =	shalt  }
0x7f: {  	_ =	shalt  }
0x80: {  	_ =	shalt  }
0x81: {  	_ =	shalt  }
0x82: {  	_ =	shalt  }
0x83: {  	_ =	shalt  }
0x84: {  	_ =	shalt  }
0x85: {  	_ =	shalt  }
0x86: {  	_ =	shalt  }
0x87: {  	_ =	shalt  }
.Lfunc_end0:
.L_simem_size_0:
called_computation_lowered:
.L_overlay_start_0:
0x88: {  	s2 =	sld [smem:$0x3FD9]  }
0x89: {  	s3 =	sld [smem:$0x3FFE];
	_ =	sdelay $0x1  }
0x8a: {  	s1 =	srdreg.scid  }
0x8b: {  	s0 =	sand.u32 $0x1, s1  }
0x8c: {  	s17 =	sshll.u32 s0, $0xA;
	s2 =	sadd.s32 s3, s2  }
0x8d: {  	s2 =	sadd.s32 s2, s17  }
0x8e: {  	[smem:$0x3FC2] =	sst s2  }
0x8f: {  	_ = 	snop  }
0x90: {  	s2 =	sld [smem:$0x3FD0];
	(tm) =	ssettm $0x1  }
0x91: {  	s18 =	sld [smem:$0x3FFB];
	_ =	sdelay $0x3  }
0x92: {  	_ =	strace s18  }
0x93: {  	s3 =	sld [smem:$0x3FFC];
	_ =	sdelay $0x3  }
0x94: {  	_ =	strace s3  }
0x95: {  	s3 =	sld [smem:$0x3FFD];
	_ =	sdelay $0x3  }
0x96: {  	_ =	strace s3  }
0x97: {  	_ =	strace $0x8FFFFFFF  }
0x98: {  	s19 =	sld [smem:$0x3FDB];
	_ =	sdelay $0x1  }
0x99: {  	s4 =	simm.s32 $_scs_section_size  }
0x9a: {  	s5 =	simm.s32 $_size__tile_overlayer_lowered;
	s6 =	simm.s32 $_tile_overlayer_lowered  }
0x9b: {  	s22 =	simm.s32 $0x1BFF;
	s21 =	sshll.u32 s6, $0x1;
	s3 =	sadd.s32 s4, s19  }
0x9c: {  	s7 =	simm.s32 $0x0;
	s20 =	sshll.u32 s5, $0x1;
	s5 =	sadd.s32 s21, s3  }
0x9d: {  	[timem:s7], [sflag:s22] =	dma.local [hbm:s5], s20  }
0x9e: {  	_ =	swait.ge [sflag:s22], s20  }
0x9f: {  	s4 =	ssub.s32 $0x0, s20;
	[sflag:s22] =	ssyncset.done $0x0  }
0xa0: {  	[sflag:s22] =	ssyncadd.s32 s4;
	_ =	sdelay $0x1  }
0xa1: {  	s23 =	simm.s32 $0x1B8B  }
0xa2: {  	_ =	swait.ge [sflag:s23], $0x1  }
0xa3: {  	[sflag:s23] =	ssyncset.done $0x0  }
0xa4: {  	s25 =	simm.s32 $0x1B8E;
	s24 =	sld [smem:$0x3FFE];
	[sflag:s23] =	ssyncadd.s32 $0xFFFFFFFF  }
0xa5: {  	s26 =	simm.s32 $execute0_lowered;
	[smem:$0x3FD2] =	sst s25  }
0xa6: {  	s5 =	sshll.u32 s26, $0x1;
	_ =	strace $0x80000046;
	[dreg:$0x1] =	wrdreg $0xFFFFFFFF  }
0xa7: {  	s28 =	simm.s32 $_size_execute0_lowered;
	s3 =	sadd.s32 s3, s5;
	[dreg:$0x0] =	wrdreg $0x0  }
0xa8: {  	s5 =	sshll.u32 s28, $0x1;
	[dreg:$0x2] =	wrdreg s3  }
0xa9: {  	[dreg:$0x3] =	wrdreg s5  }
0xaa: {  	[dreg:$0x4] =	wrdreg $0xC0  }
0xab: {  	_ =	task [dreg:s7], $0x5FFFF  }
0xac: {  	[dreg:$0x1] =	wrdreg $0xFFFFFFFF  }
0xad: {  	[dreg:$0x0] =	wrdreg $0x60  }
0xae: {  	[dreg:$0x2] =	wrdreg s2  }
0xaf: {  	[dreg:$0x3] =	wrdreg s24  }
0xb0: {  	[dreg:$0x4] =	wrdreg $0x90000  }
0xb1: {  	[dreg:$0x5] =	wrdreg $0x9  }
0xb2: {  	_ =	task.clear_ibuf [dreg:s7], $0x6FFFF;
	_ =	strace $0x90000046  }
0xb3: {  	s29 =	simm.s32 $0x9;
	_ =	strace $0x80000048  }
0xb4: {  	_ =	swait.ge [sflag:s29], $0x1  }
0xb5: {  	[sflag:s29] =	ssyncadd.s32 $0xFFFFFFFF  }
0xb6: {  	_ =	strace $0x90000048  }
0xb7: {  	_ =	sfence  }
0xb8: {  	s30 =	sld [smem:$0x0];
	_ =	sdelay $0x2  }
0xb9: {  	s31 =	sshll.u32 s1, $0xD;
	s1 =	sshrl.u32 s1, $0x2  }
0xba: {  	s3 =	sand.u32 $0x4000, s31;
	s1 =	sadd.s32 s1, s30  }
0xbb: {  	s0 =	sor.u32 s3, s0;
	s1 =	sshll.u32 s1, $0x11  }
0xbc: {  	s0 =	sor.u32 s1, s0  }
0xbd: {  	s0 =	sadd.s32 $0x8F2B, s0  }
0xbe: {  	[sflag:s0] =	ssyncadd.remote.s32 $0x1  }
0xbf: {  	_ =	sfence.sel $0xFFFF  }
0xc0: {  	[dreg:$0x0] =	wrdreg $0xFFFFFFFF;
	(pc) =	sbr.abs _section_cstart, $3  }
0xc1: {  	[dreg:$0x1] =	wrdreg $0xFFFFFFFF  }
0xc2: {  	_ =	task.clear_ibuf [dreg:s7], $0x2FFFF;
	_ =	strace $0x9FFFFFFF  }
0xc3: {  	(tm) =	ssettm $0x7FFFFFFF  }
tec
execute0_lowered:
.L_overlay_start_1:
0x0: {  	(tag) =	ssettag $0x1  }
0x1: {  	s4 =	rddreg [dreg:$0x0];
	s1 =	srdreg.scid  }
0x2: {  	s0 =	stileid.u32;
	s5 =	rddreg [dreg:$0x1]  }
0x3: {  	s2 =	rddreg [dreg:$0x2];
	s3 =	simm.s32 $0x0;
	s15 =	simm.s32 $0x2  }
0x4: {  	s16 =	simm.s32 $0x6800;
	s17 =	simm.s32 $0x50;
	s18 =	simm.s32 $0x4000  }
0x5: {  	s19 =	simm.s32 $0x80;
	s20 =	simm.s32 $0x100;
	s21 =	simm.s32 $0x180  }
0x6: {  	s22 =	simm.s32 $0x200;
	s23 =	simm.s32 $0x280;
	s24 =	simm.s32 $0x300  }
0x7: {  	s25 =	simm.s32 $0x380;
	s26 =	simm.s32 $0x1;
	s28 =	simm.s32 $0x0  }
0x8: {  	s6 =	sand.u32 $0x1, s1;
	s7 =	smul.u32 $0x2800, s0;
	s1 =	rddreg [dreg:$0x3]  }
0x9: {  	[smem:$0x7FF] =	sst s3;
	s29 =	smul.u32 $0x50000, s0;
	s9 =	sshll.u32 s0, $0xB  }
0xa: {  	s8 =	smul.u32 $0x28000, s6;
	_ =	strace $0x80000047;
	s30 =	ssub.s32 $0x2, s6  }
0xb: {  	s6 =	sshll.u32 s6, $0xF;
	s9 =	sadd.s32 s4, s9;
	s31 =	sshrl.u32 s30, $0x1  }
0xc: {  	s7 =	sadd.s32 s7, s8;
	s8 =	sshrl.u32 s29, $0x2;
	s14 =	ssub.s32 s30, s31  }
0xd: {  	s13 =	sadd.s32 s7, s5;
	s4 =	sadd.s32 s8, s2;
	s5 =	sadd.s32 s6, s9  }
0xe: {  	s14 =	smax.u32 s14, $0x1;
	s6 =	sadd.s32 $0x2800, s4;
	s7 =	sadd.s32 $0x5000, s4  }
0xf: {  	s8 =	sadd.s32 $0x7800, s4;
	s9 =	sadd.s32 $0xA000, s4;
	s10 =	sadd.s32 $0xC800, s4  }
0x10: {  	v0 =	vimm.f32 $1.000000000e+00;
	v1 =	vimm.f32 $0.0e+00;
	s11 =	sadd.s32 $0xF000, s4;
	s12 =	sadd.s32 $0x11800, s4;
	s13 =	sadd.s32 $0xBC00, s13  }
.LBB2_1:
0x11: {  	s29 =	simm.s32 $0x0;
	s30 =	simm.s32 $0x200  }
.LBB2_2:
0x12: {  	p0 =	sne.s32 s30, $0x9E00;
	[tilespmem:s29+$0x4070] =	vst v0  }
0x13: {  	[tilespmem:s29+$0x4000] =	vst v0  }
0x14: {  	[tilespmem:s29+$0x4010] =	vst v0  }
.Ltmp0:
0x15: {  	[tilespmem:s29+$0x4020] =	vst v0;
	(pc) =	sbr.rel @p0 .LBB2_2-.Ltmp0, $4  }
0x16: {  	[tilespmem:s29+$0x4030] =	vst v0  }
0x17: {  	[tilespmem:s29+$0x4040] =	vst v0  }
0x18: {  	[tilespmem:s29+$0x4050] =	vst v0  }
0x19: {  	[tilespmem:s29+$0x4060] =	vst v0;
	s29 =	sshra.s32 s30, $0x2;
	s30 =	sadd.s32 $0x200, s30  }
0x1a: {  	[tilespmem:s29+$0x4070] =	vst v0  }
0x1b: {  	[tilespmem:s29+$0x4000] =	vst v0  }
0x1c: {  	[tilespmem:s29+$0x4010] =	vst v0  }
0x1d: {  	[tilespmem:s29+$0x4020] =	vst v0  }
0x1e: {  	[tilespmem:s29+$0x4030] =	vst v0  }
0x1f: {  	[tilespmem:s29+$0x4040] =	vst v0  }
0x20: {  	[tilespmem:s29+$0x4050] =	vst v0  }
0x21: {  	[tilespmem:s29+$0x4060] =	vst v0;
	s29 =	simm.s32 $0x0  }
0x22: {  	[tilespmem:s29], [sflag:$0x2] =	stream.linear.gather [hbm4b:s5+s29], $0x3E80, $0x38;
	[tilespmem:$0x1D000] =	vst v63  }
0x23: {  	_ =	swait.ge [sflag:s15], $0x3E80  }
0x24: {  	[sflag:s15] =	ssyncset.done $0x0  }
0x25: {  	s30 =	simm.s32 $0x200;
	s29 =	simm.s32 $0x0;
	[sflag:s15] =	ssyncadd.s32 $0xFFFFC180  }
.LBB2_4:
0x26: {  	p0 =	sne.s32 s30, $0x9E00;
	[tilespmem:s29+$0x6870] =	vst v1  }
0x27: {  	[tilespmem:s29+$0x6800] =	vst v1  }
0x28: {  	[tilespmem:s29+$0x6810] =	vst v1  }
.Ltmp1:
0x29: {  	[tilespmem:s29+$0x6820] =	vst v1;
	(pc) =	sbr.rel @p0 .LBB2_4-.Ltmp1, $4  }
0x2a: {  	[tilespmem:s29+$0x6830] =	vst v1  }
0x2b: {  	[tilespmem:s29+$0x6840] =	vst v1  }
0x2c: {  	[tilespmem:s29+$0x6850] =	vst v1  }
0x2d: {  	[tilespmem:s29+$0x6860] =	vst v1;
	s29 =	sshra.s32 s30, $0x2;
	s30 =	sadd.s32 $0x200, s30  }
0x2e: {  	[tilespmem:s29+$0x6870] =	vst v1  }
0x2f: {  	[tilespmem:s29+$0x6800] =	vst v1  }
0x30: {  	[tilespmem:s29+$0x6810] =	vst v1  }
0x31: {  	[tilespmem:s29+$0x6820] =	vst v1  }
0x32: {  	[tilespmem:s29+$0x6830] =	vst v1  }
0x33: {  	[tilespmem:s29+$0x6840] =	vst v1  }
0x34: {  	[tilespmem:s29+$0x6850] =	vst v1  }
0x35: {  	[tilespmem:s29+$0x6860] =	vst v1  }
0x36: {  	[spmem:s4] =	stream.linear.scatter [tilespmem:s16], [sflag:$0x2], $0x2800, $0x38;
	[tilespmem:$0x1D000] =	vst v63  }
0x37: {  	_ =	swait.ge [sflag:s15], $0x2800  }
0x38: {  	[sflag:s15] =	ssyncset.done $0x0  }
0x39: {  	[sflag:s15] =	ssyncadd.s32 $0xFFFFD800  }
0x3a: {  	[spmem:s6] =	stream.linear.scatter [tilespmem:s16], [sflag:$0x2], $0x2800, $0x38;
	[tilespmem:$0x1D000] =	vst v63  }
0x3b: {  	_ =	swait.ge [sflag:s15], $0x2800  }
0x3c: {  	[sflag:s15] =	ssyncset.done $0x0  }
0x3d: {  	[sflag:s15] =	ssyncadd.s32 $0xFFFFD800  }
0x3e: {  	[spmem:s7] =	stream.linear.scatter [tilespmem:s16], [sflag:$0x2], $0x2800, $0x38;
	[tilespmem:$0x1D000] =	vst v63  }
0x3f: {  	_ =	swait.ge [sflag:s15], $0x2800  }
0x40: {  	[sflag:s15] =	ssyncset.done $0x0  }
0x41: {  	[sflag:s15] =	ssyncadd.s32 $0xFFFFD800  }
0x42: {  	[spmem:s8] =	stream.linear.scatter [tilespmem:s16], [sflag:$0x2], $0x2800, $0x38;
	[tilespmem:$0x1D000] =	vst v63  }
0x43: {  	_ =	swait.ge [sflag:s15], $0x2800  }
0x44: {  	[sflag:s15] =	ssyncset.done $0x0  }
0x45: {  	[sflag:s15] =	ssyncadd.s32 $0xFFFFD800  }
0x46: {  	[spmem:s9] =	stream.linear.scatter [tilespmem:s16], [sflag:$0x2], $0x2800, $0x38;
	[tilespmem:$0x1D000] =	vst v63  }
0x47: {  	_ =	swait.ge [sflag:s15], $0x2800  }
0x48: {  	[sflag:s15] =	ssyncset.done $0x0  }
0x49: {  	[sflag:s15] =	ssyncadd.s32 $0xFFFFD800  }
0x4a: {  	[spmem:s10] =	stream.linear.scatter [tilespmem:s16], [sflag:$0x2], $0x2800, $0x38;
	[tilespmem:$0x1D000] =	vst v63  }
0x4b: {  	_ =	swait.ge [sflag:s15], $0x2800  }
0x4c: {  	[sflag:s15] =	ssyncset.done $0x0  }
0x4d: {  	[sflag:s15] =	ssyncadd.s32 $0xFFFFD800  }
0x4e: {  	[spmem:s11] =	stream.linear.scatter [tilespmem:s16], [sflag:$0x2], $0x2800, $0x38;
	[tilespmem:$0x1D000] =	vst v63  }
0x4f: {  	_ =	swait.ge [sflag:s15], $0x2800  }
0x50: {  	[sflag:s15] =	ssyncset.done $0x0  }
0x51: {  	[sflag:s15] =	ssyncadd.s32 $0xFFFFD800  }
0x52: {  	[spmem:s12] =	stream.linear.scatter [tilespmem:s16], [sflag:$0x2], $0x2800, $0x38;
	[tilespmem:$0x1D000] =	vst v63  }
0x53: {  	_ =	swait.ge [sflag:s15], $0x2800  }
0x54: {  	[sflag:s15] =	ssyncset.done $0x0  }
0x55: {  	[sflag:s15] =	ssyncadd.s32 $0xFFFFD800  }
0x56: {  	[bflag:$0x0] =	sbarrier.arrive $0xFFFF  }
0x57: {  	[spmem:s2] =	stream.indirect.scatter.add.f32 [tilespmem:s18], [sflag:$0x1], $0x80, s3, s17, $0xb8;
	[tilespmem:$0x1D000] =	vst v63  }
0x58: {  	_ = 	snop  }
0x59: {  	[spmem:s2] =	stream.indirect.scatter.add.f32 [tilespmem:s18], [sflag:$0x1], $0x80, s19, s17, $0xb8;
	[tilespmem:$0x1D000] =	vst v63  }
0x5a: {  	_ = 	snop  }
0x5b: {  	[spmem:s2] =	stream.indirect.scatter.add.f32 [tilespmem:s18], [sflag:$0x1], $0x80, s20, s17, $0xb8;
	[tilespmem:$0x1D000] =	vst v63  }
0x5c: {  	_ = 	snop  }
0x5d: {  	[spmem:s2] =	stream.indirect.scatter.add.f32 [tilespmem:s18], [sflag:$0x1], $0x80, s21, s17, $0xb8;
	[tilespmem:$0x1D000] =	vst v63  }
0x5e: {  	_ = 	snop  }
0x5f: {  	[spmem:s2] =	stream.indirect.scatter.add.f32 [tilespmem:s18], [sflag:$0x1], $0x80, s22, s17, $0xb8;
	[tilespmem:$0x1D000] =	vst v63  }
0x60: {  	_ = 	snop  }
0x61: {  	[spmem:s2] =	stream.indirect.scatter.add.f32 [tilespmem:s18], [sflag:$0x1], $0x80, s23, s17, $0xb8;
	[tilespmem:$0x1D000] =	vst v63  }
0x62: {  	_ = 	snop  }
0x63: {  	[spmem:s2] =	stream.indirect.scatter.add.f32 [tilespmem:s18], [sflag:$0x1], $0x80, s24, s17, $0xb8;
	[tilespmem:$0x1D000] =	vst v63  }
0x64: {  	_ = 	snop  }
0x65: {  	[spmem:s2] =	stream.indirect.scatter.add.f32 [tilespmem:s18], [sflag:$0x1], $0x80, s25, s17, $0xb8;
	[tilespmem:$0x1D000] =	vst v63  }
0x66: {  	_ =	swait.ge [sflag:s26], $0x2800  }
0x67: {  	[sflag:s26] =	ssyncset.done $0x0  }
0x68: {  	s29 =	simm.s32 $0x1200;
	s30 =	simm.s32 $0x400;
	[sflag:s26] =	ssyncadd.s32 $0xFFFFD800  }
.LBB2_6:
0x69: {  	[spmem:s2] =	stream.indirect.scatter.add.f32 [tilespmem:s18], [sflag:$0x1], $0x80, s30, s17, $0xb8;
	[tilespmem:$0x1D000] =	vst v63  }
0x6a: {  	s30 =	smov.u32 s29;
	p0 =	sne.s32 s29, $0xF800  }
.Ltmp2:
0x6b: {  	s29 =	sadd.s32 $0x200, s29;
	(pc) =	sbr.rel @p0 .LBB2_6-.Ltmp2, $4  }
0x6c: {  	_ = 	snop  }
0x6d: {  	_ =	swait.ge [sflag:s26], $0x2800  }
0x6e: {  	[sflag:s26] =	ssyncset.done $0x0  }
0x6f: {  	s30 =	sshra.s32 s30, $0x2;
	[sflag:s26] =	ssyncadd.s32 $0xFFFFD800  }
0x70: {  	[spmem:s2] =	stream.indirect.scatter.add.f32 [tilespmem:s18], [sflag:$0x1], $0x80, s30, s17, $0xb8;
	[tilespmem:$0x1D000] =	vst v63  }
0x71: {  	_ =	swait.ge [sflag:s26], $0x2800  }
0x72: {  	[sflag:s26] =	ssyncset.done $0x0  }
0x73: {  	[sflag:s26] =	ssyncadd.s32 $0xFFFFD800  }
0x74: {  	_ =	swait.ge [sflag:s26], $0x2800  }
0x75: {  	[sflag:s26] =	ssyncset.done $0x0  }
0x76: {  	[sflag:s26] =	ssyncadd.s32 $0xFFFFD800  }
0x77: {  	_ =	swait.ge [sflag:s26], $0x2800  }
0x78: {  	[sflag:s26] =	ssyncset.done $0x0  }
0x79: {  	[sflag:s26] =	ssyncadd.s32 $0xFFFFD800  }
0x7a: {  	_ =	swait.ge [sflag:s26], $0x2800  }
0x7b: {  	[sflag:s26] =	ssyncset.done $0x0  }
0x7c: {  	[sflag:s26] =	ssyncadd.s32 $0xFFFFD800  }
0x7d: {  	_ =	swait.ge [sflag:s26], $0x2800  }
0x7e: {  	[sflag:s26] =	ssyncset.done $0x0  }
0x7f: {  	[sflag:s26] =	ssyncadd.s32 $0xFFFFD800  }
0x80: {  	_ =	swait.ge [sflag:s26], $0x2800  }
0x81: {  	[sflag:s26] =	ssyncset.done $0x0  }
0x82: {  	[sflag:s26] =	ssyncadd.s32 $0xFFFFD800  }
0x83: {  	_ =	swait.ge [sflag:s26], $0x2800  }
0x84: {  	[sflag:s26] =	ssyncset.done $0x0  }
0x85: {  	[sflag:s26] =	ssyncadd.s32 $0xFFFFD800  }
0x86: {  	_ =	swait.ge [sflag:s26], $0x2800  }
0x87: {  	s29 =	sshll.u32 s0, $0x6;
	s28 =	sadd.s32 $0x1, s28;
	[sflag:s26] =	ssyncset.done $0x0  }
0x88: {  	s31 =	sshrl.u32 s4, $0x3;
	p0 =	sne.s32 s28, s14;
	[sflag:s26] =	ssyncadd.s32 $0xFFFFD800  }
.Ltmp3:
0x89: {  	s29 =	sor.u32 $0x1C02, s29;
	[bflag:$0x0] =	sbarrier.arrive $0xFFFF;
	(pc) =	sbr.rel @p0 .LBB2_1-.Ltmp3, $4  }
0x8a: {  	[hbm:s13], [sflag:s29] =	dma.local [spmem:s31], $0x2800  }
0x8b: {  	_ =	swait.ge [sflag:s15], $0x2800  }
0x8c: {  	[sflag:s15] =	ssyncset.done $0x0  }
0x8d: {  	[sflag:s15] =	ssyncadd.s32 $0xFFFFD800  }
0x8e: {  	_ =	sfence.sel $0x180000  }
0x8f: {  	[bflag:$0x0] =	sbarrier.arrive $0xFFFF  }
0x90: {  	p0 =	sne.s32 s0, $0x0;
	_ =	strace $0x90000047  }
0x91: {  	s0 =	sadd.s32 @!p0 $0x100000, s1;
	[bflag:$0x2] =	sbarrier.arrive $0xFFFF  }
0x92: {  	[sflag:s0] =	ssyncadd.tile.s32 @!p0 $0x1;
	_ =	shalt  }
.Lfunc_end2:
_tile_overlayer_lowered:
.L_overlay_start_2:
0x93: {  	(tag) =	ssettag $0x2  }
0x94: {  	s0 =	rddreg [dreg:$0x0];
	s2 =	stileid.u32  }
0x95: {  	s1 =	rddreg [dreg:$0x1];
	p0 =	sne.s32 s2, $0x0  }
0x96: {  	s3 =	rddreg [dreg:$0x2];
	[bflag:$0x3] =	sbarrier.arrive $0xFFFF;
	s2 =	simm.s32 @!p0 $0x1C02  }
0x97: {  	[timem:s3], [sflag:s2] =	dma.local @!p0 [hbm:s0], s1  }
0x98: {  	s0 =	simm.s32 @!p0 $0x2  }
0x99: {  	_ =	swait.ge @!p0 [sflag:s0], s1  }
0x9a: {  	s1 =	ssub.s32 @!p0 $0x0, s1;
	[sflag:s0] =	ssyncset.done @!p0 $0x0  }
0x9b: {  	[sflag:s0] =	ssyncadd.s32 @!p0 s1  }
0x9c: {  	[bflag:$0x3] =	sbarrier.arrive $0xFFFF  }
0x9d: {  	_ =	shalt  }

</sc_bundles>
